<compile_context>
chip_gen: v7x
topology: tpu7x:2x2x1
jax: 0.10.2.dev20260603
libtpu: 0.0.44.dev20260713+nightly
codegen_flags: <defaults>
</compile_context>

<pallas_src>
import functools

import jax
import jax.numpy as jnp
from jax import lax
from jax.experimental import pallas as pl
from jax.experimental.pallas import tpu as pltpu
from jax.experimental.pallas import tpu_sc as plsc

N_NODES = 10000
N_EDGES = 320000
D_FEAT = 128
HIDDEN = 128
N_CLASSES = 64
LN_EPS = 1e-5

NCORE = 2
NSUB = 16
NW = NCORE * NSUB
EPT = N_EDGES // NW
K = 80
NCHUNK = EPT // K
KD = 80
NCHUNKD = EPT // KD
AGG_ROWS = 10240
RPT = AGG_ROWS // NSUB
CPT = AGG_ROWS // NSUB

BROW = 2000

_INV_SQRT2 = 0.7071067811865476


def _gelu_exact(x):
    return 0.5 * x * (1.0 + lax.erf(x * _INV_SQRT2))


def _mlp_body(raw_ref, wm_ref, bm_ref, out_ref):
    xb = lax.dot_general(raw_ref[...], wm_ref[...],
                         (((1,), (1,)), ((), ())),
                         preferred_element_type=jnp.float32)
    out_ref[...] = _gelu_exact(xb + bm_ref[...])


EROWS = N_EDGES // D_FEAT


def _colmod_body(row_ref, col_ref, cm_ref):
    r = row_ref[...]
    c = col_ref[...]
    cm_ref[...] = jnp.where(r == c, jnp.int32(N_NODES), c)


_colmod_call = pl.pallas_call(
    _colmod_body,
    in_specs=[pl.BlockSpec((EROWS, D_FEAT), lambda: (0, 0)),
              pl.BlockSpec((EROWS, D_FEAT), lambda: (0, 0))],
    out_specs=pl.BlockSpec((EROWS, D_FEAT), lambda: (0, 0)),
    out_shape=jax.ShapeDtypeStruct((EROWS, D_FEAT), jnp.int32),
)


def _deg_body(cm_hbm, deg_hbm, col_v, deg_v, dtmp_v, dres_v,
              stage_sh):
    cid = lax.axis_index("c")
    sid = lax.axis_index("s")
    wid = cid * jnp.int32(NSUB) + sid

    pltpu.sync_copy(cm_hbm.at[wid], col_v)

    zero = jnp.zeros((16,), jnp.float32)
    ones = jnp.ones((16,), jnp.float32)

    @pl.loop(jnp.int32(0), jnp.int32(AGG_ROWS // 16))
    def _zd(i):
        deg_v[pl.ds(i * jnp.int32(16), 16)] = zero

    @pl.loop(jnp.int32(0), jnp.int32(NCHUNKD))
    def _hist(j):
        for k2 in range(KD // 16):
            sl = pl.ds(jnp.int32(k2 * 16), 16)
            cc = col_v[j, sl]
            plsc.addupdate_scatter(deg_v, [cc], ones)

    pltpu.sync_copy(deg_v, stage_sh.at[sid])
    plsc.subcore_barrier()

    cbase = sid * jnp.int32(CPT)
    for t in range(NSUB):
        pltpu.sync_copy(stage_sh.at[jnp.int32(t), pl.ds(cbase, CPT)],
                        dtmp_v.at[jnp.int32(t)])

    @pl.loop(jnp.int32(0), jnp.int32(CPT // 16))
    def _dsum(k2):
        base = k2 * jnp.int32(16)
        acc = dtmp_v[jnp.int32(0), pl.ds(base, 16)]
        for t in range(1, NSUB):
            acc = acc + dtmp_v[jnp.int32(t), pl.ds(base, 16)]
        dres_v[pl.ds(base, 16)] = acc

    pltpu.sync_copy(dres_v,
                    deg_hbm.at[pl.ds(cid * jnp.int32(AGG_ROWS) + cbase, CPT)])


def _agg_body(x_hbm, row_hbm, col_hbm, out_hbm,
              row_v, col_v, buf_a, buf_b, agg_sh, sem_a, sem_b):
    cid = lax.axis_index("c")
    sid = lax.axis_index("s")
    wid = cid * jnp.int32(NSUB) + sid

    pltpu.sync_copy(row_hbm.at[wid], row_v)
    pltpu.sync_copy(col_hbm.at[wid], col_v)

    zero = jnp.zeros((16,), jnp.float32)

    @pl.loop(jnp.int32(0), jnp.int32(K))
    def _zb(i):
        for k2 in range(D_FEAT // 16):
            buf_a[i, pl.ds(jnp.int32(k2 * 16), 16)] = zero

    for b in range(RPT // K):
        pltpu.sync_copy(
            buf_a, agg_sh.at[pl.ds(sid * jnp.int32(RPT) + jnp.int32(b * K), K)])

    plsc.subcore_barrier()

    def _gather(j, buf, sem):
        return pltpu.async_copy(x_hbm.at[row_v.at[pl.ds(j * jnp.int32(K), K)]],
                                buf, sem)

    def _scatter(j, buf):
        pltpu.sync_copy(buf, agg_sh.at[col_v.at[j]], add=True)

    _gather(jnp.int32(0), buf_a, sem_a).wait()

    @pl.loop(jnp.int32(0), jnp.int32(NCHUNK - 1), step=jnp.int32(2))
    def _mainb(j):
        g_b = _gather(j + jnp.int32(1), buf_b, sem_b)
        _scatter(j, buf_a)
        g_b.wait()
        g_a = _gather(j + jnp.int32(2), buf_a, sem_a)
        _scatter(j + jnp.int32(1), buf_b)
        g_a.wait()

    _scatter(jnp.int32(NCHUNK - 1), buf_a)

    plsc.subcore_barrier()

    pltpu.sync_copy(agg_sh.at[pl.ds(sid * jnp.int32(RPT), RPT)],
                    out_hbm.at[cid, pl.ds(sid * jnp.int32(RPT), RPT)])


def _tail_body(raw_ref, xa_ref, s0_ref, s1_ref, d0_ref, d1_ref,
               wo_ref, bo_ref, wr_ref,
               g_ref, b_ref, wp_ref, bp_ref, wl_ref, bl_ref,
               out_ref, emb_ref):
    xb = xa_ref[...]
    s = s0_ref[0] + s1_ref[0]
    deg = d0_ref[...] + d1_ref[...]
    deg_inv = 1.0 / (deg + 1.0)
    agg = deg_inv * (s + xb)
    ne = (lax.dot_general(agg, wo_ref[...], (((1,), (1,)), ((), ())),
                          preferred_element_type=jnp.float32)
          + bo_ref[...]
          + lax.dot_general(xb, wr_ref[...], (((1,), (1,)), ((), ())),
                            preferred_element_type=jnp.float32))
    emb_ref[...] = ne
    h = _gelu_exact(ne)
    hc = jnp.concatenate([raw_ref[...], h], axis=1)
    mu = jnp.mean(hc, axis=-1, keepdims=True)
    var = jnp.mean((hc - mu) ** 2, axis=-1, keepdims=True)
    ln = (hc - mu) / jnp.sqrt(var + LN_EPS) * g_ref[...] + b_ref[...]
    h2 = _gelu_exact(
        lax.dot_general(ln, wp_ref[...], (((1,), (1,)), ((), ())),
                        preferred_element_type=jnp.float32) + bp_ref[...])
    out_ref[...] = jax.nn.sigmoid(
        lax.dot_general(h2, wl_ref[...], (((1,), (1,)), ((), ())),
                        preferred_element_type=jnp.float32) + bl_ref[...])


_full = lambda shape: pl.BlockSpec(shape, lambda i: (i * 0,) * len(shape))
_rows = lambda w: pl.BlockSpec((BROW, w), lambda i: (i, i * 0))

_mlp_call = pl.pallas_call(
    _mlp_body,
    grid=(N_NODES // BROW,),
    in_specs=[_rows(D_FEAT), _full((HIDDEN, D_FEAT)), _full((1, HIDDEN))],
    out_specs=_rows(D_FEAT),
    out_shape=jax.ShapeDtypeStruct((N_NODES, D_FEAT), jnp.float32),
)


@functools.cache
def _get_sc_calls():
    mesh = plsc.VectorSubcoreMesh(core_axis_name="c", subcore_axis_name="s",
                                  num_cores=NCORE)
    deg_call = functools.partial(
        pl.kernel,
        mesh=mesh,
        compiler_params=pltpu.CompilerParams(needs_layout_passes=False),
        out_type=jax.ShapeDtypeStruct((NCORE * AGG_ROWS,), jnp.float32),
        scratch_types=[
            pltpu.VMEM((NCHUNKD, KD), jnp.int32),
            pltpu.VMEM((AGG_ROWS,), jnp.float32),
            pltpu.VMEM((NSUB, CPT), jnp.float32),
            pltpu.VMEM((CPT,), jnp.float32),
            pltpu.VMEM_SHARED((NSUB, AGG_ROWS), jnp.float32),
        ],
    )(_deg_body)
    agg_call = functools.partial(
        pl.kernel,
        mesh=mesh,
        compiler_params=pltpu.CompilerParams(needs_layout_passes=False),
        out_type=jax.ShapeDtypeStruct((NCORE, AGG_ROWS, D_FEAT), jnp.float32),
        scratch_types=[
            pltpu.VMEM((EPT,), jnp.int32),
            pltpu.VMEM((NCHUNK, K), jnp.int32),
            pltpu.VMEM((K, D_FEAT), jnp.float32),
            pltpu.VMEM((K, D_FEAT), jnp.float32),
            pltpu.VMEM_SHARED((AGG_ROWS, D_FEAT), jnp.float32),
            pltpu.SemaphoreType.DMA,
            pltpu.SemaphoreType.DMA,
        ],
    )(_agg_body)
    return deg_call, agg_call


_tail_call = pl.pallas_call(
    _tail_body,
    grid=(N_NODES // BROW,),
    in_specs=[
        _rows(D_FEAT),
        _rows(D_FEAT),
        pl.BlockSpec((1, BROW, D_FEAT), lambda i: (i * 0, i, i * 0)),
        pl.BlockSpec((1, BROW, D_FEAT), lambda i: (i * 0 + 1, i, i * 0)),
        _rows(1),
        _rows(1),
        _full((HIDDEN, HIDDEN)),
        _full((1, HIDDEN)),
        _full((HIDDEN, HIDDEN)),
        _full((1, D_FEAT + HIDDEN)),
        _full((1, D_FEAT + HIDDEN)),
        _full((HIDDEN, D_FEAT + HIDDEN)),
        _full((1, HIDDEN)),
        _full((N_CLASSES, HIDDEN)),
        _full((1, N_CLASSES)),
    ],
    out_specs=[_rows(N_CLASSES), _rows(HIDDEN)],
    out_shape=[
        jax.ShapeDtypeStruct((N_NODES, N_CLASSES), jnp.float32),
        jax.ShapeDtypeStruct((N_NODES, HIDDEN), jnp.float32),
    ],
)


def kernel(raw, edge_index, W_mlp, b_mlp, W_out, b_out, W_root, ln_g, ln_b,
           W_post, b_post, W_lin1, b_lin1):
    ei = edge_index.astype(jnp.int32)
    row2 = ei[0].reshape(NW, EPT)
    cm = _colmod_call(ei[0].reshape(EROWS, D_FEAT),
                      ei[1].reshape(EROWS, D_FEAT))
    cm_d = cm.reshape(NW, NCHUNKD, KD)
    cm_a = cm.reshape(NW, NCHUNK, K)

    x = _mlp_call(raw, W_mlp, b_mlp.reshape(1, HIDDEN))

    deg_call, agg_call = _get_sc_calls()
    deg_flat = deg_call(cm_d)
    s3 = agg_call(x, row2, cm_a)
    degr = deg_flat.reshape(NCORE, AGG_ROWS)
    d0 = degr[0, :N_NODES].reshape(N_NODES, 1)
    d1 = degr[1, :N_NODES].reshape(N_NODES, 1)

    out, node_emb = _tail_call(
        raw, x, s3, s3, d0, d1,
        W_out, b_out.reshape(1, HIDDEN), W_root,
        ln_g.reshape(1, D_FEAT + HIDDEN), ln_b.reshape(1, D_FEAT + HIDDEN),
        W_post, b_post.reshape(1, HIDDEN),
        W_lin1, b_lin1.reshape(1, N_CLASSES))
    return out, node_emb

# --- scband reference (transcript-rebuilt; emitter-appended) ---
"""Pipeline reference for scband-my-gcn-77661598646355 (READ-ONLY COPY).

The authoritative reference and input builder live on the scoring server;
editing this copy changes nothing except your own understanding.
"""

import jax, jax.numpy as jnp
import numpy as np

jax.config.update("jax_enable_x64", True)

N_NODES = 10000
N_EDGES = 320000
D_FEAT = 128
HIDDEN = 128
N_CLASSES = 64
LN_EPS = 1e-5


def _glorot(key, shape):
    fan_out, fan_in = shape[0], shape[1]
    limit = (6.0 / (fan_in + fan_out)) ** 0.5
    return jax.random.uniform(key, shape, dtype=jnp.float32, minval=-limit, maxval=limit)


def setup_inputs(seed: int = 0):
    key = jax.random.key(seed)
    ks = jax.random.split(key, 12)
    return {
        "raw": jax.random.normal(ks[0], (N_NODES, D_FEAT), dtype=jnp.float32),
        "edge_index": jax.random.randint(ks[1], (2, N_EDGES), 0, N_NODES, dtype=jnp.int64),
        "W_mlp": _glorot(ks[2], (HIDDEN, D_FEAT)),
        "b_mlp": jnp.zeros((HIDDEN,), jnp.float32),
        "W_out": _glorot(ks[3], (HIDDEN, HIDDEN)),
        "b_out": jnp.zeros((HIDDEN,), jnp.float32),
        "W_root": _glorot(ks[4], (HIDDEN, HIDDEN)),
        "ln_g": jnp.ones((D_FEAT + HIDDEN,), jnp.float32),
        "ln_b": jnp.zeros((D_FEAT + HIDDEN,), jnp.float32),
        "W_post": _glorot(ks[5], (HIDDEN, D_FEAT + HIDDEN)),
        "b_post": jnp.zeros((HIDDEN,), jnp.float32),
        "W_lin1": _glorot(ks[6], (N_CLASSES, HIDDEN)),
        "b_lin1": jnp.zeros((N_CLASSES,), jnp.float32),
    }


def _layer_norm(x, g, b):
    mu = jnp.mean(x, axis=-1, keepdims=True)
    var = jnp.mean((x - mu) ** 2, axis=-1, keepdims=True)
    return (x - mu) / jnp.sqrt(var + LN_EPS) * g + b


def _preprocess_edges(edge_index, num_nodes):
    # ClusterGCNConv preprocessing: remove self loops, add self loops,
    # edge_weight = 1/deg(col) (+ diag_lambda*deg_inv on self loops; diag_lambda=0 here).
    row, col = edge_index[0], edge_index[1]
    keep_edge = (row != col).astype(jnp.float32)
    loop = jnp.arange(num_nodes, dtype=row.dtype)
    row = jnp.concatenate([row, loop])
    col = jnp.concatenate([col, loop])
    keep = jnp.concatenate([keep_edge, jnp.ones((num_nodes,), jnp.float32)])
    deg = jnp.zeros((num_nodes,), jnp.float32).at[col].add(keep)
    deg_inv = 1.0 / jnp.maximum(deg, 1.0)
    edge_weight = keep * deg_inv[col]
    return row, col, edge_weight


def reference(raw, edge_index, W_mlp, b_mlp, W_out, b_out, W_root, ln_g, ln_b, W_post, b_post, W_lin1, b_lin1):
    row, col, ew = _preprocess_edges(edge_index, N_NODES)
    # pre-MLP (NUM_MLP_LAYERS=1) + GELU (dropout=0)
    x = jax.nn.gelu(raw @ W_mlp.T + b_mlp, approximate=False)
    # ClusterGCNConv (NUM_HIDDEN_LAYERS=1): gather messages, scatter-add, lin_out + lin_root
    msg = ew[:, None] * jnp.take(x, row, axis=0)
    agg = jnp.zeros_like(x).at[col].add(msg)
    node_emb = agg @ W_out.T + b_out + x @ W_root.T
    h = jax.nn.gelu(node_emb, approximate=False)
    # skip concat with raw input
    h = jnp.concatenate([raw, h], axis=1)
    # post-MLP (POST_NUM_MLP_LAYERS=1): LayerNorm -> Linear -> GELU
    h = jax.nn.gelu(_layer_norm(h, ln_g, ln_b) @ W_post.T + b_post, approximate=False)
    out = jax.nn.sigmoid(h @ W_lin1.T + b_lin1)
    return out, node_emb

if __name__ == "__main__":
    import jax
    _d = setup_inputs()
    print(jax.jit(kernel)(*tuple(_d.values())))

</pallas_src>

<mosaic_0001>
#map = affine_map<(d0, d1) -> (0, 0, 0)>
#map1 = affine_map<(d0, d1) -> (0)>
module attributes {stable_mosaic.version = 14 : i64} {
  func.func @_deg_body(%arg0: i32, %arg1: i32, %arg2: memref<32x125x80xi32, #tpu.memory_space<hbm>>, %arg3: memref<20480xf32, #tpu.memory_space<hbm>>, %arg4: memref<125x80xi32, #tpu.memory_space<vmem>>, %arg5: memref<10240xf32, #tpu.memory_space<vmem>>, %arg6: memref<16x640xf32, #tpu.memory_space<vmem>>, %arg7: memref<640xf32, #tpu.memory_space<vmem>>, %arg8: memref<16x10240xf32, #tpu.memory_space<vmem_shared>>) attributes {dimension_semantics = [#tpu.dimension_semantics<core_parallel>, #tpu.dimension_semantics<subcore_parallel>], iteration_bounds = array<i64: 2, 16>, scalar_prefetch = 0 : i64, scratch_operands = 5 : i64, tpu.core_type = #tpu.core_type<sc_vector_subcore>, window_params = [{transform_indices = #map}, {transform_indices = #map1}]} {
    %mul3A = arith.constant 16 : i32
    %mul3A_0 = arith.muli %arg0, %mul3A : i32
    %add3A = arith.addi %mul3A_0, %arg1 : i32
    "tpu.region"() ({
      %run_scoped3A_97 = tpu.sem_alloc : memref<!tpu.dma_semaphore, #tpu.memory_space<semaphore_mem>>
      %dma_start3A = arith.constant 0 : i32
      %dma_start3A_98 = arith.constant 0 : i32
      %dma_start3A_99 = tpu.memref_slice %arg2[%add3A, %dma_start3A, %dma_start3A_98] : memref<32x125x80xi32, #tpu.memory_space<hbm>> -> memref<1x125x80xi32, #tpu.memory_space<hbm>>
      %dma_start3A_100 = tpu.memref_squeeze %dma_start3A_99 : memref<1x125x80xi32, #tpu.memory_space<hbm>> -> memref<125x80xi32, #tpu.memory_space<hbm>>
      %dma_start3A_101 = arith.constant 0 : i32
      %dma_start3A_102 = arith.constant 0 : i32
      %dma_start3A_103 = tpu.memref_slice %arg2[%add3A, %dma_start3A_101, %dma_start3A_102] : memref<32x125x80xi32, #tpu.memory_space<hbm>> -> memref<1x125x80xi32, #tpu.memory_space<hbm>>
      %dma_start3A_104 = tpu.memref_squeeze %dma_start3A_103 : memref<1x125x80xi32, #tpu.memory_space<hbm>> -> memref<125x80xi32, #tpu.memory_space<hbm>>
      tpu.enqueue_dma source(%dma_start3A_104 : memref<125x80xi32, #tpu.memory_space<hbm>>) target(%arg4 : memref<125x80xi32, #tpu.memory_space<vmem>>) target_semaphore(%run_scoped3A_97 : memref<!tpu.dma_semaphore, #tpu.memory_space<semaphore_mem>>)
      %dma_wait3A = arith.constant 0 : i32
      %dma_wait3A_105 = arith.constant 0 : i32
      %dma_wait3A_106 = tpu.memref_slice %arg2[%add3A, %dma_wait3A, %dma_wait3A_105] : memref<32x125x80xi32, #tpu.memory_space<hbm>> -> memref<1x125x80xi32, #tpu.memory_space<hbm>>
      %dma_wait3A_107 = tpu.memref_squeeze %dma_wait3A_106 : memref<1x125x80xi32, #tpu.memory_space<hbm>> -> memref<125x80xi32, #tpu.memory_space<hbm>>
      %dma_wait3A_108 = arith.constant 0 : i32
      %dma_wait3A_109 = arith.constant 0 : i32
      %dma_wait3A_110 = tpu.memref_slice %arg2[%add3A, %dma_wait3A_108, %dma_wait3A_109] : memref<32x125x80xi32, #tpu.memory_space<hbm>> -> memref<1x125x80xi32, #tpu.memory_space<hbm>>
      %dma_wait3A_111 = tpu.memref_squeeze %dma_wait3A_110 : memref<1x125x80xi32, #tpu.memory_space<hbm>> -> memref<125x80xi32, #tpu.memory_space<hbm>>
      tpu.wait_dma2 semaphore(%run_scoped3A_97 : memref<!tpu.dma_semaphore, #tpu.memory_space<semaphore_mem>>) src(%dma_wait3A_111 : memref<125x80xi32, #tpu.memory_space<hbm>>) dst(%arg4 : memref<125x80xi32, #tpu.memory_space<vmem>>)
      tpu.yield
    }) : () -> ()
    %broadcast_in_dim3A = arith.constant 0.000000e+00 : f32
    %broadcast_in_dim3A_1 = vector.broadcast %broadcast_in_dim3A : f32 to vector<16xf32>
    %broadcast_in_dim3A_2 = arith.constant 1.000000e+00 : f32
    %broadcast_in_dim3A_3 = vector.broadcast %broadcast_in_dim3A_2 : f32 to vector<16xf32>
    %sub3A = arith.constant 640 : i32
    %sub3A_4 = arith.constant 0 : i32
    %sub3A_5 = arith.subi %sub3A, %sub3A_4 : i32
    %sub3A_6 = arith.constant 1 : i32
    %sub3A_7 = arith.constant 1 : i32
    %sub3A_8 = arith.subi %sub3A_6, %sub3A_7 : i32
    %add3A_9 = arith.addi %sub3A_5, %sub3A_8 : i32
    %div3A = arith.constant 1 : i32
    %div3A_10 = arith.divsi %add3A_9, %div3A : i32
    %while3A = arith.constant 1 : i32
    %while3A_11 = arith.constant 0 : i32
    %while3A_12 = arith.constant 0 : i32
    %while3A_13 = arith.subi %div3A_10, %while3A_12 : i32
    %while3A_14 = arith.addi %while3A_12, %while3A_13 : i32
    %while3A_15 = arith.constant 1 : i32
    %while3A_16 = arith.divsi %while3A_13, %while3A_15 : i32
    %while3A_17 = arith.muli %while3A_16, %while3A_15 : i32
    %while3A_18 = arith.addi %while3A_12, %while3A_17 : i32
    %while3A_19 = arith.constant 1 : i32
    scf.for %while3A_97 = %while3A_12 to %while3A_18 step %while3A_19  : i32 {
      %mul3A_98 = arith.muli %while3A_97, %while3A : i32
      %add3A_99 = arith.addi %while3A_11, %mul3A_98 : i32
      %mul3A_100 = arith.constant 16 : i32
      %mul3A_101 = arith.muli %add3A_99, %mul3A_100 : i32
      %swap3A = arith.index_cast %mul3A_101 : i32 to index
      %swap3A_102 = tpu.vector_load %arg5[%swap3A] {strides = array<i32>} : memref<10240xf32, #tpu.memory_space<vmem>>, vector<16xf32>,
      tpu.vector_store %arg5[%swap3A], %broadcast_in_dim3A_1 {strides = array<i32>} : memref<10240xf32, #tpu.memory_space<vmem>>, vector<16xf32>,
    }
    %while3A_20 = arith.constant 1 : i32
    scf.for %while3A_97 = %while3A_18 to %while3A_14 step %while3A_20  : i32 {
      %mul3A_98 = arith.muli %while3A_97, %while3A : i32
      %add3A_99 = arith.addi %while3A_11, %mul3A_98 : i32
      %mul3A_100 = arith.constant 16 : i32
      %mul3A_101 = arith.muli %add3A_99, %mul3A_100 : i32
      %swap3A = arith.index_cast %mul3A_101 : i32 to index
      %swap3A_102 = tpu.vector_load %arg5[%swap3A] {strides = array<i32>} : memref<10240xf32, #tpu.memory_space<vmem>>, vector<16xf32>,
      tpu.vector_store %arg5[%swap3A], %broadcast_in_dim3A_1 {strides = array<i32>} : memref<10240xf32, #tpu.memory_space<vmem>>, vector<16xf32>,
    }
    %sub3A_21 = arith.constant 125 : i32
    %sub3A_22 = arith.constant 0 : i32
    %sub3A_23 = arith.subi %sub3A_21, %sub3A_22 : i32
    %sub3A_24 = arith.constant 1 : i32
    %sub3A_25 = arith.constant 1 : i32
    %sub3A_26 = arith.subi %sub3A_24, %sub3A_25 : i32
    %add3A_27 = arith.addi %sub3A_23, %sub3A_26 : i32
    %div3A_28 = arith.constant 1 : i32
    %div3A_29 = arith.divsi %add3A_27, %div3A_28 : i32
    %while3A_30 = arith.constant 1 : i32
    %while3A_31 = arith.constant 0 : i32
    %while3A_32 = arith.constant 0 : i32
    %while3A_33 = arith.subi %div3A_29, %while3A_32 : i32
    %while3A_34 = arith.addi %while3A_32, %while3A_33 : i32
    %while3A_35 = arith.constant 1 : i32
    %while3A_36 = arith.divsi %while3A_33, %while3A_35 : i32
    %while3A_37 = arith.muli %while3A_36, %while3A_35 : i32
    %while3A_38 = arith.addi %while3A_32, %while3A_37 : i32
    %while3A_39 = arith.constant 1 : i32
    scf.for %while3A_97 = %while3A_32 to %while3A_38 step %while3A_39  : i32 {
      %mul3A_98 = arith.muli %while3A_97, %while3A_30 : i32
      %add3A_99 = arith.addi %while3A_31, %mul3A_98 : i32
      %get3A = arith.constant 0 : i32
      %get3A_100 = arith.index_cast %add3A_99 : i32 to index
      %get3A_101 = arith.index_cast %get3A : i32 to index
      %get3A_102 = tpu.vector_load %arg4[%get3A_100, %get3A_101] {strides = array<i32>} : memref<125x80xi32, #tpu.memory_space<vmem>>, vector<16xi32>,
      tpu.vector_store_idx %arg5[%get3A_102], %broadcast_in_dim3A_3 {add = true} : memref<10240xf32, #tpu.memory_space<vmem>>[vector<16xi32>], vector<16xf32>,
      %get3A_103 = arith.constant 16 : i32
      %get3A_104 = arith.index_cast %add3A_99 : i32 to index
      %get3A_105 = arith.index_cast %get3A_103 : i32 to index
      %get3A_106 = tpu.vector_load %arg4[%get3A_104, %get3A_105] {strides = array<i32>} : memref<125x80xi32, #tpu.memory_space<vmem>>, vector<16xi32>,
      tpu.vector_store_idx %arg5[%get3A_106], %broadcast_in_dim3A_3 {add = true} : memref<10240xf32, #tpu.memory_space<vmem>>[vector<16xi32>], vector<16xf32>,
      %get3A_107 = arith.constant 32 : i32
      %get3A_108 = arith.index_cast %add3A_99 : i32 to index
      %get3A_109 = arith.index_cast %get3A_107 : i32 to index
      %get3A_110 = tpu.vector_load %arg4[%get3A_108, %get3A_109] {strides = array<i32>} : memref<125x80xi32, #tpu.memory_space<vmem>>, vector<16xi32>,
      tpu.vector_store_idx %arg5[%get3A_110], %broadcast_in_dim3A_3 {add = true} : memref<10240xf32, #tpu.memory_space<vmem>>[vector<16xi32>], vector<16xf32>,
      %get3A_111 = arith.constant 48 : i32
      %get3A_112 = arith.index_cast %add3A_99 : i32 to index
      %get3A_113 = arith.index_cast %get3A_111 : i32 to index
      %get3A_114 = tpu.vector_load %arg4[%get3A_112, %get3A_113] {strides = array<i32>} : memref<125x80xi32, #tpu.memory_space<vmem>>, vector<16xi32>,
      tpu.vector_store_idx %arg5[%get3A_114], %broadcast_in_dim3A_3 {add = true} : memref<10240xf32, #tpu.memory_space<vmem>>[vector<16xi32>], vector<16xf32>,
      %get3A_115 = arith.constant 64 : i32
      %get3A_116 = arith.index_cast %add3A_99 : i32 to index
      %get3A_117 = arith.index_cast %get3A_115 : i32 to index
      %get3A_118 = tpu.vector_load %arg4[%get3A_116, %get3A_117] {strides = array<i32>} : memref<125x80xi32, #tpu.memory_space<vmem>>, vector<16xi32>,
      tpu.vector_store_idx %arg5[%get3A_118], %broadcast_in_dim3A_3 {add = true} : memref<10240xf32, #tpu.memory_space<vmem>>[vector<16xi32>], vector<16xf32>,
    }
    %while3A_40 = arith.constant 1 : i32
    scf.for %while3A_97 = %while3A_38 to %while3A_34 step %while3A_40  : i32 {
      %mul3A_98 = arith.muli %while3A_97, %while3A_30 : i32
      %add3A_99 = arith.addi %while3A_31, %mul3A_98 : i32
      %get3A = arith.constant 0 : i32
      %get3A_100 = arith.index_cast %add3A_99 : i32 to index
      %get3A_101 = arith.index_cast %get3A : i32 to index
      %get3A_102 = tpu.vector_load %arg4[%get3A_100, %get3A_101] {strides = array<i32>} : memref<125x80xi32, #tpu.memory_space<vmem>>, vector<16xi32>,
      tpu.vector_store_idx %arg5[%get3A_102], %broadcast_in_dim3A_3 {add = true} : memref<10240xf32, #tpu.memory_space<vmem>>[vector<16xi32>], vector<16xf32>,
      %get3A_103 = arith.constant 16 : i32
      %get3A_104 = arith.index_cast %add3A_99 : i32 to index
      %get3A_105 = arith.index_cast %get3A_103 : i32 to index
      %get3A_106 = tpu.vector_load %arg4[%get3A_104, %get3A_105] {strides = array<i32>} : memref<125x80xi32, #tpu.memory_space<vmem>>, vector<16xi32>,
      tpu.vector_store_idx %arg5[%get3A_106], %broadcast_in_dim3A_3 {add = true} : memref<10240xf32, #tpu.memory_space<vmem>>[vector<16xi32>], vector<16xf32>,
      %get3A_107 = arith.constant 32 : i32
      %get3A_108 = arith.index_cast %add3A_99 : i32 to index
      %get3A_109 = arith.index_cast %get3A_107 : i32 to index
      %get3A_110 = tpu.vector_load %arg4[%get3A_108, %get3A_109] {strides = array<i32>} : memref<125x80xi32, #tpu.memory_space<vmem>>, vector<16xi32>,
      tpu.vector_store_idx %arg5[%get3A_110], %broadcast_in_dim3A_3 {add = true} : memref<10240xf32, #tpu.memory_space<vmem>>[vector<16xi32>], vector<16xf32>,
      %get3A_111 = arith.constant 48 : i32
      %get3A_112 = arith.index_cast %add3A_99 : i32 to index
      %get3A_113 = arith.index_cast %get3A_111 : i32 to index
      %get3A_114 = tpu.vector_load %arg4[%get3A_112, %get3A_113] {strides = array<i32>} : memref<125x80xi32, #tpu.memory_space<vmem>>, vector<16xi32>,
      tpu.vector_store_idx %arg5[%get3A_114], %broadcast_in_dim3A_3 {add = true} : memref<10240xf32, #tpu.memory_space<vmem>>[vector<16xi32>], vector<16xf32>,
      %get3A_115 = arith.constant 64 : i32
      %get3A_116 = arith.index_cast %add3A_99 : i32 to index
      %get3A_117 = arith.index_cast %get3A_115 : i32 to index
      %get3A_118 = tpu.vector_load %arg4[%get3A_116, %get3A_117] {strides = array<i32>} : memref<125x80xi32, #tpu.memory_space<vmem>>, vector<16xi32>,
      tpu.vector_store_idx %arg5[%get3A_118], %broadcast_in_dim3A_3 {add = true} : memref<10240xf32, #tpu.memory_space<vmem>>[vector<16xi32>], vector<16xf32>,
    }
    "tpu.region"() ({
      %run_scoped3A_97 = tpu.sem_alloc : memref<!tpu.dma_semaphore, #tpu.memory_space<semaphore_mem>>
      %dma_start3A = arith.constant 0 : i32
      %dma_start3A_98 = tpu.memref_slice %arg8[%arg1, %dma_start3A] : memref<16x10240xf32, #tpu.memory_space<vmem_shared>> -> memref<1x10240xf32, #tpu.memory_space<vmem_shared>>
      %dma_start3A_99 = tpu.memref_squeeze %dma_start3A_98 : memref<1x10240xf32, #tpu.memory_space<vmem_shared>> -> memref<10240xf32, #tpu.memory_space<vmem_shared>>
      %dma_start3A_100 = arith.constant 0 : i32
      %dma_start3A_101 = tpu.memref_slice %arg8[%arg1, %dma_start3A_100] : memref<16x10240xf32, #tpu.memory_space<vmem_shared>> -> memref<1x10240xf32, #tpu.memory_space<vmem_shared>>
      %dma_start3A_102 = tpu.memref_squeeze %dma_start3A_101 : memref<1x10240xf32, #tpu.memory_space<vmem_shared>> -> memref<10240xf32, #tpu.memory_space<vmem_shared>>
      tpu.enqueue_dma source(%arg5 : memref<10240xf32, #tpu.memory_space<vmem>>) target(%dma_start3A_102 : memref<10240xf32, #tpu.memory_space<vmem_shared>>) target_semaphore(%run_scoped3A_97 : memref<!tpu.dma_semaphore, #tpu.memory_space<semaphore_mem>>)
      %dma_wait3A = arith.constant 0 : i32
      %dma_wait3A_103 = tpu.memref_slice %arg8[%arg1, %dma_wait3A] : memref<16x10240xf32, #tpu.memory_space<vmem_shared>> -> memref<1x10240xf32, #tpu.memory_space<vmem_shared>>
      %dma_wait3A_104 = tpu.memref_squeeze %dma_wait3A_103 : memref<1x10240xf32, #tpu.memory_space<vmem_shared>> -> memref<10240xf32, #tpu.memory_space<vmem_shared>>
      %dma_wait3A_105 = arith.constant 0 : i32
      %dma_wait3A_106 = tpu.memref_slice %arg8[%arg1, %dma_wait3A_105] : memref<16x10240xf32, #tpu.memory_space<vmem_shared>> -> memref<1x10240xf32, #tpu.memory_space<vmem_shared>>
      %dma_wait3A_107 = tpu.memref_squeeze %dma_wait3A_106 : memref<1x10240xf32, #tpu.memory_space<vmem_shared>> -> memref<10240xf32, #tpu.memory_space<vmem_shared>>
      tpu.wait_dma2 semaphore(%run_scoped3A_97 : memref<!tpu.dma_semaphore, #tpu.memory_space<semaphore_mem>>) src(%arg5 : memref<10240xf32, #tpu.memory_space<vmem>>) dst(%dma_wait3A_107 : memref<10240xf32, #tpu.memory_space<vmem_shared>>)
      tpu.yield
    }) : () -> ()
    %barrier3A = arith.constant 0 : index
    tpu.barrier barrier_id(%barrier3A)
    %mul3A_41 = arith.constant 640 : i32
    %mul3A_42 = arith.muli %arg1, %mul3A_41 : i32
    %run_scoped3A = arith.constant 0 : i32
    %run_scoped3A_43 = arith.constant 0 : i32
    "tpu.region"() ({
      %run_scoped3A_97 = tpu.sem_alloc : memref<!tpu.dma_semaphore, #tpu.memory_space<semaphore_mem>>
      %dma_start3A = arith.constant 0 : i32
      %dma_start3A_98 = tpu.memref_slice %arg6[%run_scoped3A_43, %dma_start3A] : memref<16x640xf32, #tpu.memory_space<vmem>> -> memref<1x640xf32, #tpu.memory_space<vmem>>
      %dma_start3A_99 = tpu.memref_squeeze %dma_start3A_98 : memref<1x640xf32, #tpu.memory_space<vmem>> -> memref<640xf32, #tpu.memory_space<vmem>>
      %dma_start3A_100 = tpu.memref_slice %arg8[%run_scoped3A, %mul3A_42] : memref<16x10240xf32, #tpu.memory_space<vmem_shared>> -> memref<1x640xf32, #tpu.memory_space<vmem_shared>>
      %dma_start3A_101 = tpu.memref_squeeze %dma_start3A_100 : memref<1x640xf32, #tpu.memory_space<vmem_shared>> -> memref<640xf32, #tpu.memory_space<vmem_shared>>
      %dma_start3A_102 = arith.constant 0 : i32
      %dma_start3A_103 = tpu.memref_slice %arg6[%run_scoped3A_43, %dma_start3A_102] : memref<16x640xf32, #tpu.memory_space<vmem>> -> memref<1x640xf32, #tpu.memory_space<vmem>>
      %dma_start3A_104 = tpu.memref_squeeze %dma_start3A_103 : memref<1x640xf32, #tpu.memory_space<vmem>> -> memref<640xf32, #tpu.memory_space<vmem>>
      %dma_start3A_105 = tpu.memref_slice %arg8[%run_scoped3A, %mul3A_42] : memref<16x10240xf32, #tpu.memory_space<vmem_shared>> -> memref<1x640xf32, #tpu.memory_space<vmem_shared>>
      %dma_start3A_106 = tpu.memref_squeeze %dma_start3A_105 : memref<1x640xf32, #tpu.memory_space<vmem_shared>> -> memref<640xf32, #tpu.memory_space<vmem_shared>>
      tpu.enqueue_dma source(%dma_start3A_106 : memref<640xf32, #tpu.memory_space<vmem_shared>>) target(%dma_start3A_104 : memref<640xf32, #tpu.memory_space<vmem>>) target_semaphore(%run_scoped3A_97 : memref<!tpu.dma_semaphore, #tpu.memory_space<semaphore_mem>>)
      %dma_wait3A = arith.constant 0 : i32
      %dma_wait3A_107 = tpu.memref_slice %arg6[%run_scoped3A_43, %dma_wait3A] : memref<16x640xf32, #tpu.memory_space<vmem>> -> memref<1x640xf32, #tpu.memory_space<vmem>>
      %dma_wait3A_108 = tpu.memref_squeeze %dma_wait3A_107 : memref<1x640xf32, #tpu.memory_space<vmem>> -> memref<640xf32, #tpu.memory_space<vmem>>
      %dma_wait3A_109 = tpu.memref_slice %arg8[%run_scoped3A, %mul3A_42] : memref<16x10240xf32, #tpu.memory_space<vmem_shared>> -> memref<1x640xf32, #tpu.memory_space<vmem_shared>>
      %dma_wait3A_110 = tpu.memref_squeeze %dma_wait3A_109 : memref<1x640xf32, #tpu.memory_space<vmem_shared>> -> memref<640xf32, #tpu.memory_space<vmem_shared>>
      %dma_wait3A_111 = arith.constant 0 : i32
      %dma_wait3A_112 = tpu.memref_slice %arg6[%run_scoped3A_43, %dma_wait3A_111] : memref<16x640xf32, #tpu.memory_space<vmem>> -> memref<1x640xf32, #tpu.memory_space<vmem>>
      %dma_wait3A_113 = tpu.memref_squeeze %dma_wait3A_112 : memref<1x640xf32, #tpu.memory_space<vmem>> -> memref<640xf32, #tpu.memory_space<vmem>>
      %dma_wait3A_114 = tpu.memref_slice %arg8[%run_scoped3A, %mul3A_42] : memref<16x10240xf32, #tpu.memory_space<vmem_shared>> -> memref<1x640xf32, #tpu.memory_space<vmem_shared>>
      %dma_wait3A_115 = tpu.memref_squeeze %dma_wait3A_114 : memref<1x640xf32, #tpu.memory_space<vmem_shared>> -> memref<640xf32, #tpu.memory_space<vmem_shared>>
      tpu.wait_dma2 semaphore(%run_scoped3A_97 : memref<!tpu.dma_semaphore, #tpu.memory_space<semaphore_mem>>) src(%dma_wait3A_115 : memref<640xf32, #tpu.memory_space<vmem_shared>>) dst(%dma_wait3A_113 : memref<640xf32, #tpu.memory_space<vmem>>)
      tpu.yield
    }) : () -> ()
    %run_scoped3A_44 = arith.constant 1 : i32
    %run_scoped3A_45 = arith.constant 1 : i32
    "tpu.region"() ({
      %run_scoped3A_97 = tpu.sem_alloc : memref<!tpu.dma_semaphore, #tpu.memory_space<semaphore_mem>>
      %dma_start3A = arith.constant 0 : i32
      %dma_start3A_98 = tpu.memref_slice %arg6[%run_scoped3A_45, %dma_start3A] : memref<16x640xf32, #tpu.memory_space<vmem>> -> memref<1x640xf32, #tpu.memory_space<vmem>>
      %dma_start3A_99 = tpu.memref_squeeze %dma_start3A_98 : memref<1x640xf32, #tpu.memory_space<vmem>> -> memref<640xf32, #tpu.memory_space<vmem>>
      %dma_start3A_100 = tpu.memref_slice %arg8[%run_scoped3A_44, %mul3A_42] : memref<16x10240xf32, #tpu.memory_space<vmem_shared>> -> memref<1x640xf32, #tpu.memory_space<vmem_shared>>
      %dma_start3A_101 = tpu.memref_squeeze %dma_start3A_100 : memref<1x640xf32, #tpu.memory_space<vmem_shared>> -> memref<640xf32, #tpu.memory_space<vmem_shared>>
      %dma_start3A_102 = arith.constant 0 : i32
      %dma_start3A_103 = tpu.memref_slice %arg6[%run_scoped3A_45, %dma_start3A_102] : memref<16x640xf32, #tpu.memory_space<vmem>> -> memref<1x640xf32, #tpu.memory_space<vmem>>
      %dma_start3A_104 = tpu.memref_squeeze %dma_start3A_103 : memref<1x640xf32, #tpu.memory_space<vmem>> -> memref<640xf32, #tpu.memory_space<vmem>>
      %dma_start3A_105 = tpu.memref_slice %arg8[%run_scoped3A_44, %mul3A_42] : memref<16x10240xf32, #tpu.memory_space<vmem_shared>> -> memref<1x640xf32, #tpu.memory_space<vmem_shared>>
      %dma_start3A_106 = tpu.memref_squeeze %dma_start3A_105 : memref<1x640xf32, #tpu.memory_space<vmem_shared>> -> memref<640xf32, #tpu.memory_space<vmem_shared>>
      tpu.enqueue_dma source(%dma_start3A_106 : memref<640xf32, #tpu.memory_space<vmem_shared>>) target(%dma_start3A_104 : memref<640xf32, #tpu.memory_space<vmem>>) target_semaphore(%run_scoped3A_97 : memref<!tpu.dma_semaphore, #tpu.memory_space<semaphore_mem>>)
      %dma_wait3A = arith.constant 0 : i32
      %dma_wait3A_107 = tpu.memref_slice %arg6[%run_scoped3A_45, %dma_wait3A] : memref<16x640xf32, #tpu.memory_space<vmem>> -> memref<1x640xf32, #tpu.memory_space<vmem>>
      %dma_wait3A_108 = tpu.memref_squeeze %dma_wait3A_107 : memref<1x640xf32, #tpu.memory_space<vmem>> -> memref<640xf32, #tpu.memory_space<vmem>>
      %dma_wait3A_109 = tpu.memref_slice %arg8[%run_scoped3A_44, %mul3A_42] : memref<16x10240xf32, #tpu.memory_space<vmem_shared>> -> memref<1x640xf32, #tpu.memory_space<vmem_shared>>
      %dma_wait3A_110 = tpu.memref_squeeze %dma_wait3A_109 : memref<1x640xf32, #tpu.memory_space<vmem_shared>> -> memref<640xf32, #tpu.memory_space<vmem_shared>>
      %dma_wait3A_111 = arith.constant 0 : i32
      %dma_wait3A_112 = tpu.memref_slice %arg6[%run_scoped3A_45, %dma_wait3A_111] : memref<16x640xf32, #tpu.memory_space<vmem>> -> memref<1x640xf32, #tpu.memory_space<vmem>>
      %dma_wait3A_113 = tpu.memref_squeeze %dma_wait3A_112 : memref<1x640xf32, #tpu.memory_space<vmem>> -> memref<640xf32, #tpu.memory_space<vmem>>
      %dma_wait3A_114 = tpu.memref_slice %arg8[%run_scoped3A_44, %mul3A_42] : memref<16x10240xf32, #tpu.memory_space<vmem_shared>> -> memref<1x640xf32, #tpu.memory_space<vmem_shared>>
      %dma_wait3A_115 = tpu.memref_squeeze %dma_wait3A_114 : memref<1x640xf32, #tpu.memory_space<vmem_shared>> -> memref<640xf32, #tpu.memory_space<vmem_shared>>
      tpu.wait_dma2 semaphore(%run_scoped3A_97 : memref<!tpu.dma_semaphore, #tpu.memory_space<semaphore_mem>>) src(%dma_wait3A_115 : memref<640xf32, #tpu.memory_space<vmem_shared>>) dst(%dma_wait3A_113 : memref<640xf32, #tpu.memory_space<vmem>>)
      tpu.yield
    }) : () -> ()
    %run_scoped3A_46 = arith.constant 2 : i32
    %run_scoped3A_47 = arith.constant 2 : i32
    "tpu.region"() ({
      %run_scoped3A_97 = tpu.sem_alloc : memref<!tpu.dma_semaphore, #tpu.memory_space<semaphore_mem>>
      %dma_start3A = arith.constant 0 : i32
      %dma_start3A_98 = tpu.memref_slice %arg6[%run_scoped3A_47, %dma_start3A] : memref<16x640xf32, #tpu.memory_space<vmem>> -> memref<1x640xf32, #tpu.memory_space<vmem>>
      %dma_start3A_99 = tpu.memref_squeeze %dma_start3A_98 : memref<1x640xf32, #tpu.memory_space<vmem>> -> memref<640xf32, #tpu.memory_space<vmem>>
      %dma_start3A_100 = tpu.memref_slice %arg8[%run_scoped3A_46, %mul3A_42] : memref<16x10240xf32, #tpu.memory_space<vmem_shared>> -> memref<1x640xf32, #tpu.memory_space<vmem_shared>>
      %dma_start3A_101 = tpu.memref_squeeze %dma_start3A_100 : memref<1x640xf32, #tpu.memory_space<vmem_shared>> -> memref<640xf32, #tpu.memory_space<vmem_shared>>
      %dma_start3A_102 = arith.constant 0 : i32
      %dma_start3A_103 = tpu.memref_slice %arg6[%run_scoped3A_47, %dma_start3A_102] : memref<16x640xf32, #tpu.memory_space<vmem>> -> memref<1x640xf32, #tpu.memory_space<vmem>>
      %dma_start3A_104 = tpu.memref_squeeze %dma_start3A_103 : memref<1x640xf32, #tpu.memory_space<vmem>> -> memref<640xf32, #tpu.memory_space<vmem>>
      %dma_start3A_105 = tpu.memref_slice %arg8[%run_scoped3A_46, %mul3A_42] : memref<16x10240xf32, #tpu.memory_space<vmem_shared>> -> memref<1x640xf32, #tpu.memory_space<vmem_shared>>
      %dma_start3A_106 = tpu.memref_squeeze %dma_start3A_105 : memref<1x640xf32, #tpu.memory_space<vmem_shared>> -> memref<640xf32, #tpu.memory_space<vmem_shared>>
      tpu.enqueue_dma source(%dma_start3A_106 : memref<640xf32, #tpu.memory_space<vmem_shared>>) target(%dma_start3A_104 : memref<640xf32, #tpu.memory_space<vmem>>) target_semaphore(%run_scoped3A_97 : memref<!tpu.dma_semaphore, #tpu.memory_space<semaphore_mem>>)
      %dma_wait3A = arith.constant 0 : i32
      %dma_wait3A_107 = tpu.memref_slice %arg6[%run_scoped3A_47, %dma_wait3A] : memref<16x640xf32, #tpu.memory_space<vmem>> -> memref<1x640xf32, #tpu.memory_space<vmem>>
      %dma_wait3A_108 = tpu.memref_squeeze %dma_wait3A_107 : memref<1x640xf32, #tpu.memory_space<vmem>> -> memref<640xf32, #tpu.memory_space<vmem>>
      %dma_wait3A_109 = tpu.memref_slice %arg8[%run_scoped3A_46, %mul3A_42] : memref<16x10240xf32, #tpu.memory_space<vmem_shared>> -> memref<1x640xf32, #tpu.memory_space<vmem_shared>>
      %dma_wait3A_110 = tpu.memref_squeeze %dma_wait3A_109 : memref<1x640xf32, #tpu.memory_space<vmem_shared>> -> memref<640xf32, #tpu.memory_space<vmem_shared>>
      %dma_wait3A_111 = arith.constant 0 : i32
      %dma_wait3A_112 = tpu.memref_slice %arg6[%run_scoped3A_47, %dma_wait3A_111] : memref<16x640xf32, #tpu.memory_space<vmem>> -> memref<1x640xf32, #tpu.memory_space<vmem>>
      %dma_wait3A_113 = tpu.memref_squeeze %dma_wait3A_112 : memref<1x640xf32, #tpu.memory_space<vmem>> -> memref<640xf32, #tpu.memory_space<vmem>>
      %dma_wait3A_114 = tpu.memref_slice %arg8[%run_scoped3A_46, %mul3A_42] : memref<16x10240xf32, #tpu.memory_space<vmem_shared>> -> memref<1x640xf32, #tpu.memory_space<vmem_shared>>
      %dma_wait3A_115 = tpu.memref_squeeze %dma_wait3A_114 : memref<1x640xf32, #tpu.memory_space<vmem_shared>> -> memref<640xf32, #tpu.memory_space<vmem_shared>>
      tpu.wait_dma2 semaphore(%run_scoped3A_97 : memref<!tpu.dma_semaphore, #tpu.memory_space<semaphore_mem>>) src(%dma_wait3A_115 : memref<640xf32, #tpu.memory_space<vmem_shared>>) dst(%dma_wait3A_113 : memref<640xf32, #tpu.memory_space<vmem>>)
      tpu.yield
    }) : () -> ()
    %run_scoped3A_48 = arith.constant 3 : i32
    %run_scoped3A_49 = arith.constant 3 : i32
    "tpu.region"() ({
      %run_scoped3A_97 = tpu.sem_alloc : memref<!tpu.dma_semaphore, #tpu.memory_space<semaphore_mem>>
      %dma_start3A = arith.constant 0 : i32
      %dma_start3A_98 = tpu.memref_slice %arg6[%run_scoped3A_49, %dma_start3A] : memref<16x640xf32, #tpu.memory_space<vmem>> -> memref<1x640xf32, #tpu.memory_space<vmem>>
      %dma_start3A_99 = tpu.memref_squeeze %dma_start3A_98 : memref<1x640xf32, #tpu.memory_space<vmem>> -> memref<640xf32, #tpu.memory_space<vmem>>
      %dma_start3A_100 = tpu.memref_slice %arg8[%run_scoped3A_48, %mul3A_42] : memref<16x10240xf32, #tpu.memory_space<vmem_shared>> -> memref<1x640xf32, #tpu.memory_space<vmem_shared>>
      %dma_start3A_101 = tpu.memref_squeeze %dma_start3A_100 : memref<1x640xf32, #tpu.memory_space<vmem_shared>> -> memref<640xf32, #tpu.memory_space<vmem_shared>>
      %dma_start3A_102 = arith.constant 0 : i32
      %dma_start3A_103 = tpu.memref_slice %arg6[%run_scoped3A_49, %dma_start3A_102] : memref<16x640xf32, #tpu.memory_space<vmem>> -> memref<1x640xf32, #tpu.memory_space<vmem>>
      %dma_start3A_104 = tpu.memref_squeeze %dma_start3A_103 : memref<1x640xf32, #tpu.memory_space<vmem>> -> memref<640xf32, #tpu.memory_space<vmem>>
      %dma_start3A_105 = tpu.memref_slice %arg8[%run_scoped3A_48, %mul3A_42] : memref<16x10240xf32, #tpu.memory_space<vmem_shared>> -> memref<1x640xf32, #tpu.memory_space<vmem_shared>>
      %dma_start3A_106 = tpu.memref_squeeze %dma_start3A_105 : memref<1x640xf32, #tpu.memory_space<vmem_shared>> -> memref<640xf32, #tpu.memory_space<vmem_shared>>
      tpu.enqueue_dma source(%dma_start3A_106 : memref<640xf32, #tpu.memory_space<vmem_shared>>) target(%dma_start3A_104 : memref<640xf32, #tpu.memory_space<vmem>>) target_semaphore(%run_scoped3A_97 : memref<!tpu.dma_semaphore, #tpu.memory_space<semaphore_mem>>)
      %dma_wait3A = arith.constant 0 : i32
      %dma_wait3A_107 = tpu.memref_slice %arg6[%run_scoped3A_49, %dma_wait3A] : memref<16x640xf32, #tpu.memory_space<vmem>> -> memref<1x640xf32, #tpu.memory_space<vmem>>
      %dma_wait3A_108 = tpu.memref_squeeze %dma_wait3A_107 : memref<1x640xf32, #tpu.memory_space<vmem>> -> memref<640xf32, #tpu.memory_space<vmem>>
      %dma_wait3A_109 = tpu.memref_slice %arg8[%run_scoped3A_48, %mul3A_42] : memref<16x10240xf32, #tpu.memory_space<vmem_shared>> -> memref<1x640xf32, #tpu.memory_space<vmem_shared>>
      %dma_wait3A_110 = tpu.memref_squeeze %dma_wait3A_109 : memref<1x640xf32, #tpu.memory_space<vmem_shared>> -> memref<640xf32, #tpu.memory_space<vmem_shared>>
      %dma_wait3A_111 = arith.constant 0 : i32
      %dma_wait3A_112 = tpu.memref_slice %arg6[%run_scoped3A_49, %dma_wait3A_111] : memref<16x640xf32, #tpu.memory_space<vmem>> -> memref<1x640xf32, #tpu.memory_space<vmem>>
      %dma_wait3A_113 = tpu.memref_squeeze %dma_wait3A_112 : memref<1x640xf32, #tpu.memory_space<vmem>> -> memref<640xf32, #tpu.memory_space<vmem>>
      %dma_wait3A_114 = tpu.memref_slice %arg8[%run_scoped3A_48, %mul3A_42] : memref<16x10240xf32, #tpu.memory_space<vmem_shared>> -> memref<1x640xf32, #tpu.memory_space<vmem_shared>>
      %dma_wait3A_115 = tpu.memref_squeeze %dma_wait3A_114 : memref<1x640xf32, #tpu.memory_space<vmem_shared>> -> memref<640xf32, #tpu.memory_space<vmem_shared>>
      tpu.wait_dma2 semaphore(%run_scoped3A_97 : memref<!tpu.dma_semaphore, #tpu.memory_space<semaphore_mem>>) src(%dma_wait3A_115 : memref<640xf32, #tpu.memory_space<vmem_shared>>) dst(%dma_wait3A_113 : memref<640xf32, #tpu.memory_space<vmem>>)
      tpu.yield
    }) : () -> ()
    %run_scoped3A_50 = arith.constant 4 : i32
    %run_scoped3A_51 = arith.constant 4 : i32
    "tpu.region"() ({
      %run_scoped3A_97 = tpu.sem_alloc : memref<!tpu.dma_semaphore, #tpu.memory_space<semaphore_mem>>
      %dma_start3A = arith.constant 0 : i32
      %dma_start3A_98 = tpu.memref_slice %arg6[%run_scoped3A_51, %dma_start3A] : memref<16x640xf32, #tpu.memory_space<vmem>> -> memref<1x640xf32, #tpu.memory_space<vmem>>
      %dma_start3A_99 = tpu.memref_squeeze %dma_start3A_98 : memref<1x640xf32, #tpu.memory_space<vmem>> -> memref<640xf32, #tpu.memory_space<vmem>>
      %dma_start3A_100 = tpu.memref_slice %arg8[%run_scoped3A_50, %mul3A_42] : memref<16x10240xf32, #tpu.memory_space<vmem_shared>> -> memref<1x640xf32, #tpu.memory_space<vmem_shared>>
      %dma_start3A_101 = tpu.memref_squeeze %dma_start3A_100 : memref<1x640xf32, #tpu.memory_space<vmem_shared>> -> memref<640xf32, #tpu.memory_space<vmem_shared>>
      %dma_start3A_102 = arith.constant 0 : i32
      %dma_start3A_103 = tpu.memref_slice %arg6[%run_scoped3A_51, %dma_start3A_102] : memref<16x640xf32, #tpu.memory_space<vmem>> -> memref<1x640xf32, #tpu.memory_space<vmem>>
      %dma_start3A_104 = tpu.memref_squeeze %dma_start3A_103 : memref<1x640xf32, #tpu.memory_space<vmem>> -> memref<640xf32, #tpu.memory_space<vmem>>
      %dma_start3A_105 = tpu.memref_slice %arg8[%run_scoped3A_50, %mul3A_42] : memref<16x10240xf32, #tpu.memory_space<vmem_shared>> -> memref<1x640xf32, #tpu.memory_space<vmem_shared>>
      %dma_start3A_106 = tpu.memref_squeeze %dma_start3A_105 : memref<1x640xf32, #tpu.memory_space<vmem_shared>> -> memref<640xf32, #tpu.memory_space<vmem_shared>>
      tpu.enqueue_dma source(%dma_start3A_106 : memref<640xf32, #tpu.memory_space<vmem_shared>>) target(%dma_start3A_104 : memref<640xf32, #tpu.memory_space<vmem>>) target_semaphore(%run_scoped3A_97 : memref<!tpu.dma_semaphore, #tpu.memory_space<semaphore_mem>>)
      %dma_wait3A = arith.constant 0 : i32
      %dma_wait3A_107 = tpu.memref_slice %arg6[%run_scoped3A_51, %dma_wait3A] : memref<16x640xf32, #tpu.memory_space<vmem>> -> memref<1x640xf32, #tpu.memory_space<vmem>>
      %dma_wait3A_108 = tpu.memref_squeeze %dma_wait3A_107 : memref<1x640xf32, #tpu.memory_space<vmem>> -> memref<640xf32, #tpu.memory_space<vmem>>
      %dma_wait3A_109 = tpu.memref_slice %arg8[%run_scoped3A_50, %mul3A_42] : memref<16x10240xf32, #tpu.memory_space<vmem_shared>> -> memref<1x640xf32, #tpu.memory_space<vmem_shared>>
      %dma_wait3A_110 = tpu.memref_squeeze %dma_wait3A_109 : memref<1x640xf32, #tpu.memory_space<vmem_shared>> -> memref<640xf32, #tpu.memory_space<vmem_shared>>
      %dma_wait3A_111 = arith.constant 0 : i32
      %dma_wait3A_112 = tpu.memref_slice %arg6[%run_scoped3A_51, %dma_wait3A_111] : memref<16x640xf32, #tpu.memory_space<vmem>> -> memref<1x640xf32, #tpu.memory_space<vmem>>
      %dma_wait3A_113 = tpu.memref_squeeze %dma_wait3A_112 : memref<1x640xf32, #tpu.memory_space<vmem>> -> memref<640xf32, #tpu.memory_space<vmem>>
      %dma_wait3A_114 = tpu.memref_slice %arg8[%run_scoped3A_50, %mul3A_42] : memref<16x10240xf32, #tpu.memory_space<vmem_shared>> -> memref<1x640xf32, #tpu.memory_space<vmem_shared>>
      %dma_wait3A_115 = tpu.memref_squeeze %dma_wait3A_114 : memref<1x640xf32, #tpu.memory_space<vmem_shared>> -> memref<640xf32, #tpu.memory_space<vmem_shared>>
      tpu.wait_dma2 semaphore(%run_scoped3A_97 : memref<!tpu.dma_semaphore, #tpu.memory_space<semaphore_mem>>) src(%dma_wait3A_115 : memref<640xf32, #tpu.memory_space<vmem_shared>>) dst(%dma_wait3A_113 : memref<640xf32, #tpu.memory_space<vmem>>)
      tpu.yield
    }) : () -> ()
    %run_scoped3A_52 = arith.constant 5 : i32
    %run_scoped3A_53 = arith.constant 5 : i32
    "tpu.region"() ({
      %run_scoped3A_97 = tpu.sem_alloc : memref<!tpu.dma_semaphore, #tpu.memory_space<semaphore_mem>>
      %dma_start3A = arith.constant 0 : i32
      %dma_start3A_98 = tpu.memref_slice %arg6[%run_scoped3A_53, %dma_start3A] : memref<16x640xf32, #tpu.memory_space<vmem>> -> memref<1x640xf32, #tpu.memory_space<vmem>>
      %dma_start3A_99 = tpu.memref_squeeze %dma_start3A_98 : memref<1x640xf32, #tpu.memory_space<vmem>> -> memref<640xf32, #tpu.memory_space<vmem>>
      %dma_start3A_100 = tpu.memref_slice %arg8[%run_scoped3A_52, %mul3A_42] : memref<16x10240xf32, #tpu.memory_space<vmem_shared>> -> memref<1x640xf32, #tpu.memory_space<vmem_shared>>
      %dma_start3A_101 = tpu.memref_squeeze %dma_start3A_100 : memref<1x640xf32, #tpu.memory_space<vmem_shared>> -> memref<640xf32, #tpu.memory_space<vmem_shared>>
      %dma_start3A_102 = arith.constant 0 : i32
      %dma_start3A_103 = tpu.memref_slice %arg6[%run_scoped3A_53, %dma_start3A_102] : memref<16x640xf32, #tpu.memory_space<vmem>> -> memref<1x640xf32, #tpu.memory_space<vmem>>
      %dma_start3A_104 = tpu.memref_squeeze %dma_start3A_103 : memref<1x640xf32, #tpu.memory_space<vmem>> -> memref<640xf32, #tpu.memory_space<vmem>>
      %dma_start3A_105 = tpu.memref_slice %arg8[%run_scoped3A_52, %mul3A_42] : memref<16x10240xf32, #tpu.memory_space<vmem_shared>> -> memref<1x640xf32, #tpu.memory_space<vmem_shared>>
      %dma_start3A_106 = tpu.memref_squeeze %dma_start3A_105 : memref<1x640xf32, #tpu.memory_space<vmem_shared>> -> memref<640xf32, #tpu.memory_space<vmem_shared>>
      tpu.enqueue_dma source(%dma_start3A_106 : memref<640xf32, #tpu.memory_space<vmem_shared>>) target(%dma_start3A_104 : memref<640xf32, #tpu.memory_space<vmem>>) target_semaphore(%run_scoped3A_97 : memref<!tpu.dma_semaphore, #tpu.memory_space<semaphore_mem>>)
      %dma_wait3A = arith.constant 0 : i32
      %dma_wait3A_107 = tpu.memref_slice %arg6[%run_scoped3A_53, %dma_wait3A] : memref<16x640xf32, #tpu.memory_space<vmem>> -> memref<1x640xf32, #tpu.memory_space<vmem>>
      %dma_wait3A_108 = tpu.memref_squeeze %dma_wait3A_107 : memref<1x640xf32, #tpu.memory_space<vmem>> -> memref<640xf32, #tpu.memory_space<vmem>>
      %dma_wait3A_109 = tpu.memref_slice %arg8[%run_scoped3A_52, %mul3A_42] : memref<16x10240xf32, #tpu.memory_space<vmem_shared>> -> memref<1x640xf32, #tpu.memory_space<vmem_shared>>
      %dma_wait3A_110 = tpu.memref_squeeze %dma_wait3A_109 : memref<1x640xf32, #tpu.memory_space<vmem_shared>> -> memref<640xf32, #tpu.memory_space<vmem_shared>>
      %dma_wait3A_111 = arith.constant 0 : i32
      %dma_wait3A_112 = tpu.memref_slice %arg6[%run_scoped3A_53, %dma_wait3A_111] : memref<16x640xf32, #tpu.memory_space<vmem>> -> memref<1x640xf32, #tpu.memory_space<vmem>>
      %dma_wait3A_113 = tpu.memref_squeeze %dma_wait3A_112 : memref<1x640xf32, #tpu.memory_space<vmem>> -> memref<640xf32, #tpu.memory_space<vmem>>
      %dma_wait3A_114 = tpu.memref_slice %arg8[%run_scoped3A_52, %mul3A_42] : memref<16x10240xf32, #tpu.memory_space<vmem_shared>> -> memref<1x640xf32, #tpu.memory_space<vmem_shared>>
      %dma_wait3A_115 = tpu.memref_squeeze %dma_wait3A_114 : memref<1x640xf32, #tpu.memory_space<vmem_shared>> -> memref<640xf32, #tpu.memory_space<vmem_shared>>
      tpu.wait_dma2 semaphore(%run_scoped3A_97 : memref<!tpu.dma_semaphore, #tpu.memory_space<semaphore_mem>>) src(%dma_wait3A_115 : memref<640xf32, #tpu.memory_space<vmem_shared>>) dst(%dma_wait3A_113 : memref<640xf32, #tpu.memory_space<vmem>>)
      tpu.yield
    }) : () -> ()
    %run_scoped3A_54 = arith.constant 6 : i32
    %run_scoped3A_55 = arith.constant 6 : i32
    "tpu.region"() ({
      %run_scoped3A_97 = tpu.sem_alloc : memref<!tpu.dma_semaphore, #tpu.memory_space<semaphore_mem>>
      %dma_start3A = arith.constant 0 : i32
      %dma_start3A_98 = tpu.memref_slice %arg6[%run_scoped3A_55, %dma_start3A] : memref<16x640xf32, #tpu.memory_space<vmem>> -> memref<1x640xf32, #tpu.memory_space<vmem>>
      %dma_start3A_99 = tpu.memref_squeeze %dma_start3A_98 : memref<1x640xf32, #tpu.memory_space<vmem>> -> memref<640xf32, #tpu.memory_space<vmem>>
      %dma_start3A_100 = tpu.memref_slice %arg8[%run_scoped3A_54, %mul3A_42] : memref<16x10240xf32, #tpu.memory_space<vmem_shared>> -> memref<1x640xf32, #tpu.memory_space<vmem_shared>>
      %dma_start3A_101 = tpu.memref_squeeze %dma_start3A_100 : memref<1x640xf32, #tpu.memory_space<vmem_shared>> -> memref<640xf32, #tpu.memory_space<vmem_shared>>
      %dma_start3A_102 = arith.constant 0 : i32
      %dma_start3A_103 = tpu.memref_slice %arg6[%run_scoped3A_55, %dma_start3A_102] : memref<16x640xf32, #tpu.memory_space<vmem>> -> memref<1x640xf32, #tpu.memory_space<vmem>>
      %dma_start3A_104 = tpu.memref_squeeze %dma_start3A_103 : memref<1x640xf32, #tpu.memory_space<vmem>> -> memref<640xf32, #tpu.memory_space<vmem>>
      %dma_start3A_105 = tpu.memref_slice %arg8[%run_scoped3A_54, %mul3A_42] : memref<16x10240xf32, #tpu.memory_space<vmem_shared>> -> memref<1x640xf32, #tpu.memory_space<vmem_shared>>
      %dma_start3A_106 = tpu.memref_squeeze %dma_start3A_105 : memref<1x640xf32, #tpu.memory_space<vmem_shared>> -> memref<640xf32, #tpu.memory_space<vmem_shared>>
      tpu.enqueue_dma source(%dma_start3A_106 : memref<640xf32, #tpu.memory_space<vmem_shared>>) target(%dma_start3A_104 : memref<640xf32, #tpu.memory_space<vmem>>) target_semaphore(%run_scoped3A_97 : memref<!tpu.dma_semaphore, #tpu.memory_space<semaphore_mem>>)
      %dma_wait3A = arith.constant 0 : i32
      %dma_wait3A_107 = tpu.memref_slice %arg6[%run_scoped3A_55, %dma_wait3A] : memref<16x640xf32, #tpu.memory_space<vmem>> -> memref<1x640xf32, #tpu.memory_space<vmem>>
      %dma_wait3A_108 = tpu.memref_squeeze %dma_wait3A_107 : memref<1x640xf32, #tpu.memory_space<vmem>> -> memref<640xf32, #tpu.memory_space<vmem>>
      %dma_wait3A_109 = tpu.memref_slice %arg8[%run_scoped3A_54, %mul3A_42] : memref<16x10240xf32, #tpu.memory_space<vmem_shared>> -> memref<1x640xf32, #tpu.memory_space<vmem_shared>>
      %dma_wait3A_110 = tpu.memref_squeeze %dma_wait3A_109 : memref<1x640xf32, #tpu.memory_space<vmem_shared>> -> memref<640xf32, #tpu.memory_space<vmem_shared>>
      %dma_wait3A_111 = arith.constant 0 : i32
      %dma_wait3A_112 = tpu.memref_slice %arg6[%run_scoped3A_55, %dma_wait3A_111] : memref<16x640xf32, #tpu.memory_space<vmem>> -> memref<1x640xf32, #tpu.memory_space<vmem>>
      %dma_wait3A_113 = tpu.memref_squeeze %dma_wait3A_112 : memref<1x640xf32, #tpu.memory_space<vmem>> -> memref<640xf32, #tpu.memory_space<vmem>>
      %dma_wait3A_114 = tpu.memref_slice %arg8[%run_scoped3A_54, %mul3A_42] : memref<16x10240xf32, #tpu.memory_space<vmem_shared>> -> memref<1x640xf32, #tpu.memory_space<vmem_shared>>
      %dma_wait3A_115 = tpu.memref_squeeze %dma_wait3A_114 : memref<1x640xf32, #tpu.memory_space<vmem_shared>> -> memref<640xf32, #tpu.memory_space<vmem_shared>>
      tpu.wait_dma2 semaphore(%run_scoped3A_97 : memref<!tpu.dma_semaphore, #tpu.memory_space<semaphore_mem>>) src(%dma_wait3A_115 : memref<640xf32, #tpu.memory_space<vmem_shared>>) dst(%dma_wait3A_113 : memref<640xf32, #tpu.memory_space<vmem>>)
      tpu.yield
    }) : () -> ()
    %run_scoped3A_56 = arith.constant 7 : i32
    %run_scoped3A_57 = arith.constant 7 : i32
    "tpu.region"() ({
      %run_scoped3A_97 = tpu.sem_alloc : memref<!tpu.dma_semaphore, #tpu.memory_space<semaphore_mem>>
      %dma_start3A = arith.constant 0 : i32
      %dma_start3A_98 = tpu.memref_slice %arg6[%run_scoped3A_57, %dma_start3A] : memref<16x640xf32, #tpu.memory_space<vmem>> -> memref<1x640xf32, #tpu.memory_space<vmem>>
      %dma_start3A_99 = tpu.memref_squeeze %dma_start3A_98 : memref<1x640xf32, #tpu.memory_space<vmem>> -> memref<640xf32, #tpu.memory_space<vmem>>
      %dma_start3A_100 = tpu.memref_slice %arg8[%run_scoped3A_56, %mul3A_42] : memref<16x10240xf32, #tpu.memory_space<vmem_shared>> -> memref<1x640xf32, #tpu.memory_space<vmem_shared>>
      %dma_start3A_101 = tpu.memref_squeeze %dma_start3A_100 : memref<1x640xf32, #tpu.memory_space<vmem_shared>> -> memref<640xf32, #tpu.memory_space<vmem_shared>>
      %dma_start3A_102 = arith.constant 0 : i32
      %dma_start3A_103 = tpu.memref_slice %arg6[%run_scoped3A_57, %dma_start3A_102] : memref<16x640xf32, #tpu.memory_space<vmem>> -> memref<1x640xf32, #tpu.memory_space<vmem>>
      %dma_start3A_104 = tpu.memref_squeeze %dma_start3A_103 : memref<1x640xf32, #tpu.memory_space<vmem>> -> memref<640xf32, #tpu.memory_space<vmem>>
      %dma_start3A_105 = tpu.memref_slice %arg8[%run_scoped3A_56, %mul3A_42] : memref<16x10240xf32, #tpu.memory_space<vmem_shared>> -> memref<1x640xf32, #tpu.memory_space<vmem_shared>>
      %dma_start3A_106 = tpu.memref_squeeze %dma_start3A_105 : memref<1x640xf32, #tpu.memory_space<vmem_shared>> -> memref<640xf32, #tpu.memory_space<vmem_shared>>
      tpu.enqueue_dma source(%dma_start3A_106 : memref<640xf32, #tpu.memory_space<vmem_shared>>) target(%dma_start3A_104 : memref<640xf32, #tpu.memory_space<vmem>>) target_semaphore(%run_scoped3A_97 : memref<!tpu.dma_semaphore, #tpu.memory_space<semaphore_mem>>)
      %dma_wait3A = arith.constant 0 : i32
      %dma_wait3A_107 = tpu.memref_slice %arg6[%run_scoped3A_57, %dma_wait3A] : memref<16x640xf32, #tpu.memory_space<vmem>> -> memref<1x640xf32, #tpu.memory_space<vmem>>
      %dma_wait3A_108 = tpu.memref_squeeze %dma_wait3A_107 : memref<1x640xf32, #tpu.memory_space<vmem>> -> memref<640xf32, #tpu.memory_space<vmem>>
      %dma_wait3A_109 = tpu.memref_slice %arg8[%run_scoped3A_56, %mul3A_42] : memref<16x10240xf32, #tpu.memory_space<vmem_shared>> -> memref<1x640xf32, #tpu.memory_space<vmem_shared>>
      %dma_wait3A_110 = tpu.memref_squeeze %dma_wait3A_109 : memref<1x640xf32, #tpu.memory_space<vmem_shared>> -> memref<640xf32, #tpu.memory_space<vmem_shared>>
      %dma_wait3A_111 = arith.constant 0 : i32
      %dma_wait3A_112 = tpu.memref_slice %arg6[%run_scoped3A_57, %dma_wait3A_111] : memref<16x640xf32, #tpu.memory_space<vmem>> -> memref<1x640xf32, #tpu.memory_space<vmem>>
      %dma_wait3A_113 = tpu.memref_squeeze %dma_wait3A_112 : memref<1x640xf32, #tpu.memory_space<vmem>> -> memref<640xf32, #tpu.memory_space<vmem>>
      %dma_wait3A_114 = tpu.memref_slice %arg8[%run_scoped3A_56, %mul3A_42] : memref<16x10240xf32, #tpu.memory_space<vmem_shared>> -> memref<1x640xf32, #tpu.memory_space<vmem_shared>>
      %dma_wait3A_115 = tpu.memref_squeeze %dma_wait3A_114 : memref<1x640xf32, #tpu.memory_space<vmem_shared>> -> memref<640xf32, #tpu.memory_space<vmem_shared>>
      tpu.wait_dma2 semaphore(%run_scoped3A_97 : memref<!tpu.dma_semaphore, #tpu.memory_space<semaphore_mem>>) src(%dma_wait3A_115 : memref<640xf32, #tpu.memory_space<vmem_shared>>) dst(%dma_wait3A_113 : memref<640xf32, #tpu.memory_space<vmem>>)
      tpu.yield
    }) : () -> ()
    %run_scoped3A_58 = arith.constant 8 : i32
    %run_scoped3A_59 = arith.constant 8 : i32
    "tpu.region"() ({
      %run_scoped3A_97 = tpu.sem_alloc : memref<!tpu.dma_semaphore, #tpu.memory_space<semaphore_mem>>
      %dma_start3A = arith.constant 0 : i32
      %dma_start3A_98 = tpu.memref_slice %arg6[%run_scoped3A_59, %dma_start3A] : memref<16x640xf32, #tpu.memory_space<vmem>> -> memref<1x640xf32, #tpu.memory_space<vmem>>
      %dma_start3A_99 = tpu.memref_squeeze %dma_start3A_98 : memref<1x640xf32, #tpu.memory_space<vmem>> -> memref<640xf32, #tpu.memory_space<vmem>>
      %dma_start3A_100 = tpu.memref_slice %arg8[%run_scoped3A_58, %mul3A_42] : memref<16x10240xf32, #tpu.memory_space<vmem_shared>> -> memref<1x640xf32, #tpu.memory_space<vmem_shared>>
      %dma_start3A_101 = tpu.memref_squeeze %dma_start3A_100 : memref<1x640xf32, #tpu.memory_space<vmem_shared>> -> memref<640xf32, #tpu.memory_space<vmem_shared>>
      %dma_start3A_102 = arith.constant 0 : i32
      %dma_start3A_103 = tpu.memref_slice %arg6[%run_scoped3A_59, %dma_start3A_102] : memref<16x640xf32, #tpu.memory_space<vmem>> -> memref<1x640xf32, #tpu.memory_space<vmem>>
      %dma_start3A_104 = tpu.memref_squeeze %dma_start3A_103 : memref<1x640xf32, #tpu.memory_space<vmem>> -> memref<640xf32, #tpu.memory_space<vmem>>
      %dma_start3A_105 = tpu.memref_slice %arg8[%run_scoped3A_58, %mul3A_42] : memref<16x10240xf32, #tpu.memory_space<vmem_shared>> -> memref<1x640xf32, #tpu.memory_space<vmem_shared>>
      %dma_start3A_106 = tpu.memref_squeeze %dma_start3A_105 : memref<1x640xf32, #tpu.memory_space<vmem_shared>> -> memref<640xf32, #tpu.memory_space<vmem_shared>>
      tpu.enqueue_dma source(%dma_start3A_106 : memref<640xf32, #tpu.memory_space<vmem_shared>>) target(%dma_start3A_104 : memref<640xf32, #tpu.memory_space<vmem>>) target_semaphore(%run_scoped3A_97 : memref<!tpu.dma_semaphore, #tpu.memory_space<semaphore_mem>>)
      %dma_wait3A = arith.constant 0 : i32
      %dma_wait3A_107 = tpu.memref_slice %arg6[%run_scoped3A_59, %dma_wait3A] : memref<16x640xf32, #tpu.memory_space<vmem>> -> memref<1x640xf32, #tpu.memory_space<vmem>>
      %dma_wait3A_108 = tpu.memref_squeeze %dma_wait3A_107 : memref<1x640xf32, #tpu.memory_space<vmem>> -> memref<640xf32, #tpu.memory_space<vmem>>
      %dma_wait3A_109 = tpu.memref_slice %arg8[%run_scoped3A_58, %mul3A_42] : memref<16x10240xf32, #tpu.memory_space<vmem_shared>> -> memref<1x640xf32, #tpu.memory_space<vmem_shared>>
      %dma_wait3A_110 = tpu.memref_squeeze %dma_wait3A_109 : memref<1x640xf32, #tpu.memory_space<vmem_shared>> -> memref<640xf32, #tpu.memory_space<vmem_shared>>
      %dma_wait3A_111 = arith.constant 0 : i32
      %dma_wait3A_112 = tpu.memref_slice %arg6[%run_scoped3A_59, %dma_wait3A_111] : memref<16x640xf32, #tpu.memory_space<vmem>> -> memref<1x640xf32, #tpu.memory_space<vmem>>
      %dma_wait3A_113 = tpu.memref_squeeze %dma_wait3A_112 : memref<1x640xf32, #tpu.memory_space<vmem>> -> memref<640xf32, #tpu.memory_space<vmem>>
      %dma_wait3A_114 = tpu.memref_slice %arg8[%run_scoped3A_58, %mul3A_42] : memref<16x10240xf32, #tpu.memory_space<vmem_shared>> -> memref<1x640xf32, #tpu.memory_space<vmem_shared>>
      %dma_wait3A_115 = tpu.memref_squeeze %dma_wait3A_114 : memref<1x640xf32, #tpu.memory_space<vmem_shared>> -> memref<640xf32, #tpu.memory_space<vmem_shared>>
      tpu.wait_dma2 semaphore(%run_scoped3A_97 : memref<!tpu.dma_semaphore, #tpu.memory_space<semaphore_mem>>) src(%dma_wait3A_115 : memref<640xf32, #tpu.memory_space<vmem_shared>>) dst(%dma_wait3A_113 : memref<640xf32, #tpu.memory_space<vmem>>)
      tpu.yield
    }) : () -> ()
    %run_scoped3A_60 = arith.constant 9 : i32
    %run_scoped3A_61 = arith.constant 9 : i32
    "tpu.region"() ({
      %run_scoped3A_97 = tpu.sem_alloc : memref<!tpu.dma_semaphore, #tpu.memory_space<semaphore_mem>>
      %dma_start3A = arith.constant 0 : i32
      %dma_start3A_98 = tpu.memref_slice %arg6[%run_scoped3A_61, %dma_start3A] : memref<16x640xf32, #tpu.memory_space<vmem>> -> memref<1x640xf32, #tpu.memory_space<vmem>>
      %dma_start3A_99 = tpu.memref_squeeze %dma_start3A_98 : memref<1x640xf32, #tpu.memory_space<vmem>> -> memref<640xf32, #tpu.memory_space<vmem>>
      %dma_start3A_100 = tpu.memref_slice %arg8[%run_scoped3A_60, %mul3A_42] : memref<16x10240xf32, #tpu.memory_space<vmem_shared>> -> memref<1x640xf32, #tpu.memory_space<vmem_shared>>
      %dma_start3A_101 = tpu.memref_squeeze %dma_start3A_100 : memref<1x640xf32, #tpu.memory_space<vmem_shared>> -> memref<640xf32, #tpu.memory_space<vmem_shared>>
      %dma_start3A_102 = arith.constant 0 : i32
      %dma_start3A_103 = tpu.memref_slice %arg6[%run_scoped3A_61, %dma_start3A_102] : memref<16x640xf32, #tpu.memory_space<vmem>> -> memref<1x640xf32, #tpu.memory_space<vmem>>
      %dma_start3A_104 = tpu.memref_squeeze %dma_start3A_103 : memref<1x640xf32, #tpu.memory_space<vmem>> -> memref<640xf32, #tpu.memory_space<vmem>>
      %dma_start3A_105 = tpu.memref_slice %arg8[%run_scoped3A_60, %mul3A_42] : memref<16x10240xf32, #tpu.memory_space<vmem_shared>> -> memref<1x640xf32, #tpu.memory_space<vmem_shared>>
      %dma_start3A_106 = tpu.memref_squeeze %dma_start3A_105 : memref<1x640xf32, #tpu.memory_space<vmem_shared>> -> memref<640xf32, #tpu.memory_space<vmem_shared>>
      tpu.enqueue_dma source(%dma_start3A_106 : memref<640xf32, #tpu.memory_space<vmem_shared>>) target(%dma_start3A_104 : memref<640xf32, #tpu.memory_space<vmem>>) target_semaphore(%run_scoped3A_97 : memref<!tpu.dma_semaphore, #tpu.memory_space<semaphore_mem>>)
      %dma_wait3A = arith.constant 0 : i32
      %dma_wait3A_107 = tpu.memref_slice %arg6[%run_scoped3A_61, %dma_wait3A] : memref<16x640xf32, #tpu.memory_space<vmem>> -> memref<1x640xf32, #tpu.memory_space<vmem>>
      %dma_wait3A_108 = tpu.memref_squeeze %dma_wait3A_107 : memref<1x640xf32, #tpu.memory_space<vmem>> -> memref<640xf32, #tpu.memory_space<vmem>>
      %dma_wait3A_109 = tpu.memref_slice %arg8[%run_scoped3A_60, %mul3A_42] : memref<16x10240xf32, #tpu.memory_space<vmem_shared>> -> memref<1x640xf32, #tpu.memory_space<vmem_shared>>
      %dma_wait3A_110 = tpu.memref_squeeze %dma_wait3A_109 : memref<1x640xf32, #tpu.memory_space<vmem_shared>> -> memref<640xf32, #tpu.memory_space<vmem_shared>>
      %dma_wait3A_111 = arith.constant 0 : i32
      %dma_wait3A_112 = tpu.memref_slice %arg6[%run_scoped3A_61, %dma_wait3A_111] : memref<16x640xf32, #tpu.memory_space<vmem>> -> memref<1x640xf32, #tpu.memory_space<vmem>>
      %dma_wait3A_113 = tpu.memref_squeeze %dma_wait3A_112 : memref<1x640xf32, #tpu.memory_space<vmem>> -> memref<640xf32, #tpu.memory_space<vmem>>
      %dma_wait3A_114 = tpu.memref_slice %arg8[%run_scoped3A_60, %mul3A_42] : memref<16x10240xf32, #tpu.memory_space<vmem_shared>> -> memref<1x640xf32, #tpu.memory_space<vmem_shared>>
      %dma_wait3A_115 = tpu.memref_squeeze %dma_wait3A_114 : memref<1x640xf32, #tpu.memory_space<vmem_shared>> -> memref<640xf32, #tpu.memory_space<vmem_shared>>
      tpu.wait_dma2 semaphore(%run_scoped3A_97 : memref<!tpu.dma_semaphore, #tpu.memory_space<semaphore_mem>>) src(%dma_wait3A_115 : memref<640xf32, #tpu.memory_space<vmem_shared>>) dst(%dma_wait3A_113 : memref<640xf32, #tpu.memory_space<vmem>>)
      tpu.yield
    }) : () -> ()
    %run_scoped3A_62 = arith.constant 10 : i32
    %run_scoped3A_63 = arith.constant 10 : i32
    "tpu.region"() ({
      %run_scoped3A_97 = tpu.sem_alloc : memref<!tpu.dma_semaphore, #tpu.memory_space<semaphore_mem>>
      %dma_start3A = arith.constant 0 : i32
      %dma_start3A_98 = tpu.memref_slice %arg6[%run_scoped3A_63, %dma_start3A] : memref<16x640xf32, #tpu.memory_space<vmem>> -> memref<1x640xf32, #tpu.memory_space<vmem>>
      %dma_start3A_99 = tpu.memref_squeeze %dma_start3A_98 : memref<1x640xf32, #tpu.memory_space<vmem>> -> memref<640xf32, #tpu.memory_space<vmem>>
      %dma_start3A_100 = tpu.memref_slice %arg8[%run_scoped3A_62, %mul3A_42] : memref<16x10240xf32, #tpu.memory_space<vmem_shared>> -> memref<1x640xf32, #tpu.memory_space<vmem_shared>>
      %dma_start3A_101 = tpu.memref_squeeze %dma_start3A_100 : memref<1x640xf32, #tpu.memory_space<vmem_shared>> -> memref<640xf32, #tpu.memory_space<vmem_shared>>
      %dma_start3A_102 = arith.constant 0 : i32
      %dma_start3A_103 = tpu.memref_slice %arg6[%run_scoped3A_63, %dma_start3A_102] : memref<16x640xf32, #tpu.memory_space<vmem>> -> memref<1x640xf32, #tpu.memory_space<vmem>>
      %dma_start3A_104 = tpu.memref_squeeze %dma_start3A_103 : memref<1x640xf32, #tpu.memory_space<vmem>> -> memref<640xf32, #tpu.memory_space<vmem>>
      %dma_start3A_105 = tpu.memref_slice %arg8[%run_scoped3A_62, %mul3A_42] : memref<16x10240xf32, #tpu.memory_space<vmem_shared>> -> memref<1x640xf32, #tpu.memory_space<vmem_shared>>
      %dma_start3A_106 = tpu.memref_squeeze %dma_start3A_105 : memref<1x640xf32, #tpu.memory_space<vmem_shared>> -> memref<640xf32, #tpu.memory_space<vmem_shared>>
      tpu.enqueue_dma source(%dma_start3A_106 : memref<640xf32, #tpu.memory_space<vmem_shared>>) target(%dma_start3A_104 : memref<640xf32, #tpu.memory_space<vmem>>) target_semaphore(%run_scoped3A_97 : memref<!tpu.dma_semaphore, #tpu.memory_space<semaphore_mem>>)
      %dma_wait3A = arith.constant 0 : i32
      %dma_wait3A_107 = tpu.memref_slice %arg6[%run_scoped3A_63, %dma_wait3A] : memref<16x640xf32, #tpu.memory_space<vmem>> -> memref<1x640xf32, #tpu.memory_space<vmem>>
      %dma_wait3A_108 = tpu.memref_squeeze %dma_wait3A_107 : memref<1x640xf32, #tpu.memory_space<vmem>> -> memref<640xf32, #tpu.memory_space<vmem>>
      %dma_wait3A_109 = tpu.memref_slice %arg8[%run_scoped3A_62, %mul3A_42] : memref<16x10240xf32, #tpu.memory_space<vmem_shared>> -> memref<1x640xf32, #tpu.memory_space<vmem_shared>>
      %dma_wait3A_110 = tpu.memref_squeeze %dma_wait3A_109 : memref<1x640xf32, #tpu.memory_space<vmem_shared>> -> memref<640xf32, #tpu.memory_space<vmem_shared>>
      %dma_wait3A_111 = arith.constant 0 : i32
      %dma_wait3A_112 = tpu.memref_slice %arg6[%run_scoped3A_63, %dma_wait3A_111] : memref<16x640xf32, #tpu.memory_space<vmem>> -> memref<1x640xf32, #tpu.memory_space<vmem>>
      %dma_wait3A_113 = tpu.memref_squeeze %dma_wait3A_112 : memref<1x640xf32, #tpu.memory_space<vmem>> -> memref<640xf32, #tpu.memory_space<vmem>>
      %dma_wait3A_114 = tpu.memref_slice %arg8[%run_scoped3A_62, %mul3A_42] : memref<16x10240xf32, #tpu.memory_space<vmem_shared>> -> memref<1x640xf32, #tpu.memory_space<vmem_shared>>
      %dma_wait3A_115 = tpu.memref_squeeze %dma_wait3A_114 : memref<1x640xf32, #tpu.memory_space<vmem_shared>> -> memref<640xf32, #tpu.memory_space<vmem_shared>>
      tpu.wait_dma2 semaphore(%run_scoped3A_97 : memref<!tpu.dma_semaphore, #tpu.memory_space<semaphore_mem>>) src(%dma_wait3A_115 : memref<640xf32, #tpu.memory_space<vmem_shared>>) dst(%dma_wait3A_113 : memref<640xf32, #tpu.memory_space<vmem>>)
      tpu.yield
    }) : () -> ()
    %run_scoped3A_64 = arith.constant 11 : i32
    %run_scoped3A_65 = arith.constant 11 : i32
    "tpu.region"() ({
      %run_scoped3A_97 = tpu.sem_alloc : memref<!tpu.dma_semaphore, #tpu.memory_space<semaphore_mem>>
      %dma_start3A = arith.constant 0 : i32
      %dma_start3A_98 = tpu.memref_slice %arg6[%run_scoped3A_65, %dma_start3A] : memref<16x640xf32, #tpu.memory_space<vmem>> -> memref<1x640xf32, #tpu.memory_space<vmem>>
      %dma_start3A_99 = tpu.memref_squeeze %dma_start3A_98 : memref<1x640xf32, #tpu.memory_space<vmem>> -> memref<640xf32, #tpu.memory_space<vmem>>
      %dma_start3A_100 = tpu.memref_slice %arg8[%run_scoped3A_64, %mul3A_42] : memref<16x10240xf32, #tpu.memory_space<vmem_shared>> -> memref<1x640xf32, #tpu.memory_space<vmem_shared>>
      %dma_start3A_101 = tpu.memref_squeeze %dma_start3A_100 : memref<1x640xf32, #tpu.memory_space<vmem_shared>> -> memref<640xf32, #tpu.memory_space<vmem_shared>>
      %dma_start3A_102 = arith.constant 0 : i32
      %dma_start3A_103 = tpu.memref_slice %arg6[%run_scoped3A_65, %dma_start3A_102] : memref<16x640xf32, #tpu.memory_space<vmem>> -> memref<1x640xf32, #tpu.memory_space<vmem>>
      %dma_start3A_104 = tpu.memref_squeeze %dma_start3A_103 : memref<1x640xf32, #tpu.memory_space<vmem>> -> memref<640xf32, #tpu.memory_space<vmem>>
      %dma_start3A_105 = tpu.memref_slice %arg8[%run_scoped3A_64, %mul3A_42] : memref<16x10240xf32, #tpu.memory_space<vmem_shared>> -> memref<1x640xf32, #tpu.memory_space<vmem_shared>>
      %dma_start3A_106 = tpu.memref_squeeze %dma_start3A_105 : memref<1x640xf32, #tpu.memory_space<vmem_shared>> -> memref<640xf32, #tpu.memory_space<vmem_shared>>
      tpu.enqueue_dma source(%dma_start3A_106 : memref<640xf32, #tpu.memory_space<vmem_shared>>) target(%dma_start3A_104 : memref<640xf32, #tpu.memory_space<vmem>>) target_semaphore(%run_scoped3A_97 : memref<!tpu.dma_semaphore, #tpu.memory_space<semaphore_mem>>)
      %dma_wait3A = arith.constant 0 : i32
      %dma_wait3A_107 = tpu.memref_slice %arg6[%run_scoped3A_65, %dma_wait3A] : memref<16x640xf32, #tpu.memory_space<vmem>> -> memref<1x640xf32, #tpu.memory_space<vmem>>
      %dma_wait3A_108 = tpu.memref_squeeze %dma_wait3A_107 : memref<1x640xf32, #tpu.memory_space<vmem>> -> memref<640xf32, #tpu.memory_space<vmem>>
      %dma_wait3A_109 = tpu.memref_slice %arg8[%run_scoped3A_64, %mul3A_42] : memref<16x10240xf32, #tpu.memory_space<vmem_shared>> -> memref<1x640xf32, #tpu.memory_space<vmem_shared>>
      %dma_wait3A_110 = tpu.memref_squeeze %dma_wait3A_109 : memref<1x640xf32, #tpu.memory_space<vmem_shared>> -> memref<640xf32, #tpu.memory_space<vmem_shared>>
      %dma_wait3A_111 = arith.constant 0 : i32
      %dma_wait3A_112 = tpu.memref_slice %arg6[%run_scoped3A_65, %dma_wait3A_111] : memref<16x640xf32, #tpu.memory_space<vmem>> -> memref<1x640xf32, #tpu.memory_space<vmem>>
      %dma_wait3A_113 = tpu.memref_squeeze %dma_wait3A_112 : memref<1x640xf32, #tpu.memory_space<vmem>> -> memref<640xf32, #tpu.memory_space<vmem>>
      %dma_wait3A_114 = tpu.memref_slice %arg8[%run_scoped3A_64, %mul3A_42] : memref<16x10240xf32, #tpu.memory_space<vmem_shared>> -> memref<1x640xf32, #tpu.memory_space<vmem_shared>>
      %dma_wait3A_115 = tpu.memref_squeeze %dma_wait3A_114 : memref<1x640xf32, #tpu.memory_space<vmem_shared>> -> memref<640xf32, #tpu.memory_space<vmem_shared>>
      tpu.wait_dma2 semaphore(%run_scoped3A_97 : memref<!tpu.dma_semaphore, #tpu.memory_space<semaphore_mem>>) src(%dma_wait3A_115 : memref<640xf32, #tpu.memory_space<vmem_shared>>) dst(%dma_wait3A_113 : memref<640xf32, #tpu.memory_space<vmem>>)
      tpu.yield
    }) : () -> ()
    %run_scoped3A_66 = arith.constant 12 : i32
    %run_scoped3A_67 = arith.constant 12 : i32
    "tpu.region"() ({
      %run_scoped3A_97 = tpu.sem_alloc : memref<!tpu.dma_semaphore, #tpu.memory_space<semaphore_mem>>
      %dma_start3A = arith.constant 0 : i32
      %dma_start3A_98 = tpu.memref_slice %arg6[%run_scoped3A_67, %dma_start3A] : memref<16x640xf32, #tpu.memory_space<vmem>> -> memref<1x640xf32, #tpu.memory_space<vmem>>
      %dma_start3A_99 = tpu.memref_squeeze %dma_start3A_98 : memref<1x640xf32, #tpu.memory_space<vmem>> -> memref<640xf32, #tpu.memory_space<vmem>>
      %dma_start3A_100 = tpu.memref_slice %arg8[%run_scoped3A_66, %mul3A_42] : memref<16x10240xf32, #tpu.memory_space<vmem_shared>> -> memref<1x640xf32, #tpu.memory_space<vmem_shared>>
      %dma_start3A_101 = tpu.memref_squeeze %dma_start3A_100 : memref<1x640xf32, #tpu.memory_space<vmem_shared>> -> memref<640xf32, #tpu.memory_space<vmem_shared>>
      %dma_start3A_102 = arith.constant 0 : i32
      %dma_start3A_103 = tpu.memref_slice %arg6[%run_scoped3A_67, %dma_start3A_102] : memref<16x640xf32, #tpu.memory_space<vmem>> -> memref<1x640xf32, #tpu.memory_space<vmem>>
      %dma_start3A_104 = tpu.memref_squeeze %dma_start3A_103 : memref<1x640xf32, #tpu.memory_space<vmem>> -> memref<640xf32, #tpu.memory_space<vmem>>
      %dma_start3A_105 = tpu.memref_slice %arg8[%run_scoped3A_66, %mul3A_42] : memref<16x10240xf32, #tpu.memory_space<vmem_shared>> -> memref<1x640xf32, #tpu.memory_space<vmem_shared>>
      %dma_start3A_106 = tpu.memref_squeeze %dma_start3A_105 : memref<1x640xf32, #tpu.memory_space<vmem_shared>> -> memref<640xf32, #tpu.memory_space<vmem_shared>>
      tpu.enqueue_dma source(%dma_start3A_106 : memref<640xf32, #tpu.memory_space<vmem_shared>>) target(%dma_start3A_104 : memref<640xf32, #tpu.memory_space<vmem>>) target_semaphore(%run_scoped3A_97 : memref<!tpu.dma_semaphore, #tpu.memory_space<semaphore_mem>>)
      %dma_wait3A = arith.constant 0 : i32
      %dma_wait3A_107 = tpu.memref_slice %arg6[%run_scoped3A_67, %dma_wait3A] : memref<16x640xf32, #tpu.memory_space<vmem>> -> memref<1x640xf32, #tpu.memory_space<vmem>>
      %dma_wait3A_108 = tpu.memref_squeeze %dma_wait3A_107 : memref<1x640xf32, #tpu.memory_space<vmem>> -> memref<640xf32, #tpu.memory_space<vmem>>
      %dma_wait3A_109 = tpu.memref_slice %arg8[%run_scoped3A_66, %mul3A_42] : memref<16x10240xf32, #tpu.memory_space<vmem_shared>> -> memref<1x640xf32, #tpu.memory_space<vmem_shared>>
      %dma_wait3A_110 = tpu.memref_squeeze %dma_wait3A_109 : memref<1x640xf32, #tpu.memory_space<vmem_shared>> -> memref<640xf32, #tpu.memory_space<vmem_shared>>
      %dma_wait3A_111 = arith.constant 0 : i32
      %dma_wait3A_112 = tpu.memref_slice %arg6[%run_scoped3A_67, %dma_wait3A_111] : memref<16x640xf32, #tpu.memory_space<vmem>> -> memref<1x640xf32, #tpu.memory_space<vmem>>
      %dma_wait3A_113 = tpu.memref_squeeze %dma_wait3A_112 : memref<1x640xf32, #tpu.memory_space<vmem>> -> memref<640xf32, #tpu.memory_space<vmem>>
      %dma_wait3A_114 = tpu.memref_slice %arg8[%run_scoped3A_66, %mul3A_42] : memref<16x10240xf32, #tpu.memory_space<vmem_shared>> -> memref<1x640xf32, #tpu.memory_space<vmem_shared>>
      %dma_wait3A_115 = tpu.memref_squeeze %dma_wait3A_114 : memref<1x640xf32, #tpu.memory_space<vmem_shared>> -> memref<640xf32, #tpu.memory_space<vmem_shared>>
      tpu.wait_dma2 semaphore(%run_scoped3A_97 : memref<!tpu.dma_semaphore, #tpu.memory_space<semaphore_mem>>) src(%dma_wait3A_115 : memref<640xf32, #tpu.memory_space<vmem_shared>>) dst(%dma_wait3A_113 : memref<640xf32, #tpu.memory_space<vmem>>)
      tpu.yield
    }) : () -> ()
    %run_scoped3A_68 = arith.constant 13 : i32
    %run_scoped3A_69 = arith.constant 13 : i32
    "tpu.region"() ({
      %run_scoped3A_97 = tpu.sem_alloc : memref<!tpu.dma_semaphore, #tpu.memory_space<semaphore_mem>>
      %dma_start3A = arith.constant 0 : i32
      %dma_start3A_98 = tpu.memref_slice %arg6[%run_scoped3A_69, %dma_start3A] : memref<16x640xf32, #tpu.memory_space<vmem>> -> memref<1x640xf32, #tpu.memory_space<vmem>>
      %dma_start3A_99 = tpu.memref_squeeze %dma_start3A_98 : memref<1x640xf32, #tpu.memory_space<vmem>> -> memref<640xf32, #tpu.memory_space<vmem>>
      %dma_start3A_100 = tpu.memref_slice %arg8[%run_scoped3A_68, %mul3A_42] : memref<16x10240xf32, #tpu.memory_space<vmem_shared>> -> memref<1x640xf32, #tpu.memory_space<vmem_shared>>
      %dma_start3A_101 = tpu.memref_squeeze %dma_start3A_100 : memref<1x640xf32, #tpu.memory_space<vmem_shared>> -> memref<640xf32, #tpu.memory_space<vmem_shared>>
      %dma_start3A_102 = arith.constant 0 : i32
      %dma_start3A_103 = tpu.memref_slice %arg6[%run_scoped3A_69, %dma_start3A_102] : memref<16x640xf32, #tpu.memory_space<vmem>> -> memref<1x640xf32, #tpu.memory_space<vmem>>
      %dma_start3A_104 = tpu.memref_squeeze %dma_start3A_103 : memref<1x640xf32, #tpu.memory_space<vmem>> -> memref<640xf32, #tpu.memory_space<vmem>>
      %dma_start3A_105 = tpu.memref_slice %arg8[%run_scoped3A_68, %mul3A_42] : memref<16x10240xf32, #tpu.memory_space<vmem_shared>> -> memref<1x640xf32, #tpu.memory_space<vmem_shared>>
      %dma_start3A_106 = tpu.memref_squeeze %dma_start3A_105 : memref<1x640xf32, #tpu.memory_space<vmem_shared>> -> memref<640xf32, #tpu.memory_space<vmem_shared>>
      tpu.enqueue_dma source(%dma_start3A_106 : memref<640xf32, #tpu.memory_space<vmem_shared>>) target(%dma_start3A_104 : memref<640xf32, #tpu.memory_space<vmem>>) target_semaphore(%run_scoped3A_97 : memref<!tpu.dma_semaphore, #tpu.memory_space<semaphore_mem>>)
      %dma_wait3A = arith.constant 0 : i32
      %dma_wait3A_107 = tpu.memref_slice %arg6[%run_scoped3A_69, %dma_wait3A] : memref<16x640xf32, #tpu.memory_space<vmem>> -> memref<1x640xf32, #tpu.memory_space<vmem>>
      %dma_wait3A_108 = tpu.memref_squeeze %dma_wait3A_107 : memref<1x640xf32, #tpu.memory_space<vmem>> -> memref<640xf32, #tpu.memory_space<vmem>>
      %dma_wait3A_109 = tpu.memref_slice %arg8[%run_scoped3A_68, %mul3A_42] : memref<16x10240xf32, #tpu.memory_space<vmem_shared>> -> memref<1x640xf32, #tpu.memory_space<vmem_shared>>
      %dma_wait3A_110 = tpu.memref_squeeze %dma_wait3A_109 : memref<1x640xf32, #tpu.memory_space<vmem_shared>> -> memref<640xf32, #tpu.memory_space<vmem_shared>>
      %dma_wait3A_111 = arith.constant 0 : i32
      %dma_wait3A_112 = tpu.memref_slice %arg6[%run_scoped3A_69, %dma_wait3A_111] : memref<16x640xf32, #tpu.memory_space<vmem>> -> memref<1x640xf32, #tpu.memory_space<vmem>>
      %dma_wait3A_113 = tpu.memref_squeeze %dma_wait3A_112 : memref<1x640xf32, #tpu.memory_space<vmem>> -> memref<640xf32, #tpu.memory_space<vmem>>
      %dma_wait3A_114 = tpu.memref_slice %arg8[%run_scoped3A_68, %mul3A_42] : memref<16x10240xf32, #tpu.memory_space<vmem_shared>> -> memref<1x640xf32, #tpu.memory_space<vmem_shared>>
      %dma_wait3A_115 = tpu.memref_squeeze %dma_wait3A_114 : memref<1x640xf32, #tpu.memory_space<vmem_shared>> -> memref<640xf32, #tpu.memory_space<vmem_shared>>
      tpu.wait_dma2 semaphore(%run_scoped3A_97 : memref<!tpu.dma_semaphore, #tpu.memory_space<semaphore_mem>>) src(%dma_wait3A_115 : memref<640xf32, #tpu.memory_space<vmem_shared>>) dst(%dma_wait3A_113 : memref<640xf32, #tpu.memory_space<vmem>>)
      tpu.yield
    }) : () -> ()
    %run_scoped3A_70 = arith.constant 14 : i32
    %run_scoped3A_71 = arith.constant 14 : i32
    "tpu.region"() ({
      %run_scoped3A_97 = tpu.sem_alloc : memref<!tpu.dma_semaphore, #tpu.memory_space<semaphore_mem>>
      %dma_start3A = arith.constant 0 : i32
      %dma_start3A_98 = tpu.memref_slice %arg6[%run_scoped3A_71, %dma_start3A] : memref<16x640xf32, #tpu.memory_space<vmem>> -> memref<1x640xf32, #tpu.memory_space<vmem>>
      %dma_start3A_99 = tpu.memref_squeeze %dma_start3A_98 : memref<1x640xf32, #tpu.memory_space<vmem>> -> memref<640xf32, #tpu.memory_space<vmem>>
      %dma_start3A_100 = tpu.memref_slice %arg8[%run_scoped3A_70, %mul3A_42] : memref<16x10240xf32, #tpu.memory_space<vmem_shared>> -> memref<1x640xf32, #tpu.memory_space<vmem_shared>>
      %dma_start3A_101 = tpu.memref_squeeze %dma_start3A_100 : memref<1x640xf32, #tpu.memory_space<vmem_shared>> -> memref<640xf32, #tpu.memory_space<vmem_shared>>
      %dma_start3A_102 = arith.constant 0 : i32
      %dma_start3A_103 = tpu.memref_slice %arg6[%run_scoped3A_71, %dma_start3A_102] : memref<16x640xf32, #tpu.memory_space<vmem>> -> memref<1x640xf32, #tpu.memory_space<vmem>>
      %dma_start3A_104 = tpu.memref_squeeze %dma_start3A_103 : memref<1x640xf32, #tpu.memory_space<vmem>> -> memref<640xf32, #tpu.memory_space<vmem>>
      %dma_start3A_105 = tpu.memref_slice %arg8[%run_scoped3A_70, %mul3A_42] : memref<16x10240xf32, #tpu.memory_space<vmem_shared>> -> memref<1x640xf32, #tpu.memory_space<vmem_shared>>
      %dma_start3A_106 = tpu.memref_squeeze %dma_start3A_105 : memref<1x640xf32, #tpu.memory_space<vmem_shared>> -> memref<640xf32, #tpu.memory_space<vmem_shared>>
      tpu.enqueue_dma source(%dma_start3A_106 : memref<640xf32, #tpu.memory_space<vmem_shared>>) target(%dma_start3A_104 : memref<640xf32, #tpu.memory_space<vmem>>) target_semaphore(%run_scoped3A_97 : memref<!tpu.dma_semaphore, #tpu.memory_space<semaphore_mem>>)
      %dma_wait3A = arith.constant 0 : i32
      %dma_wait3A_107 = tpu.memref_slice %arg6[%run_scoped3A_71, %dma_wait3A] : memref<16x640xf32, #tpu.memory_space<vmem>> -> memref<1x640xf32, #tpu.memory_space<vmem>>
      %dma_wait3A_108 = tpu.memref_squeeze %dma_wait3A_107 : memref<1x640xf32, #tpu.memory_space<vmem>> -> memref<640xf32, #tpu.memory_space<vmem>>
      %dma_wait3A_109 = tpu.memref_slice %arg8[%run_scoped3A_70, %mul3A_42] : memref<16x10240xf32, #tpu.memory_space<vmem_shared>> -> memref<1x640xf32, #tpu.memory_space<vmem_shared>>
      %dma_wait3A_110 = tpu.memref_squeeze %dma_wait3A_109 : memref<1x640xf32, #tpu.memory_space<vmem_shared>> -> memref<640xf32, #tpu.memory_space<vmem_shared>>
      %dma_wait3A_111 = arith.constant 0 : i32
      %dma_wait3A_112 = tpu.memref_slice %arg6[%run_scoped3A_71, %dma_wait3A_111] : memref<16x640xf32, #tpu.memory_space<vmem>> -> memref<1x640xf32, #tpu.memory_space<vmem>>
      %dma_wait3A_113 = tpu.memref_squeeze %dma_wait3A_112 : memref<1x640xf32, #tpu.memory_space<vmem>> -> memref<640xf32, #tpu.memory_space<vmem>>
      %dma_wait3A_114 = tpu.memref_slice %arg8[%run_scoped3A_70, %mul3A_42] : memref<16x10240xf32, #tpu.memory_space<vmem_shared>> -> memref<1x640xf32, #tpu.memory_space<vmem_shared>>
      %dma_wait3A_115 = tpu.memref_squeeze %dma_wait3A_114 : memref<1x640xf32, #tpu.memory_space<vmem_shared>> -> memref<640xf32, #tpu.memory_space<vmem_shared>>
      tpu.wait_dma2 semaphore(%run_scoped3A_97 : memref<!tpu.dma_semaphore, #tpu.memory_space<semaphore_mem>>) src(%dma_wait3A_115 : memref<640xf32, #tpu.memory_space<vmem_shared>>) dst(%dma_wait3A_113 : memref<640xf32, #tpu.memory_space<vmem>>)
      tpu.yield
    }) : () -> ()
    %run_scoped3A_72 = arith.constant 15 : i32
    %run_scoped3A_73 = arith.constant 15 : i32
    "tpu.region"() ({
      %run_scoped3A_97 = tpu.sem_alloc : memref<!tpu.dma_semaphore, #tpu.memory_space<semaphore_mem>>
      %dma_start3A = arith.constant 0 : i32
      %dma_start3A_98 = tpu.memref_slice %arg6[%run_scoped3A_73, %dma_start3A] : memref<16x640xf32, #tpu.memory_space<vmem>> -> memref<1x640xf32, #tpu.memory_space<vmem>>
      %dma_start3A_99 = tpu.memref_squeeze %dma_start3A_98 : memref<1x640xf32, #tpu.memory_space<vmem>> -> memref<640xf32, #tpu.memory_space<vmem>>
      %dma_start3A_100 = tpu.memref_slice %arg8[%run_scoped3A_72, %mul3A_42] : memref<16x10240xf32, #tpu.memory_space<vmem_shared>> -> memref<1x640xf32, #tpu.memory_space<vmem_shared>>
      %dma_start3A_101 = tpu.memref_squeeze %dma_start3A_100 : memref<1x640xf32, #tpu.memory_space<vmem_shared>> -> memref<640xf32, #tpu.memory_space<vmem_shared>>
      %dma_start3A_102 = arith.constant 0 : i32
      %dma_start3A_103 = tpu.memref_slice %arg6[%run_scoped3A_73, %dma_start3A_102] : memref<16x640xf32, #tpu.memory_space<vmem>> -> memref<1x640xf32, #tpu.memory_space<vmem>>
      %dma_start3A_104 = tpu.memref_squeeze %dma_start3A_103 : memref<1x640xf32, #tpu.memory_space<vmem>> -> memref<640xf32, #tpu.memory_space<vmem>>
      %dma_start3A_105 = tpu.memref_slice %arg8[%run_scoped3A_72, %mul3A_42] : memref<16x10240xf32, #tpu.memory_space<vmem_shared>> -> memref<1x640xf32, #tpu.memory_space<vmem_shared>>
      %dma_start3A_106 = tpu.memref_squeeze %dma_start3A_105 : memref<1x640xf32, #tpu.memory_space<vmem_shared>> -> memref<640xf32, #tpu.memory_space<vmem_shared>>
      tpu.enqueue_dma source(%dma_start3A_106 : memref<640xf32, #tpu.memory_space<vmem_shared>>) target(%dma_start3A_104 : memref<640xf32, #tpu.memory_space<vmem>>) target_semaphore(%run_scoped3A_97 : memref<!tpu.dma_semaphore, #tpu.memory_space<semaphore_mem>>)
      %dma_wait3A = arith.constant 0 : i32
      %dma_wait3A_107 = tpu.memref_slice %arg6[%run_scoped3A_73, %dma_wait3A] : memref<16x640xf32, #tpu.memory_space<vmem>> -> memref<1x640xf32, #tpu.memory_space<vmem>>
      %dma_wait3A_108 = tpu.memref_squeeze %dma_wait3A_107 : memref<1x640xf32, #tpu.memory_space<vmem>> -> memref<640xf32, #tpu.memory_space<vmem>>
      %dma_wait3A_109 = tpu.memref_slice %arg8[%run_scoped3A_72, %mul3A_42] : memref<16x10240xf32, #tpu.memory_space<vmem_shared>> -> memref<1x640xf32, #tpu.memory_space<vmem_shared>>
      %dma_wait3A_110 = tpu.memref_squeeze %dma_wait3A_109 : memref<1x640xf32, #tpu.memory_space<vmem_shared>> -> memref<640xf32, #tpu.memory_space<vmem_shared>>
      %dma_wait3A_111 = arith.constant 0 : i32
      %dma_wait3A_112 = tpu.memref_slice %arg6[%run_scoped3A_73, %dma_wait3A_111] : memref<16x640xf32, #tpu.memory_space<vmem>> -> memref<1x640xf32, #tpu.memory_space<vmem>>
      %dma_wait3A_113 = tpu.memref_squeeze %dma_wait3A_112 : memref<1x640xf32, #tpu.memory_space<vmem>> -> memref<640xf32, #tpu.memory_space<vmem>>
      %dma_wait3A_114 = tpu.memref_slice %arg8[%run_scoped3A_72, %mul3A_42] : memref<16x10240xf32, #tpu.memory_space<vmem_shared>> -> memref<1x640xf32, #tpu.memory_space<vmem_shared>>
      %dma_wait3A_115 = tpu.memref_squeeze %dma_wait3A_114 : memref<1x640xf32, #tpu.memory_space<vmem_shared>> -> memref<640xf32, #tpu.memory_space<vmem_shared>>
      tpu.wait_dma2 semaphore(%run_scoped3A_97 : memref<!tpu.dma_semaphore, #tpu.memory_space<semaphore_mem>>) src(%dma_wait3A_115 : memref<640xf32, #tpu.memory_space<vmem_shared>>) dst(%dma_wait3A_113 : memref<640xf32, #tpu.memory_space<vmem>>)
      tpu.yield
    }) : () -> ()
    %sub3A_74 = arith.constant 40 : i32
    %sub3A_75 = arith.constant 0 : i32
    %sub3A_76 = arith.subi %sub3A_74, %sub3A_75 : i32
    %sub3A_77 = arith.constant 1 : i32
    %sub3A_78 = arith.constant 1 : i32
    %sub3A_79 = arith.subi %sub3A_77, %sub3A_78 : i32
    %add3A_80 = arith.addi %sub3A_76, %sub3A_79 : i32
    %div3A_81 = arith.constant 1 : i32
    %div3A_82 = arith.divsi %add3A_80, %div3A_81 : i32
    %while3A_83 = arith.constant 1 : i32
    %while3A_84 = arith.constant 0 : i32
    %while3A_85 = arith.constant 0 : i32
    %while3A_86 = arith.subi %div3A_82, %while3A_85 : i32
    %while3A_87 = arith.addi %while3A_85, %while3A_86 : i32
    %while3A_88 = arith.constant 1 : i32
    %while3A_89 = arith.divsi %while3A_86, %while3A_88 : i32
    %while3A_90 = arith.muli %while3A_89, %while3A_88 : i32
    %while3A_91 = arith.addi %while3A_85, %while3A_90 : i32
    %while3A_92 = arith.constant 1 : i32
    scf.for %while3A_97 = %while3A_85 to %while3A_91 step %while3A_92  : i32 {
      %mul3A_98 = arith.muli %while3A_97, %while3A_83 : i32
      %add3A_99 = arith.addi %while3A_84, %mul3A_98 : i32
      %mul3A_100 = arith.constant 16 : i32
      %mul3A_101 = arith.muli %add3A_99, %mul3A_100 : i32
      %get3A = arith.constant 0 : i32
      %get3A_102 = arith.index_cast %get3A : i32 to index
      %get3A_103 = arith.index_cast %mul3A_101 : i32 to index
      %get3A_104 = tpu.vector_load %arg6[%get3A_102, %get3A_103] {strides = array<i32>} : memref<16x640xf32, #tpu.memory_space<vmem>>, vector<16xf32>,
      %get3A_105 = arith.constant 1 : i32
      %get3A_106 = arith.index_cast %get3A_105 : i32 to index
      %get3A_107 = arith.index_cast %mul3A_101 : i32 to index
      %get3A_108 = tpu.vector_load %arg6[%get3A_106, %get3A_107] {strides = array<i32>} : memref<16x640xf32, #tpu.memory_space<vmem>>, vector<16xf32>,
      %add3A_109 = arith.addf %get3A_104, %get3A_108 : vector<16xf32>
      %get3A_110 = arith.constant 2 : i32
      %get3A_111 = arith.index_cast %get3A_110 : i32 to index
      %get3A_112 = arith.index_cast %mul3A_101 : i32 to index
      %get3A_113 = tpu.vector_load %arg6[%get3A_111, %get3A_112] {strides = array<i32>} : memref<16x640xf32, #tpu.memory_space<vmem>>, vector<16xf32>,
      %add3A_114 = arith.addf %add3A_109, %get3A_113 : vector<16xf32>
      %get3A_115 = arith.constant 3 : i32
      %get3A_116 = arith.index_cast %get3A_115 : i32 to index
      %get3A_117 = arith.index_cast %mul3A_101 : i32 to index
      %get3A_118 = tpu.vector_load %arg6[%get3A_116, %get3A_117] {strides = array<i32>} : memref<16x640xf32, #tpu.memory_space<vmem>>, vector<16xf32>,
      %add3A_119 = arith.addf %add3A_114, %get3A_118 : vector<16xf32>
      %get3A_120 = arith.constant 4 : i32
      %get3A_121 = arith.index_cast %get3A_120 : i32 to index
      %get3A_122 = arith.index_cast %mul3A_101 : i32 to index
      %get3A_123 = tpu.vector_load %arg6[%get3A_121, %get3A_122] {strides = array<i32>} : memref<16x640xf32, #tpu.memory_space<vmem>>, vector<16xf32>,
      %add3A_124 = arith.addf %add3A_119, %get3A_123 : vector<16xf32>
      %get3A_125 = arith.constant 5 : i32
      %get3A_126 = arith.index_cast %get3A_125 : i32 to index
      %get3A_127 = arith.index_cast %mul3A_101 : i32 to index
      %get3A_128 = tpu.vector_load %arg6[%get3A_126, %get3A_127] {strides = array<i32>} : memref<16x640xf32, #tpu.memory_space<vmem>>, vector<16xf32>,
      %add3A_129 = arith.addf %add3A_124, %get3A_128 : vector<16xf32>
      %get3A_130 = arith.constant 6 : i32
      %get3A_131 = arith.index_cast %get3A_130 : i32 to index
      %get3A_132 = arith.index_cast %mul3A_101 : i32 to index
      %get3A_133 = tpu.vector_load %arg6[%get3A_131, %get3A_132] {strides = array<i32>} : memref<16x640xf32, #tpu.memory_space<vmem>>, vector<16xf32>,
      %add3A_134 = arith.addf %add3A_129, %get3A_133 : vector<16xf32>
      %get3A_135 = arith.constant 7 : i32
      %get3A_136 = arith.index_cast %get3A_135 : i32 to index
      %get3A_137 = arith.index_cast %mul3A_101 : i32 to index
      %get3A_138 = tpu.vector_load %arg6[%get3A_136, %get3A_137] {strides = array<i32>} : memref<16x640xf32, #tpu.memory_space<vmem>>, vector<16xf32>,
      %add3A_139 = arith.addf %add3A_134, %get3A_138 : vector<16xf32>
      %get3A_140 = arith.constant 8 : i32
      %get3A_141 = arith.index_cast %get3A_140 : i32 to index
      %get3A_142 = arith.index_cast %mul3A_101 : i32 to index
      %get3A_143 = tpu.vector_load %arg6[%get3A_141, %get3A_142] {strides = array<i32>} : memref<16x640xf32, #tpu.memory_space<vmem>>, vector<16xf32>,
      %add3A_144 = arith.addf %add3A_139, %get3A_143 : vector<16xf32>
      %get3A_145 = arith.constant 9 : i32
      %get3A_146 = arith.index_cast %get3A_145 : i32 to index
      %get3A_147 = arith.index_cast %mul3A_101 : i32 to index
      %get3A_148 = tpu.vector_load %arg6[%get3A_146, %get3A_147] {strides = array<i32>} : memref<16x640xf32, #tpu.memory_space<vmem>>, vector<16xf32>,
      %add3A_149 = arith.addf %add3A_144, %get3A_148 : vector<16xf32>
      %get3A_150 = arith.constant 10 : i32
      %get3A_151 = arith.index_cast %get3A_150 : i32 to index
      %get3A_152 = arith.index_cast %mul3A_101 : i32 to index
      %get3A_153 = tpu.vector_load %arg6[%get3A_151, %get3A_152] {strides = array<i32>} : memref<16x640xf32, #tpu.memory_space<vmem>>, vector<16xf32>,
      %add3A_154 = arith.addf %add3A_149, %get3A_153 : vector<16xf32>
      %get3A_155 = arith.constant 11 : i32
      %get3A_156 = arith.index_cast %get3A_155 : i32 to index
      %get3A_157 = arith.index_cast %mul3A_101 : i32 to index
      %get3A_158 = tpu.vector_load %arg6[%get3A_156, %get3A_157] {strides = array<i32>} : memref<16x640xf32, #tpu.memory_space<vmem>>, vector<16xf32>,
      %add3A_159 = arith.addf %add3A_154, %get3A_158 : vector<16xf32>
      %get3A_160 = arith.constant 12 : i32
      %get3A_161 = arith.index_cast %get3A_160 : i32 to index
      %get3A_162 = arith.index_cast %mul3A_101 : i32 to index
      %get3A_163 = tpu.vector_load %arg6[%get3A_161, %get3A_162] {strides = array<i32>} : memref<16x640xf32, #tpu.memory_space<vmem>>, vector<16xf32>,
      %add3A_164 = arith.addf %add3A_159, %get3A_163 : vector<16xf32>
      %get3A_165 = arith.constant 13 : i32
      %get3A_166 = arith.index_cast %get3A_165 : i32 to index
      %get3A_167 = arith.index_cast %mul3A_101 : i32 to index
      %get3A_168 = tpu.vector_load %arg6[%get3A_166, %get3A_167] {strides = array<i32>} : memref<16x640xf32, #tpu.memory_space<vmem>>, vector<16xf32>,
      %add3A_169 = arith.addf %add3A_164, %get3A_168 : vector<16xf32>
      %get3A_170 = arith.constant 14 : i32
      %get3A_171 = arith.index_cast %get3A_170 : i32 to index
      %get3A_172 = arith.index_cast %mul3A_101 : i32 to index
      %get3A_173 = tpu.vector_load %arg6[%get3A_171, %get3A_172] {strides = array<i32>} : memref<16x640xf32, #tpu.memory_space<vmem>>, vector<16xf32>,
      %add3A_174 = arith.addf %add3A_169, %get3A_173 : vector<16xf32>
      %get3A_175 = arith.constant 15 : i32
      %get3A_176 = arith.index_cast %get3A_175 : i32 to index
      %get3A_177 = arith.index_cast %mul3A_101 : i32 to index
      %get3A_178 = tpu.vector_load %arg6[%get3A_176, %get3A_177] {strides = array<i32>} : memref<16x640xf32, #tpu.memory_space<vmem>>, vector<16xf32>,
      %add3A_179 = arith.addf %add3A_174, %get3A_178 : vector<16xf32>
      %swap3A = arith.index_cast %mul3A_101 : i32 to index
      %swap3A_180 = tpu.vector_load %arg7[%swap3A] {strides = array<i32>} : memref<640xf32, #tpu.memory_space<vmem>>, vector<16xf32>,
      tpu.vector_store %arg7[%swap3A], %add3A_179 {strides = array<i32>} : memref<640xf32, #tpu.memory_space<vmem>>, vector<16xf32>,
    }
    %while3A_93 = arith.constant 1 : i32
    scf.for %while3A_97 = %while3A_91 to %while3A_87 step %while3A_93  : i32 {
      %mul3A_98 = arith.muli %while3A_97, %while3A_83 : i32
      %add3A_99 = arith.addi %while3A_84, %mul3A_98 : i32
      %mul3A_100 = arith.constant 16 : i32
      %mul3A_101 = arith.muli %add3A_99, %mul3A_100 : i32
      %get3A = arith.constant 0 : i32
      %get3A_102 = arith.index_cast %get3A : i32 to index
      %get3A_103 = arith.index_cast %mul3A_101 : i32 to index
      %get3A_104 = tpu.vector_load %arg6[%get3A_102, %get3A_103] {strides = array<i32>} : memref<16x640xf32, #tpu.memory_space<vmem>>, vector<16xf32>,
      %get3A_105 = arith.constant 1 : i32
      %get3A_106 = arith.index_cast %get3A_105 : i32 to index
      %get3A_107 = arith.index_cast %mul3A_101 : i32 to index
      %get3A_108 = tpu.vector_load %arg6[%get3A_106, %get3A_107] {strides = array<i32>} : memref<16x640xf32, #tpu.memory_space<vmem>>, vector<16xf32>,
      %add3A_109 = arith.addf %get3A_104, %get3A_108 : vector<16xf32>
      %get3A_110 = arith.constant 2 : i32
      %get3A_111 = arith.index_cast %get3A_110 : i32 to index
      %get3A_112 = arith.index_cast %mul3A_101 : i32 to index
      %get3A_113 = tpu.vector_load %arg6[%get3A_111, %get3A_112] {strides = array<i32>} : memref<16x640xf32, #tpu.memory_space<vmem>>, vector<16xf32>,
      %add3A_114 = arith.addf %add3A_109, %get3A_113 : vector<16xf32>
      %get3A_115 = arith.constant 3 : i32
      %get3A_116 = arith.index_cast %get3A_115 : i32 to index
      %get3A_117 = arith.index_cast %mul3A_101 : i32 to index
      %get3A_118 = tpu.vector_load %arg6[%get3A_116, %get3A_117] {strides = array<i32>} : memref<16x640xf32, #tpu.memory_space<vmem>>, vector<16xf32>,
      %add3A_119 = arith.addf %add3A_114, %get3A_118 : vector<16xf32>
      %get3A_120 = arith.constant 4 : i32
      %get3A_121 = arith.index_cast %get3A_120 : i32 to index
      %get3A_122 = arith.index_cast %mul3A_101 : i32 to index
      %get3A_123 = tpu.vector_load %arg6[%get3A_121, %get3A_122] {strides = array<i32>} : memref<16x640xf32, #tpu.memory_space<vmem>>, vector<16xf32>,
      %add3A_124 = arith.addf %add3A_119, %get3A_123 : vector<16xf32>
      %get3A_125 = arith.constant 5 : i32
      %get3A_126 = arith.index_cast %get3A_125 : i32 to index
      %get3A_127 = arith.index_cast %mul3A_101 : i32 to index
      %get3A_128 = tpu.vector_load %arg6[%get3A_126, %get3A_127] {strides = array<i32>} : memref<16x640xf32, #tpu.memory_space<vmem>>, vector<16xf32>,
      %add3A_129 = arith.addf %add3A_124, %get3A_128 : vector<16xf32>
      %get3A_130 = arith.constant 6 : i32
      %get3A_131 = arith.index_cast %get3A_130 : i32 to index
      %get3A_132 = arith.index_cast %mul3A_101 : i32 to index
      %get3A_133 = tpu.vector_load %arg6[%get3A_131, %get3A_132] {strides = array<i32>} : memref<16x640xf32, #tpu.memory_space<vmem>>, vector<16xf32>,
      %add3A_134 = arith.addf %add3A_129, %get3A_133 : vector<16xf32>
      %get3A_135 = arith.constant 7 : i32
      %get3A_136 = arith.index_cast %get3A_135 : i32 to index
      %get3A_137 = arith.index_cast %mul3A_101 : i32 to index
      %get3A_138 = tpu.vector_load %arg6[%get3A_136, %get3A_137] {strides = array<i32>} : memref<16x640xf32, #tpu.memory_space<vmem>>, vector<16xf32>,
      %add3A_139 = arith.addf %add3A_134, %get3A_138 : vector<16xf32>
      %get3A_140 = arith.constant 8 : i32
      %get3A_141 = arith.index_cast %get3A_140 : i32 to index
      %get3A_142 = arith.index_cast %mul3A_101 : i32 to index
      %get3A_143 = tpu.vector_load %arg6[%get3A_141, %get3A_142] {strides = array<i32>} : memref<16x640xf32, #tpu.memory_space<vmem>>, vector<16xf32>,
      %add3A_144 = arith.addf %add3A_139, %get3A_143 : vector<16xf32>
      %get3A_145 = arith.constant 9 : i32
      %get3A_146 = arith.index_cast %get3A_145 : i32 to index
      %get3A_147 = arith.index_cast %mul3A_101 : i32 to index
      %get3A_148 = tpu.vector_load %arg6[%get3A_146, %get3A_147] {strides = array<i32>} : memref<16x640xf32, #tpu.memory_space<vmem>>, vector<16xf32>,
      %add3A_149 = arith.addf %add3A_144, %get3A_148 : vector<16xf32>
      %get3A_150 = arith.constant 10 : i32
      %get3A_151 = arith.index_cast %get3A_150 : i32 to index
      %get3A_152 = arith.index_cast %mul3A_101 : i32 to index
      %get3A_153 = tpu.vector_load %arg6[%get3A_151, %get3A_152] {strides = array<i32>} : memref<16x640xf32, #tpu.memory_space<vmem>>, vector<16xf32>,
      %add3A_154 = arith.addf %add3A_149, %get3A_153 : vector<16xf32>
      %get3A_155 = arith.constant 11 : i32
      %get3A_156 = arith.index_cast %get3A_155 : i32 to index
      %get3A_157 = arith.index_cast %mul3A_101 : i32 to index
      %get3A_158 = tpu.vector_load %arg6[%get3A_156, %get3A_157] {strides = array<i32>} : memref<16x640xf32, #tpu.memory_space<vmem>>, vector<16xf32>,
      %add3A_159 = arith.addf %add3A_154, %get3A_158 : vector<16xf32>
      %get3A_160 = arith.constant 12 : i32
      %get3A_161 = arith.index_cast %get3A_160 : i32 to index
      %get3A_162 = arith.index_cast %mul3A_101 : i32 to index
      %get3A_163 = tpu.vector_load %arg6[%get3A_161, %get3A_162] {strides = array<i32>} : memref<16x640xf32, #tpu.memory_space<vmem>>, vector<16xf32>,
      %add3A_164 = arith.addf %add3A_159, %get3A_163 : vector<16xf32>
      %get3A_165 = arith.constant 13 : i32
      %get3A_166 = arith.index_cast %get3A_165 : i32 to index
      %get3A_167 = arith.index_cast %mul3A_101 : i32 to index
      %get3A_168 = tpu.vector_load %arg6[%get3A_166, %get3A_167] {strides = array<i32>} : memref<16x640xf32, #tpu.memory_space<vmem>>, vector<16xf32>,
      %add3A_169 = arith.addf %add3A_164, %get3A_168 : vector<16xf32>
      %get3A_170 = arith.constant 14 : i32
      %get3A_171 = arith.index_cast %get3A_170 : i32 to index
      %get3A_172 = arith.index_cast %mul3A_101 : i32 to index
      %get3A_173 = tpu.vector_load %arg6[%get3A_171, %get3A_172] {strides = array<i32>} : memref<16x640xf32, #tpu.memory_space<vmem>>, vector<16xf32>,
      %add3A_174 = arith.addf %add3A_169, %get3A_173 : vector<16xf32>
      %get3A_175 = arith.constant 15 : i32
      %get3A_176 = arith.index_cast %get3A_175 : i32 to index
      %get3A_177 = arith.index_cast %mul3A_101 : i32 to index
      %get3A_178 = tpu.vector_load %arg6[%get3A_176, %get3A_177] {strides = array<i32>} : memref<16x640xf32, #tpu.memory_space<vmem>>, vector<16xf32>,
      %add3A_179 = arith.addf %add3A_174, %get3A_178 : vector<16xf32>
      %swap3A = arith.index_cast %mul3A_101 : i32 to index
      %swap3A_180 = tpu.vector_load %arg7[%swap3A] {strides = array<i32>} : memref<640xf32, #tpu.memory_space<vmem>>, vector<16xf32>,
      tpu.vector_store %arg7[%swap3A], %add3A_179 {strides = array<i32>} : memref<640xf32, #tpu.memory_space<vmem>>, vector<16xf32>,
    }
    %mul3A_94 = arith.constant 10240 : i32
    %mul3A_95 = arith.muli %arg0, %mul3A_94 : i32
    %add3A_96 = arith.addi %mul3A_95, %mul3A_42 : i32
    "tpu.region"() ({
      %run_scoped3A_97 = tpu.sem_alloc : memref<!tpu.dma_semaphore, #tpu.memory_space<semaphore_mem>>
      %dma_start3A = tpu.memref_slice %arg3[%add3A_96] : memref<20480xf32, #tpu.memory_space<hbm>> -> memref<640xf32, #tpu.memory_space<hbm>>
      %dma_start3A_98 = tpu.memref_slice %arg3[%add3A_96] : memref<20480xf32, #tpu.memory_space<hbm>> -> memref<640xf32, #tpu.memory_space<hbm>>
      tpu.enqueue_dma source(%arg7 : memref<640xf32, #tpu.memory_space<vmem>>) target(%dma_start3A_98 : memref<640xf32, #tpu.memory_space<hbm>>) target_semaphore(%run_scoped3A_97 : memref<!tpu.dma_semaphore, #tpu.memory_space<semaphore_mem>>)
      %dma_wait3A = tpu.memref_slice %arg3[%add3A_96] : memref<20480xf32, #tpu.memory_space<hbm>> -> memref<640xf32, #tpu.memory_space<hbm>>
      %dma_wait3A_99 = tpu.memref_slice %arg3[%add3A_96] : memref<20480xf32, #tpu.memory_space<hbm>> -> memref<640xf32, #tpu.memory_space<hbm>>
      tpu.wait_dma2 semaphore(%run_scoped3A_97 : memref<!tpu.dma_semaphore, #tpu.memory_space<semaphore_mem>>) src(%arg7 : memref<640xf32, #tpu.memory_space<vmem>>) dst(%dma_wait3A_99 : memref<640xf32, #tpu.memory_space<hbm>>)
      tpu.yield
    }) : () -> ()
    return
  }
}

#map = affine_map<(d0, d1) -> (0, 0)>
#map1 = affine_map<(d0, d1) -> (0, 0, 0)>
module attributes {stable_mosaic.version = 14 : i64} {
  func.func @_agg_body(%arg0: i32, %arg1: i32, %arg2: memref<10000x128xf32, #tpu.memory_space<hbm>>, %arg3: memref<32x10000xi32, #tpu.memory_space<hbm>>, %arg4: memref<32x125x80xi32, #tpu.memory_space<hbm>>, %arg5: memref<2x10240x128xf32, #tpu.memory_space<hbm>>, %arg6: memref<10000xi32, #tpu.memory_space<vmem>>, %arg7: memref<125x80xi32, #tpu.memory_space<vmem>>, %arg8: memref<80x128xf32, #tpu.memory_space<vmem>>, %arg9: memref<80x128xf32, #tpu.memory_space<vmem>>, %arg10: memref<10240x128xf32, #tpu.memory_space<vmem_shared>>, %arg11: memref<!tpu.dma_semaphore, #tpu.memory_space<semaphore_mem>>, %arg12: memref<!tpu.dma_semaphore, #tpu.memory_space<semaphore_mem>>) attributes {dimension_semantics = [#tpu.dimension_semantics<core_parallel>, #tpu.dimension_semantics<subcore_parallel>], iteration_bounds = array<i64: 2, 16>, scalar_prefetch = 0 : i64, scratch_operands = 7 : i64, tpu.core_type = #tpu.core_type<sc_vector_subcore>, window_params = [{transform_indices = #map}, {transform_indices = #map}, {transform_indices = #map1}, {transform_indices = #map1}]} {
    %mul3A = arith.constant 16 : i32
    %mul3A_0 = arith.muli %arg0, %mul3A : i32
    %add3A = arith.addi %mul3A_0, %arg1 : i32
    "tpu.region"() ({
      %run_scoped3A_85 = tpu.sem_alloc : memref<!tpu.dma_semaphore, #tpu.memory_space<semaphore_mem>>
      %dma_start3A_86 = arith.constant 0 : i32
      %dma_start3A_87 = tpu.memref_slice %arg3[%add3A, %dma_start3A_86] : memref<32x10000xi32, #tpu.memory_space<hbm>> -> memref<1x10000xi32, #tpu.memory_space<hbm>>
      %dma_start3A_88 = tpu.memref_squeeze %dma_start3A_87 : memref<1x10000xi32, #tpu.memory_space<hbm>> -> memref<10000xi32, #tpu.memory_space<hbm>>
      %dma_start3A_89 = arith.constant 0 : i32
      %dma_start3A_90 = tpu.memref_slice %arg3[%add3A, %dma_start3A_89] : memref<32x10000xi32, #tpu.memory_space<hbm>> -> memref<1x10000xi32, #tpu.memory_space<hbm>>
      %dma_start3A_91 = tpu.memref_squeeze %dma_start3A_90 : memref<1x10000xi32, #tpu.memory_space<hbm>> -> memref<10000xi32, #tpu.memory_space<hbm>>
      tpu.enqueue_dma source(%dma_start3A_91 : memref<10000xi32, #tpu.memory_space<hbm>>) target(%arg6 : memref<10000xi32, #tpu.memory_space<vmem>>) target_semaphore(%run_scoped3A_85 : memref<!tpu.dma_semaphore, #tpu.memory_space<semaphore_mem>>)
      %dma_wait3A_92 = arith.constant 0 : i32
      %dma_wait3A_93 = tpu.memref_slice %arg3[%add3A, %dma_wait3A_92] : memref<32x10000xi32, #tpu.memory_space<hbm>> -> memref<1x10000xi32, #tpu.memory_space<hbm>>
      %dma_wait3A_94 = tpu.memref_squeeze %dma_wait3A_93 : memref<1x10000xi32, #tpu.memory_space<hbm>> -> memref<10000xi32, #tpu.memory_space<hbm>>
      %dma_wait3A_95 = arith.constant 0 : i32
      %dma_wait3A_96 = tpu.memref_slice %arg3[%add3A, %dma_wait3A_95] : memref<32x10000xi32, #tpu.memory_space<hbm>> -> memref<1x10000xi32, #tpu.memory_space<hbm>>
      %dma_wait3A_97 = tpu.memref_squeeze %dma_wait3A_96 : memref<1x10000xi32, #tpu.memory_space<hbm>> -> memref<10000xi32, #tpu.memory_space<hbm>>
      tpu.wait_dma2 semaphore(%run_scoped3A_85 : memref<!tpu.dma_semaphore, #tpu.memory_space<semaphore_mem>>) src(%dma_wait3A_97 : memref<10000xi32, #tpu.memory_space<hbm>>) dst(%arg6 : memref<10000xi32, #tpu.memory_space<vmem>>)
      tpu.yield
    }) : () -> ()
    "tpu.region"() ({
      %run_scoped3A_85 = tpu.sem_alloc : memref<!tpu.dma_semaphore, #tpu.memory_space<semaphore_mem>>
      %dma_start3A_86 = arith.constant 0 : i32
      %dma_start3A_87 = arith.constant 0 : i32
      %dma_start3A_88 = tpu.memref_slice %arg4[%add3A, %dma_start3A_86, %dma_start3A_87] : memref<32x125x80xi32, #tpu.memory_space<hbm>> -> memref<1x125x80xi32, #tpu.memory_space<hbm>>
      %dma_start3A_89 = tpu.memref_squeeze %dma_start3A_88 : memref<1x125x80xi32, #tpu.memory_space<hbm>> -> memref<125x80xi32, #tpu.memory_space<hbm>>
      %dma_start3A_90 = arith.constant 0 : i32
      %dma_start3A_91 = arith.constant 0 : i32
      %dma_start3A_92 = tpu.memref_slice %arg4[%add3A, %dma_start3A_90, %dma_start3A_91] : memref<32x125x80xi32, #tpu.memory_space<hbm>> -> memref<1x125x80xi32, #tpu.memory_space<hbm>>
      %dma_start3A_93 = tpu.memref_squeeze %dma_start3A_92 : memref<1x125x80xi32, #tpu.memory_space<hbm>> -> memref<125x80xi32, #tpu.memory_space<hbm>>
      tpu.enqueue_dma source(%dma_start3A_93 : memref<125x80xi32, #tpu.memory_space<hbm>>) target(%arg7 : memref<125x80xi32, #tpu.memory_space<vmem>>) target_semaphore(%run_scoped3A_85 : memref<!tpu.dma_semaphore, #tpu.memory_space<semaphore_mem>>)
      %dma_wait3A_94 = arith.constant 0 : i32
      %dma_wait3A_95 = arith.constant 0 : i32
      %dma_wait3A_96 = tpu.memref_slice %arg4[%add3A, %dma_wait3A_94, %dma_wait3A_95] : memref<32x125x80xi32, #tpu.memory_space<hbm>> -> memref<1x125x80xi32, #tpu.memory_space<hbm>>
      %dma_wait3A_97 = tpu.memref_squeeze %dma_wait3A_96 : memref<1x125x80xi32, #tpu.memory_space<hbm>> -> memref<125x80xi32, #tpu.memory_space<hbm>>
      %dma_wait3A_98 = arith.constant 0 : i32
      %dma_wait3A_99 = arith.constant 0 : i32
      %dma_wait3A_100 = tpu.memref_slice %arg4[%add3A, %dma_wait3A_98, %dma_wait3A_99] : memref<32x125x80xi32, #tpu.memory_space<hbm>> -> memref<1x125x80xi32, #tpu.memory_space<hbm>>
      %dma_wait3A_101 = tpu.memref_squeeze %dma_wait3A_100 : memref<1x125x80xi32, #tpu.memory_space<hbm>> -> memref<125x80xi32, #tpu.memory_space<hbm>>
      tpu.wait_dma2 semaphore(%run_scoped3A_85 : memref<!tpu.dma_semaphore, #tpu.memory_space<semaphore_mem>>) src(%dma_wait3A_101 : memref<125x80xi32, #tpu.memory_space<hbm>>) dst(%arg7 : memref<125x80xi32, #tpu.memory_space<vmem>>)
      tpu.yield
    }) : () -> ()
    %broadcast_in_dim3A = arith.constant 0.000000e+00 : f32
    %broadcast_in_dim3A_1 = vector.broadcast %broadcast_in_dim3A : f32 to vector<16xf32>
    %sub3A = arith.constant 80 : i32
    %sub3A_2 = arith.constant 0 : i32
    %sub3A_3 = arith.subi %sub3A, %sub3A_2 : i32
    %sub3A_4 = arith.constant 1 : i32
    %sub3A_5 = arith.constant 1 : i32
    %sub3A_6 = arith.subi %sub3A_4, %sub3A_5 : i32
    %add3A_7 = arith.addi %sub3A_3, %sub3A_6 : i32
    %div3A = arith.constant 1 : i32
    %div3A_8 = arith.divsi %add3A_7, %div3A : i32
    %while3A = arith.constant 1 : i32
    %while3A_9 = arith.constant 0 : i32
    %while3A_10 = arith.constant 0 : i32
    %while3A_11 = arith.subi %div3A_8, %while3A_10 : i32
    %while3A_12 = arith.addi %while3A_10, %while3A_11 : i32
    %while3A_13 = arith.constant 1 : i32
    %while3A_14 = arith.divsi %while3A_11, %while3A_13 : i32
    %while3A_15 = arith.muli %while3A_14, %while3A_13 : i32
    %while3A_16 = arith.addi %while3A_10, %while3A_15 : i32
    %while3A_17 = arith.constant 1 : i32
    scf.for %while3A_85 = %while3A_10 to %while3A_16 step %while3A_17  : i32 {
      %mul3A_86 = arith.muli %while3A_85, %while3A : i32
      %add3A_87 = arith.addi %while3A_9, %mul3A_86 : i32
      %swap3A = arith.constant 0 : i32
      %swap3A_88 = arith.index_cast %add3A_87 : i32 to index
      %swap3A_89 = arith.index_cast %swap3A : i32 to index
      %swap3A_90 = tpu.vector_load %arg8[%swap3A_88, %swap3A_89] {strides = array<i32>} : memref<80x128xf32, #tpu.memory_space<vmem>>, vector<16xf32>,
      tpu.vector_store %arg8[%swap3A_88, %swap3A_89], %broadcast_in_dim3A_1 {strides = array<i32>} : memref<80x128xf32, #tpu.memory_space<vmem>>, vector<16xf32>,
      %swap3A_91 = arith.constant 16 : i32
      %swap3A_92 = arith.index_cast %add3A_87 : i32 to index
      %swap3A_93 = arith.index_cast %swap3A_91 : i32 to index
      %swap3A_94 = tpu.vector_load %arg8[%swap3A_92, %swap3A_93] {strides = array<i32>} : memref<80x128xf32, #tpu.memory_space<vmem>>, vector<16xf32>,
      tpu.vector_store %arg8[%swap3A_92, %swap3A_93], %broadcast_in_dim3A_1 {strides = array<i32>} : memref<80x128xf32, #tpu.memory_space<vmem>>, vector<16xf32>,
      %swap3A_95 = arith.constant 32 : i32
      %swap3A_96 = arith.index_cast %add3A_87 : i32 to index
      %swap3A_97 = arith.index_cast %swap3A_95 : i32 to index
      %swap3A_98 = tpu.vector_load %arg8[%swap3A_96, %swap3A_97] {strides = array<i32>} : memref<80x128xf32, #tpu.memory_space<vmem>>, vector<16xf32>,
      tpu.vector_store %arg8[%swap3A_96, %swap3A_97], %broadcast_in_dim3A_1 {strides = array<i32>} : memref<80x128xf32, #tpu.memory_space<vmem>>, vector<16xf32>,
      %swap3A_99 = arith.constant 48 : i32
      %swap3A_100 = arith.index_cast %add3A_87 : i32 to index
      %swap3A_101 = arith.index_cast %swap3A_99 : i32 to index
      %swap3A_102 = tpu.vector_load %arg8[%swap3A_100, %swap3A_101] {strides = array<i32>} : memref<80x128xf32, #tpu.memory_space<vmem>>, vector<16xf32>,
      tpu.vector_store %arg8[%swap3A_100, %swap3A_101], %broadcast_in_dim3A_1 {strides = array<i32>} : memref<80x128xf32, #tpu.memory_space<vmem>>, vector<16xf32>,
      %swap3A_103 = arith.constant 64 : i32
      %swap3A_104 = arith.index_cast %add3A_87 : i32 to index
      %swap3A_105 = arith.index_cast %swap3A_103 : i32 to index
      %swap3A_106 = tpu.vector_load %arg8[%swap3A_104, %swap3A_105] {strides = array<i32>} : memref<80x128xf32, #tpu.memory_space<vmem>>, vector<16xf32>,
      tpu.vector_store %arg8[%swap3A_104, %swap3A_105], %broadcast_in_dim3A_1 {strides = array<i32>} : memref<80x128xf32, #tpu.memory_space<vmem>>, vector<16xf32>,
      %swap3A_107 = arith.constant 80 : i32
      %swap3A_108 = arith.index_cast %add3A_87 : i32 to index
      %swap3A_109 = arith.index_cast %swap3A_107 : i32 to index
      %swap3A_110 = tpu.vector_load %arg8[%swap3A_108, %swap3A_109] {strides = array<i32>} : memref<80x128xf32, #tpu.memory_space<vmem>>, vector<16xf32>,
      tpu.vector_store %arg8[%swap3A_108, %swap3A_109], %broadcast_in_dim3A_1 {strides = array<i32>} : memref<80x128xf32, #tpu.memory_space<vmem>>, vector<16xf32>,
      %swap3A_111 = arith.constant 96 : i32
      %swap3A_112 = arith.index_cast %add3A_87 : i32 to index
      %swap3A_113 = arith.index_cast %swap3A_111 : i32 to index
      %swap3A_114 = tpu.vector_load %arg8[%swap3A_112, %swap3A_113] {strides = array<i32>} : memref<80x128xf32, #tpu.memory_space<vmem>>, vector<16xf32>,
      tpu.vector_store %arg8[%swap3A_112, %swap3A_113], %broadcast_in_dim3A_1 {strides = array<i32>} : memref<80x128xf32, #tpu.memory_space<vmem>>, vector<16xf32>,
      %swap3A_115 = arith.constant 112 : i32
      %swap3A_116 = arith.index_cast %add3A_87 : i32 to index
      %swap3A_117 = arith.index_cast %swap3A_115 : i32 to index
      %swap3A_118 = tpu.vector_load %arg8[%swap3A_116, %swap3A_117] {strides = array<i32>} : memref<80x128xf32, #tpu.memory_space<vmem>>, vector<16xf32>,
      tpu.vector_store %arg8[%swap3A_116, %swap3A_117], %broadcast_in_dim3A_1 {strides = array<i32>} : memref<80x128xf32, #tpu.memory_space<vmem>>, vector<16xf32>,
    }
    %while3A_18 = arith.constant 1 : i32
    scf.for %while3A_85 = %while3A_16 to %while3A_12 step %while3A_18  : i32 {
      %mul3A_86 = arith.muli %while3A_85, %while3A : i32
      %add3A_87 = arith.addi %while3A_9, %mul3A_86 : i32
      %swap3A = arith.constant 0 : i32
      %swap3A_88 = arith.index_cast %add3A_87 : i32 to index
      %swap3A_89 = arith.index_cast %swap3A : i32 to index
      %swap3A_90 = tpu.vector_load %arg8[%swap3A_88, %swap3A_89] {strides = array<i32>} : memref<80x128xf32, #tpu.memory_space<vmem>>, vector<16xf32>,
      tpu.vector_store %arg8[%swap3A_88, %swap3A_89], %broadcast_in_dim3A_1 {strides = array<i32>} : memref<80x128xf32, #tpu.memory_space<vmem>>, vector<16xf32>,
      %swap3A_91 = arith.constant 16 : i32
      %swap3A_92 = arith.index_cast %add3A_87 : i32 to index
      %swap3A_93 = arith.index_cast %swap3A_91 : i32 to index
      %swap3A_94 = tpu.vector_load %arg8[%swap3A_92, %swap3A_93] {strides = array<i32>} : memref<80x128xf32, #tpu.memory_space<vmem>>, vector<16xf32>,
      tpu.vector_store %arg8[%swap3A_92, %swap3A_93], %broadcast_in_dim3A_1 {strides = array<i32>} : memref<80x128xf32, #tpu.memory_space<vmem>>, vector<16xf32>,
      %swap3A_95 = arith.constant 32 : i32
      %swap3A_96 = arith.index_cast %add3A_87 : i32 to index
      %swap3A_97 = arith.index_cast %swap3A_95 : i32 to index
      %swap3A_98 = tpu.vector_load %arg8[%swap3A_96, %swap3A_97] {strides = array<i32>} : memref<80x128xf32, #tpu.memory_space<vmem>>, vector<16xf32>,
      tpu.vector_store %arg8[%swap3A_96, %swap3A_97], %broadcast_in_dim3A_1 {strides = array<i32>} : memref<80x128xf32, #tpu.memory_space<vmem>>, vector<16xf32>,
      %swap3A_99 = arith.constant 48 : i32
      %swap3A_100 = arith.index_cast %add3A_87 : i32 to index
      %swap3A_101 = arith.index_cast %swap3A_99 : i32 to index
      %swap3A_102 = tpu.vector_load %arg8[%swap3A_100, %swap3A_101] {strides = array<i32>} : memref<80x128xf32, #tpu.memory_space<vmem>>, vector<16xf32>,
      tpu.vector_store %arg8[%swap3A_100, %swap3A_101], %broadcast_in_dim3A_1 {strides = array<i32>} : memref<80x128xf32, #tpu.memory_space<vmem>>, vector<16xf32>,
      %swap3A_103 = arith.constant 64 : i32
      %swap3A_104 = arith.index_cast %add3A_87 : i32 to index
      %swap3A_105 = arith.index_cast %swap3A_103 : i32 to index
      %swap3A_106 = tpu.vector_load %arg8[%swap3A_104, %swap3A_105] {strides = array<i32>} : memref<80x128xf32, #tpu.memory_space<vmem>>, vector<16xf32>,
      tpu.vector_store %arg8[%swap3A_104, %swap3A_105], %broadcast_in_dim3A_1 {strides = array<i32>} : memref<80x128xf32, #tpu.memory_space<vmem>>, vector<16xf32>,
      %swap3A_107 = arith.constant 80 : i32
      %swap3A_108 = arith.index_cast %add3A_87 : i32 to index
      %swap3A_109 = arith.index_cast %swap3A_107 : i32 to index
      %swap3A_110 = tpu.vector_load %arg8[%swap3A_108, %swap3A_109] {strides = array<i32>} : memref<80x128xf32, #tpu.memory_space<vmem>>, vector<16xf32>,
      tpu.vector_store %arg8[%swap3A_108, %swap3A_109], %broadcast_in_dim3A_1 {strides = array<i32>} : memref<80x128xf32, #tpu.memory_space<vmem>>, vector<16xf32>,
      %swap3A_111 = arith.constant 96 : i32
      %swap3A_112 = arith.index_cast %add3A_87 : i32 to index
      %swap3A_113 = arith.index_cast %swap3A_111 : i32 to index
      %swap3A_114 = tpu.vector_load %arg8[%swap3A_112, %swap3A_113] {strides = array<i32>} : memref<80x128xf32, #tpu.memory_space<vmem>>, vector<16xf32>,
      tpu.vector_store %arg8[%swap3A_112, %swap3A_113], %broadcast_in_dim3A_1 {strides = array<i32>} : memref<80x128xf32, #tpu.memory_space<vmem>>, vector<16xf32>,
      %swap3A_115 = arith.constant 112 : i32
      %swap3A_116 = arith.index_cast %add3A_87 : i32 to index
      %swap3A_117 = arith.index_cast %swap3A_115 : i32 to index
      %swap3A_118 = tpu.vector_load %arg8[%swap3A_116, %swap3A_117] {strides = array<i32>} : memref<80x128xf32, #tpu.memory_space<vmem>>, vector<16xf32>,
      tpu.vector_store %arg8[%swap3A_116, %swap3A_117], %broadcast_in_dim3A_1 {strides = array<i32>} : memref<80x128xf32, #tpu.memory_space<vmem>>, vector<16xf32>,
    }
    %mul3A_19 = arith.constant 640 : i32
    %mul3A_20 = arith.muli %arg1, %mul3A_19 : i32
    %add3A_21 = arith.constant 0 : i32
    %add3A_22 = arith.addi %mul3A_20, %add3A_21 : i32
    "tpu.region"() ({
      %run_scoped3A_85 = tpu.sem_alloc : memref<!tpu.dma_semaphore, #tpu.memory_space<semaphore_mem>>
      %dma_start3A_86 = arith.constant 0 : i32
      %dma_start3A_87 = tpu.memref_slice %arg10[%add3A_22, %dma_start3A_86] : memref<10240x128xf32, #tpu.memory_space<vmem_shared>> -> memref<80x128xf32, #tpu.memory_space<vmem_shared>>
      %dma_start3A_88 = arith.constant 0 : i32
      %dma_start3A_89 = tpu.memref_slice %arg10[%add3A_22, %dma_start3A_88] : memref<10240x128xf32, #tpu.memory_space<vmem_shared>> -> memref<80x128xf32, #tpu.memory_space<vmem_shared>>
      tpu.enqueue_dma source(%arg8 : memref<80x128xf32, #tpu.memory_space<vmem>>) target(%dma_start3A_89 : memref<80x128xf32, #tpu.memory_space<vmem_shared>>) target_semaphore(%run_scoped3A_85 : memref<!tpu.dma_semaphore, #tpu.memory_space<semaphore_mem>>)
      %dma_wait3A_90 = arith.constant 0 : i32
      %dma_wait3A_91 = tpu.memref_slice %arg10[%add3A_22, %dma_wait3A_90] : memref<10240x128xf32, #tpu.memory_space<vmem_shared>> -> memref<80x128xf32, #tpu.memory_space<vmem_shared>>
      %dma_wait3A_92 = arith.constant 0 : i32
      %dma_wait3A_93 = tpu.memref_slice %arg10[%add3A_22, %dma_wait3A_92] : memref<10240x128xf32, #tpu.memory_space<vmem_shared>> -> memref<80x128xf32, #tpu.memory_space<vmem_shared>>
      tpu.wait_dma2 semaphore(%run_scoped3A_85 : memref<!tpu.dma_semaphore, #tpu.memory_space<semaphore_mem>>) src(%arg8 : memref<80x128xf32, #tpu.memory_space<vmem>>) dst(%dma_wait3A_93 : memref<80x128xf32, #tpu.memory_space<vmem_shared>>)
      tpu.yield
    }) : () -> ()
    %mul3A_23 = arith.constant 640 : i32
    %mul3A_24 = arith.muli %arg1, %mul3A_23 : i32
    %add3A_25 = arith.constant 80 : i32
    %add3A_26 = arith.addi %mul3A_24, %add3A_25 : i32
    "tpu.region"() ({
      %run_scoped3A_85 = tpu.sem_alloc : memref<!tpu.dma_semaphore, #tpu.memory_space<semaphore_mem>>
      %dma_start3A_86 = arith.constant 0 : i32
      %dma_start3A_87 = tpu.memref_slice %arg10[%add3A_26, %dma_start3A_86] : memref<10240x128xf32, #tpu.memory_space<vmem_shared>> -> memref<80x128xf32, #tpu.memory_space<vmem_shared>>
      %dma_start3A_88 = arith.constant 0 : i32
      %dma_start3A_89 = tpu.memref_slice %arg10[%add3A_26, %dma_start3A_88] : memref<10240x128xf32, #tpu.memory_space<vmem_shared>> -> memref<80x128xf32, #tpu.memory_space<vmem_shared>>
      tpu.enqueue_dma source(%arg8 : memref<80x128xf32, #tpu.memory_space<vmem>>) target(%dma_start3A_89 : memref<80x128xf32, #tpu.memory_space<vmem_shared>>) target_semaphore(%run_scoped3A_85 : memref<!tpu.dma_semaphore, #tpu.memory_space<semaphore_mem>>)
      %dma_wait3A_90 = arith.constant 0 : i32
      %dma_wait3A_91 = tpu.memref_slice %arg10[%add3A_26, %dma_wait3A_90] : memref<10240x128xf32, #tpu.memory_space<vmem_shared>> -> memref<80x128xf32, #tpu.memory_space<vmem_shared>>
      %dma_wait3A_92 = arith.constant 0 : i32
      %dma_wait3A_93 = tpu.memref_slice %arg10[%add3A_26, %dma_wait3A_92] : memref<10240x128xf32, #tpu.memory_space<vmem_shared>> -> memref<80x128xf32, #tpu.memory_space<vmem_shared>>
      tpu.wait_dma2 semaphore(%run_scoped3A_85 : memref<!tpu.dma_semaphore, #tpu.memory_space<semaphore_mem>>) src(%arg8 : memref<80x128xf32, #tpu.memory_space<vmem>>) dst(%dma_wait3A_93 : memref<80x128xf32, #tpu.memory_space<vmem_shared>>)
      tpu.yield
    }) : () -> ()
    %mul3A_27 = arith.constant 640 : i32
    %mul3A_28 = arith.muli %arg1, %mul3A_27 : i32
    %add3A_29 = arith.constant 160 : i32
    %add3A_30 = arith.addi %mul3A_28, %add3A_29 : i32
    "tpu.region"() ({
      %run_scoped3A_85 = tpu.sem_alloc : memref<!tpu.dma_semaphore, #tpu.memory_space<semaphore_mem>>
      %dma_start3A_86 = arith.constant 0 : i32
      %dma_start3A_87 = tpu.memref_slice %arg10[%add3A_30, %dma_start3A_86] : memref<10240x128xf32, #tpu.memory_space<vmem_shared>> -> memref<80x128xf32, #tpu.memory_space<vmem_shared>>
      %dma_start3A_88 = arith.constant 0 : i32
      %dma_start3A_89 = tpu.memref_slice %arg10[%add3A_30, %dma_start3A_88] : memref<10240x128xf32, #tpu.memory_space<vmem_shared>> -> memref<80x128xf32, #tpu.memory_space<vmem_shared>>
      tpu.enqueue_dma source(%arg8 : memref<80x128xf32, #tpu.memory_space<vmem>>) target(%dma_start3A_89 : memref<80x128xf32, #tpu.memory_space<vmem_shared>>) target_semaphore(%run_scoped3A_85 : memref<!tpu.dma_semaphore, #tpu.memory_space<semaphore_mem>>)
      %dma_wait3A_90 = arith.constant 0 : i32
      %dma_wait3A_91 = tpu.memref_slice %arg10[%add3A_30, %dma_wait3A_90] : memref<10240x128xf32, #tpu.memory_space<vmem_shared>> -> memref<80x128xf32, #tpu.memory_space<vmem_shared>>
      %dma_wait3A_92 = arith.constant 0 : i32
      %dma_wait3A_93 = tpu.memref_slice %arg10[%add3A_30, %dma_wait3A_92] : memref<10240x128xf32, #tpu.memory_space<vmem_shared>> -> memref<80x128xf32, #tpu.memory_space<vmem_shared>>
      tpu.wait_dma2 semaphore(%run_scoped3A_85 : memref<!tpu.dma_semaphore, #tpu.memory_space<semaphore_mem>>) src(%arg8 : memref<80x128xf32, #tpu.memory_space<vmem>>) dst(%dma_wait3A_93 : memref<80x128xf32, #tpu.memory_space<vmem_shared>>)
      tpu.yield
    }) : () -> ()
    %mul3A_31 = arith.constant 640 : i32
    %mul3A_32 = arith.muli %arg1, %mul3A_31 : i32
    %add3A_33 = arith.constant 240 : i32
    %add3A_34 = arith.addi %mul3A_32, %add3A_33 : i32
    "tpu.region"() ({
      %run_scoped3A_85 = tpu.sem_alloc : memref<!tpu.dma_semaphore, #tpu.memory_space<semaphore_mem>>
      %dma_start3A_86 = arith.constant 0 : i32
      %dma_start3A_87 = tpu.memref_slice %arg10[%add3A_34, %dma_start3A_86] : memref<10240x128xf32, #tpu.memory_space<vmem_shared>> -> memref<80x128xf32, #tpu.memory_space<vmem_shared>>
      %dma_start3A_88 = arith.constant 0 : i32
      %dma_start3A_89 = tpu.memref_slice %arg10[%add3A_34, %dma_start3A_88] : memref<10240x128xf32, #tpu.memory_space<vmem_shared>> -> memref<80x128xf32, #tpu.memory_space<vmem_shared>>
      tpu.enqueue_dma source(%arg8 : memref<80x128xf32, #tpu.memory_space<vmem>>) target(%dma_start3A_89 : memref<80x128xf32, #tpu.memory_space<vmem_shared>>) target_semaphore(%run_scoped3A_85 : memref<!tpu.dma_semaphore, #tpu.memory_space<semaphore_mem>>)
      %dma_wait3A_90 = arith.constant 0 : i32
      %dma_wait3A_91 = tpu.memref_slice %arg10[%add3A_34, %dma_wait3A_90] : memref<10240x128xf32, #tpu.memory_space<vmem_shared>> -> memref<80x128xf32, #tpu.memory_space<vmem_shared>>
      %dma_wait3A_92 = arith.constant 0 : i32
      %dma_wait3A_93 = tpu.memref_slice %arg10[%add3A_34, %dma_wait3A_92] : memref<10240x128xf32, #tpu.memory_space<vmem_shared>> -> memref<80x128xf32, #tpu.memory_space<vmem_shared>>
      tpu.wait_dma2 semaphore(%run_scoped3A_85 : memref<!tpu.dma_semaphore, #tpu.memory_space<semaphore_mem>>) src(%arg8 : memref<80x128xf32, #tpu.memory_space<vmem>>) dst(%dma_wait3A_93 : memref<80x128xf32, #tpu.memory_space<vmem_shared>>)
      tpu.yield
    }) : () -> ()
    %mul3A_35 = arith.constant 640 : i32
    %mul3A_36 = arith.muli %arg1, %mul3A_35 : i32
    %add3A_37 = arith.constant 320 : i32
    %add3A_38 = arith.addi %mul3A_36, %add3A_37 : i32
    "tpu.region"() ({
      %run_scoped3A_85 = tpu.sem_alloc : memref<!tpu.dma_semaphore, #tpu.memory_space<semaphore_mem>>
      %dma_start3A_86 = arith.constant 0 : i32
      %dma_start3A_87 = tpu.memref_slice %arg10[%add3A_38, %dma_start3A_86] : memref<10240x128xf32, #tpu.memory_space<vmem_shared>> -> memref<80x128xf32, #tpu.memory_space<vmem_shared>>
      %dma_start3A_88 = arith.constant 0 : i32
      %dma_start3A_89 = tpu.memref_slice %arg10[%add3A_38, %dma_start3A_88] : memref<10240x128xf32, #tpu.memory_space<vmem_shared>> -> memref<80x128xf32, #tpu.memory_space<vmem_shared>>
      tpu.enqueue_dma source(%arg8 : memref<80x128xf32, #tpu.memory_space<vmem>>) target(%dma_start3A_89 : memref<80x128xf32, #tpu.memory_space<vmem_shared>>) target_semaphore(%run_scoped3A_85 : memref<!tpu.dma_semaphore, #tpu.memory_space<semaphore_mem>>)
      %dma_wait3A_90 = arith.constant 0 : i32
      %dma_wait3A_91 = tpu.memref_slice %arg10[%add3A_38, %dma_wait3A_90] : memref<10240x128xf32, #tpu.memory_space<vmem_shared>> -> memref<80x128xf32, #tpu.memory_space<vmem_shared>>
      %dma_wait3A_92 = arith.constant 0 : i32
      %dma_wait3A_93 = tpu.memref_slice %arg10[%add3A_38, %dma_wait3A_92] : memref<10240x128xf32, #tpu.memory_space<vmem_shared>> -> memref<80x128xf32, #tpu.memory_space<vmem_shared>>
      tpu.wait_dma2 semaphore(%run_scoped3A_85 : memref<!tpu.dma_semaphore, #tpu.memory_space<semaphore_mem>>) src(%arg8 : memref<80x128xf32, #tpu.memory_space<vmem>>) dst(%dma_wait3A_93 : memref<80x128xf32, #tpu.memory_space<vmem_shared>>)
      tpu.yield
    }) : () -> ()
    %mul3A_39 = arith.constant 640 : i32
    %mul3A_40 = arith.muli %arg1, %mul3A_39 : i32
    %add3A_41 = arith.constant 400 : i32
    %add3A_42 = arith.addi %mul3A_40, %add3A_41 : i32
    "tpu.region"() ({
      %run_scoped3A_85 = tpu.sem_alloc : memref<!tpu.dma_semaphore, #tpu.memory_space<semaphore_mem>>
      %dma_start3A_86 = arith.constant 0 : i32
      %dma_start3A_87 = tpu.memref_slice %arg10[%add3A_42, %dma_start3A_86] : memref<10240x128xf32, #tpu.memory_space<vmem_shared>> -> memref<80x128xf32, #tpu.memory_space<vmem_shared>>
      %dma_start3A_88 = arith.constant 0 : i32
      %dma_start3A_89 = tpu.memref_slice %arg10[%add3A_42, %dma_start3A_88] : memref<10240x128xf32, #tpu.memory_space<vmem_shared>> -> memref<80x128xf32, #tpu.memory_space<vmem_shared>>
      tpu.enqueue_dma source(%arg8 : memref<80x128xf32, #tpu.memory_space<vmem>>) target(%dma_start3A_89 : memref<80x128xf32, #tpu.memory_space<vmem_shared>>) target_semaphore(%run_scoped3A_85 : memref<!tpu.dma_semaphore, #tpu.memory_space<semaphore_mem>>)
      %dma_wait3A_90 = arith.constant 0 : i32
      %dma_wait3A_91 = tpu.memref_slice %arg10[%add3A_42, %dma_wait3A_90] : memref<10240x128xf32, #tpu.memory_space<vmem_shared>> -> memref<80x128xf32, #tpu.memory_space<vmem_shared>>
      %dma_wait3A_92 = arith.constant 0 : i32
      %dma_wait3A_93 = tpu.memref_slice %arg10[%add3A_42, %dma_wait3A_92] : memref<10240x128xf32, #tpu.memory_space<vmem_shared>> -> memref<80x128xf32, #tpu.memory_space<vmem_shared>>
      tpu.wait_dma2 semaphore(%run_scoped3A_85 : memref<!tpu.dma_semaphore, #tpu.memory_space<semaphore_mem>>) src(%arg8 : memref<80x128xf32, #tpu.memory_space<vmem>>) dst(%dma_wait3A_93 : memref<80x128xf32, #tpu.memory_space<vmem_shared>>)
      tpu.yield
    }) : () -> ()
    %mul3A_43 = arith.constant 640 : i32
    %mul3A_44 = arith.muli %arg1, %mul3A_43 : i32
    %add3A_45 = arith.constant 480 : i32
    %add3A_46 = arith.addi %mul3A_44, %add3A_45 : i32
    "tpu.region"() ({
      %run_scoped3A_85 = tpu.sem_alloc : memref<!tpu.dma_semaphore, #tpu.memory_space<semaphore_mem>>
      %dma_start3A_86 = arith.constant 0 : i32
      %dma_start3A_87 = tpu.memref_slice %arg10[%add3A_46, %dma_start3A_86] : memref<10240x128xf32, #tpu.memory_space<vmem_shared>> -> memref<80x128xf32, #tpu.memory_space<vmem_shared>>
      %dma_start3A_88 = arith.constant 0 : i32
      %dma_start3A_89 = tpu.memref_slice %arg10[%add3A_46, %dma_start3A_88] : memref<10240x128xf32, #tpu.memory_space<vmem_shared>> -> memref<80x128xf32, #tpu.memory_space<vmem_shared>>
      tpu.enqueue_dma source(%arg8 : memref<80x128xf32, #tpu.memory_space<vmem>>) target(%dma_start3A_89 : memref<80x128xf32, #tpu.memory_space<vmem_shared>>) target_semaphore(%run_scoped3A_85 : memref<!tpu.dma_semaphore, #tpu.memory_space<semaphore_mem>>)
      %dma_wait3A_90 = arith.constant 0 : i32
      %dma_wait3A_91 = tpu.memref_slice %arg10[%add3A_46, %dma_wait3A_90] : memref<10240x128xf32, #tpu.memory_space<vmem_shared>> -> memref<80x128xf32, #tpu.memory_space<vmem_shared>>
      %dma_wait3A_92 = arith.constant 0 : i32
      %dma_wait3A_93 = tpu.memref_slice %arg10[%add3A_46, %dma_wait3A_92] : memref<10240x128xf32, #tpu.memory_space<vmem_shared>> -> memref<80x128xf32, #tpu.memory_space<vmem_shared>>
      tpu.wait_dma2 semaphore(%run_scoped3A_85 : memref<!tpu.dma_semaphore, #tpu.memory_space<semaphore_mem>>) src(%arg8 : memref<80x128xf32, #tpu.memory_space<vmem>>) dst(%dma_wait3A_93 : memref<80x128xf32, #tpu.memory_space<vmem_shared>>)
      tpu.yield
    }) : () -> ()
    %mul3A_47 = arith.constant 640 : i32
    %mul3A_48 = arith.muli %arg1, %mul3A_47 : i32
    %add3A_49 = arith.constant 560 : i32
    %add3A_50 = arith.addi %mul3A_48, %add3A_49 : i32
    "tpu.region"() ({
      %run_scoped3A_85 = tpu.sem_alloc : memref<!tpu.dma_semaphore, #tpu.memory_space<semaphore_mem>>
      %dma_start3A_86 = arith.constant 0 : i32
      %dma_start3A_87 = tpu.memref_slice %arg10[%add3A_50, %dma_start3A_86] : memref<10240x128xf32, #tpu.memory_space<vmem_shared>> -> memref<80x128xf32, #tpu.memory_space<vmem_shared>>
      %dma_start3A_88 = arith.constant 0 : i32
      %dma_start3A_89 = tpu.memref_slice %arg10[%add3A_50, %dma_start3A_88] : memref<10240x128xf32, #tpu.memory_space<vmem_shared>> -> memref<80x128xf32, #tpu.memory_space<vmem_shared>>
      tpu.enqueue_dma source(%arg8 : memref<80x128xf32, #tpu.memory_space<vmem>>) target(%dma_start3A_89 : memref<80x128xf32, #tpu.memory_space<vmem_shared>>) target_semaphore(%run_scoped3A_85 : memref<!tpu.dma_semaphore, #tpu.memory_space<semaphore_mem>>)
      %dma_wait3A_90 = arith.constant 0 : i32
      %dma_wait3A_91 = tpu.memref_slice %arg10[%add3A_50, %dma_wait3A_90] : memref<10240x128xf32, #tpu.memory_space<vmem_shared>> -> memref<80x128xf32, #tpu.memory_space<vmem_shared>>
      %dma_wait3A_92 = arith.constant 0 : i32
      %dma_wait3A_93 = tpu.memref_slice %arg10[%add3A_50, %dma_wait3A_92] : memref<10240x128xf32, #tpu.memory_space<vmem_shared>> -> memref<80x128xf32, #tpu.memory_space<vmem_shared>>
      tpu.wait_dma2 semaphore(%run_scoped3A_85 : memref<!tpu.dma_semaphore, #tpu.memory_space<semaphore_mem>>) src(%arg8 : memref<80x128xf32, #tpu.memory_space<vmem>>) dst(%dma_wait3A_93 : memref<80x128xf32, #tpu.memory_space<vmem_shared>>)
      tpu.yield
    }) : () -> ()
    %barrier3A = arith.constant 0 : index
    tpu.barrier barrier_id(%barrier3A)
    %mul3A_51 = arith.constant 0 : i32
    %mul3A_52 = arith.constant 80 : i32
    %mul3A_53 = arith.muli %mul3A_51, %mul3A_52 : i32
    %dma_start3A = tpu.memref_slice %arg6[%mul3A_53] : memref<10000xi32, #tpu.memory_space<vmem>> -> memref<80xi32, #tpu.memory_space<vmem>>
    %dma_start3A_54 = arith.constant 0 : i32
    %dma_start3A_55 = arith.constant 0 : i32
    %dma_start3A_56 = tpu.memref_slice %arg2[%dma_start3A_54, %dma_start3A_55] : memref<10000x128xf32, #tpu.memory_space<hbm>> -> memref<10000x128xf32, #tpu.memory_space<hbm>>
    tpu.enqueue_indirect_dma source(%dma_start3A_56 : memref<10000x128xf32, #tpu.memory_space<hbm>>) target(%arg8 : memref<80x128xf32, #tpu.memory_space<vmem>>) offsets(%dma_start3A : memref<80xi32, #tpu.memory_space<vmem>>) semaphore(%arg11 : memref<!tpu.dma_semaphore, #tpu.memory_space<semaphore_mem>>)
    %dma_wait3A = tpu.memref_slice %arg6[%mul3A_53] : memref<10000xi32, #tpu.memory_space<vmem>> -> memref<80xi32, #tpu.memory_space<vmem>>
    %dma_wait3A_57 = arith.constant 0 : i32
    %dma_wait3A_58 = arith.constant 0 : i32
    %dma_wait3A_59 = tpu.memref_slice %arg2[%dma_wait3A_57, %dma_wait3A_58] : memref<10000x128xf32, #tpu.memory_space<hbm>> -> memref<10000x128xf32, #tpu.memory_space<hbm>>
    tpu.wait_indirect_dma semaphore(%arg11 : memref<!tpu.dma_semaphore, #tpu.memory_space<semaphore_mem>>) src(%dma_wait3A_59 : memref<10000x128xf32, #tpu.memory_space<hbm>>) dst(%arg8 : memref<80x128xf32, #tpu.memory_space<vmem>>)
    %sub3A_60 = arith.constant 124 : i32
    %sub3A_61 = arith.constant 0 : i32
    %sub3A_62 = arith.subi %sub3A_60, %sub3A_61 : i32
    %sub3A_63 = arith.constant 2 : i32
    %sub3A_64 = arith.constant 1 : i32
    %sub3A_65 = arith.subi %sub3A_63, %sub3A_64 : i32
    %add3A_66 = arith.addi %sub3A_62, %sub3A_65 : i32
    %div3A_67 = arith.constant 2 : i32
    %div3A_68 = arith.divsi %add3A_66, %div3A_67 : i32
    %while3A_69 = arith.constant 2 : i32
    %while3A_70 = arith.constant 0 : i32
    %while3A_71 = arith.constant 0 : i32
    %while3A_72 = arith.subi %div3A_68, %while3A_71 : i32
    %while3A_73 = arith.addi %while3A_71, %while3A_72 : i32
    %while3A_74 = arith.constant 1 : i32
    %while3A_75 = arith.divsi %while3A_72, %while3A_74 : i32
    %while3A_76 = arith.muli %while3A_75, %while3A_74 : i32
    %while3A_77 = arith.addi %while3A_71, %while3A_76 : i32
    %while3A_78 = arith.constant 1 : i32
    scf.for %while3A_85 = %while3A_71 to %while3A_77 step %while3A_78  : i32 {
      %mul3A_86 = arith.muli %while3A_85, %while3A_69 : i32
      %add3A_87 = arith.addi %while3A_70, %mul3A_86 : i32
      %add3A_88 = arith.constant 1 : i32
      %add3A_89 = arith.addi %add3A_87, %add3A_88 : i32
      %mul3A_90 = arith.constant 80 : i32
      %mul3A_91 = arith.muli %add3A_89, %mul3A_90 : i32
      %dma_start3A_92 = tpu.memref_slice %arg6[%mul3A_91] : memref<10000xi32, #tpu.memory_space<vmem>> -> memref<80xi32, #tpu.memory_space<vmem>>
      %dma_start3A_93 = arith.constant 0 : i32
      %dma_start3A_94 = arith.constant 0 : i32
      %dma_start3A_95 = tpu.memref_slice %arg2[%dma_start3A_93, %dma_start3A_94] : memref<10000x128xf32, #tpu.memory_space<hbm>> -> memref<10000x128xf32, #tpu.memory_space<hbm>>
      tpu.enqueue_indirect_dma source(%dma_start3A_95 : memref<10000x128xf32, #tpu.memory_space<hbm>>) target(%arg9 : memref<80x128xf32, #tpu.memory_space<vmem>>) offsets(%dma_start3A_92 : memref<80xi32, #tpu.memory_space<vmem>>) semaphore(%arg12 : memref<!tpu.dma_semaphore, #tpu.memory_space<semaphore_mem>>)
      "tpu.region"() ({
        %run_scoped3A_114 = tpu.sem_alloc : memref<!tpu.dma_semaphore, #tpu.memory_space<semaphore_mem>>
        %dma_start3A_115 = arith.constant 0 : i32
        %dma_start3A_116 = tpu.memref_slice %arg7[%add3A_87, %dma_start3A_115] : memref<125x80xi32, #tpu.memory_space<vmem>> -> memref<1x80xi32, #tpu.memory_space<vmem>>
        %dma_start3A_117 = tpu.memref_squeeze %dma_start3A_116 : memref<1x80xi32, #tpu.memory_space<vmem>> -> memref<80xi32, #tpu.memory_space<vmem>>
        %dma_start3A_118 = arith.constant 0 : i32
        %dma_start3A_119 = arith.constant 0 : i32
        %dma_start3A_120 = tpu.memref_slice %arg10[%dma_start3A_118, %dma_start3A_119] : memref<10240x128xf32, #tpu.memory_space<vmem_shared>> -> memref<10240x128xf32, #tpu.memory_space<vmem_shared>>
        tpu.enqueue_indirect_dma source(%arg8 : memref<80x128xf32, #tpu.memory_space<vmem>>) target(%dma_start3A_120 : memref<10240x128xf32, #tpu.memory_space<vmem_shared>>) offsets(%dma_start3A_117 : memref<80xi32, #tpu.memory_space<vmem>>) semaphore(%run_scoped3A_114 : memref<!tpu.dma_semaphore, #tpu.memory_space<semaphore_mem>>) {add = true}
        %dma_wait3A_121 = arith.constant 0 : i32
        %dma_wait3A_122 = tpu.memref_slice %arg7[%add3A_87, %dma_wait3A_121] : memref<125x80xi32, #tpu.memory_space<vmem>> -> memref<1x80xi32, #tpu.memory_space<vmem>>
        %dma_wait3A_123 = tpu.memref_squeeze %dma_wait3A_122 : memref<1x80xi32, #tpu.memory_space<vmem>> -> memref<80xi32, #tpu.memory_space<vmem>>
        %dma_wait3A_124 = arith.constant 0 : i32
        %dma_wait3A_125 = arith.constant 0 : i32
        %dma_wait3A_126 = tpu.memref_slice %arg10[%dma_wait3A_124, %dma_wait3A_125] : memref<10240x128xf32, #tpu.memory_space<vmem_shared>> -> memref<10240x128xf32, #tpu.memory_space<vmem_shared>>
        tpu.wait_indirect_dma semaphore(%run_scoped3A_114 : memref<!tpu.dma_semaphore, #tpu.memory_space<semaphore_mem>>) src(%arg8 : memref<80x128xf32, #tpu.memory_space<vmem>>) dst(%dma_wait3A_126 : memref<10240x128xf32, #tpu.memory_space<vmem_shared>>)
        tpu.yield
      }) : () -> ()
      %dma_wait3A_96 = tpu.memref_slice %arg6[%mul3A_91] : memref<10000xi32, #tpu.memory_space<vmem>> -> memref<80xi32, #tpu.memory_space<vmem>>
      %dma_wait3A_97 = arith.constant 0 : i32
      %dma_wait3A_98 = arith.constant 0 : i32
      %dma_wait3A_99 = tpu.memref_slice %arg2[%dma_wait3A_97, %dma_wait3A_98] : memref<10000x128xf32, #tpu.memory_space<hbm>> -> memref<10000x128xf32, #tpu.memory_space<hbm>>
      tpu.wait_indirect_dma semaphore(%arg12 : memref<!tpu.dma_semaphore, #tpu.memory_space<semaphore_mem>>) src(%dma_wait3A_99 : memref<10000x128xf32, #tpu.memory_space<hbm>>) dst(%arg9 : memref<80x128xf32, #tpu.memory_space<vmem>>)
      %add3A_100 = arith.constant 2 : i32
      %add3A_101 = arith.addi %add3A_87, %add3A_100 : i32
      %mul3A_102 = arith.constant 80 : i32
      %mul3A_103 = arith.muli %add3A_101, %mul3A_102 : i32
      %dma_start3A_104 = tpu.memref_slice %arg6[%mul3A_103] : memref<10000xi32, #tpu.memory_space<vmem>> -> memref<80xi32, #tpu.memory_space<vmem>>
      %dma_start3A_105 = arith.constant 0 : i32
      %dma_start3A_106 = arith.constant 0 : i32
      %dma_start3A_107 = tpu.memref_slice %arg2[%dma_start3A_105, %dma_start3A_106] : memref<10000x128xf32, #tpu.memory_space<hbm>> -> memref<10000x128xf32, #tpu.memory_space<hbm>>
      tpu.enqueue_indirect_dma source(%dma_start3A_107 : memref<10000x128xf32, #tpu.memory_space<hbm>>) target(%arg8 : memref<80x128xf32, #tpu.memory_space<vmem>>) offsets(%dma_start3A_104 : memref<80xi32, #tpu.memory_space<vmem>>) semaphore(%arg11 : memref<!tpu.dma_semaphore, #tpu.memory_space<semaphore_mem>>)
      %add3A_108 = arith.constant 1 : i32
      %add3A_109 = arith.addi %add3A_87, %add3A_108 : i32
      "tpu.region"() ({
        %run_scoped3A_114 = tpu.sem_alloc : memref<!tpu.dma_semaphore, #tpu.memory_space<semaphore_mem>>
        %dma_start3A_115 = arith.constant 0 : i32
        %dma_start3A_116 = tpu.memref_slice %arg7[%add3A_109, %dma_start3A_115] : memref<125x80xi32, #tpu.memory_space<vmem>> -> memref<1x80xi32, #tpu.memory_space<vmem>>
        %dma_start3A_117 = tpu.memref_squeeze %dma_start3A_116 : memref<1x80xi32, #tpu.memory_space<vmem>> -> memref<80xi32, #tpu.memory_space<vmem>>
        %dma_start3A_118 = arith.constant 0 : i32
        %dma_start3A_119 = arith.constant 0 : i32
        %dma_start3A_120 = tpu.memref_slice %arg10[%dma_start3A_118, %dma_start3A_119] : memref<10240x128xf32, #tpu.memory_space<vmem_shared>> -> memref<10240x128xf32, #tpu.memory_space<vmem_shared>>
        tpu.enqueue_indirect_dma source(%arg9 : memref<80x128xf32, #tpu.memory_space<vmem>>) target(%dma_start3A_120 : memref<10240x128xf32, #tpu.memory_space<vmem_shared>>) offsets(%dma_start3A_117 : memref<80xi32, #tpu.memory_space<vmem>>) semaphore(%run_scoped3A_114 : memref<!tpu.dma_semaphore, #tpu.memory_space<semaphore_mem>>) {add = true}
        %dma_wait3A_121 = arith.constant 0 : i32
        %dma_wait3A_122 = tpu.memref_slice %arg7[%add3A_109, %dma_wait3A_121] : memref<125x80xi32, #tpu.memory_space<vmem>> -> memref<1x80xi32, #tpu.memory_space<vmem>>
        %dma_wait3A_123 = tpu.memref_squeeze %dma_wait3A_122 : memref<1x80xi32, #tpu.memory_space<vmem>> -> memref<80xi32, #tpu.memory_space<vmem>>
        %dma_wait3A_124 = arith.constant 0 : i32
        %dma_wait3A_125 = arith.constant 0 : i32
        %dma_wait3A_126 = tpu.memref_slice %arg10[%dma_wait3A_124, %dma_wait3A_125] : memref<10240x128xf32, #tpu.memory_space<vmem_shared>> -> memref<10240x128xf32, #tpu.memory_space<vmem_shared>>
        tpu.wait_indirect_dma semaphore(%run_scoped3A_114 : memref<!tpu.dma_semaphore, #tpu.memory_space<semaphore_mem>>) src(%arg9 : memref<80x128xf32, #tpu.memory_space<vmem>>) dst(%dma_wait3A_126 : memref<10240x128xf32, #tpu.memory_space<vmem_shared>>)
        tpu.yield
      }) : () -> ()
      %dma_wait3A_110 = tpu.memref_slice %arg6[%mul3A_103] : memref<10000xi32, #tpu.memory_space<vmem>> -> memref<80xi32, #tpu.memory_space<vmem>>
      %dma_wait3A_111 = arith.constant 0 : i32
      %dma_wait3A_112 = arith.constant 0 : i32
      %dma_wait3A_113 = tpu.memref_slice %arg2[%dma_wait3A_111, %dma_wait3A_112] : memref<10000x128xf32, #tpu.memory_space<hbm>> -> memref<10000x128xf32, #tpu.memory_space<hbm>>
      tpu.wait_indirect_dma semaphore(%arg11 : memref<!tpu.dma_semaphore, #tpu.memory_space<semaphore_mem>>) src(%dma_wait3A_113 : memref<10000x128xf32, #tpu.memory_space<hbm>>) dst(%arg8 : memref<80x128xf32, #tpu.memory_space<vmem>>)
    }
    %while3A_79 = arith.constant 1 : i32
    scf.for %while3A_85 = %while3A_77 to %while3A_73 step %while3A_79  : i32 {
      %mul3A_86 = arith.muli %while3A_85, %while3A_69 : i32
      %add3A_87 = arith.addi %while3A_70, %mul3A_86 : i32
      %add3A_88 = arith.constant 1 : i32
      %add3A_89 = arith.addi %add3A_87, %add3A_88 : i32
      %mul3A_90 = arith.constant 80 : i32
      %mul3A_91 = arith.muli %add3A_89, %mul3A_90 : i32
      %dma_start3A_92 = tpu.memref_slice %arg6[%mul3A_91] : memref<10000xi32, #tpu.memory_space<vmem>> -> memref<80xi32, #tpu.memory_space<vmem>>
      %dma_start3A_93 = arith.constant 0 : i32
      %dma_start3A_94 = arith.constant 0 : i32
      %dma_start3A_95 = tpu.memref_slice %arg2[%dma_start3A_93, %dma_start3A_94] : memref<10000x128xf32, #tpu.memory_space<hbm>> -> memref<10000x128xf32, #tpu.memory_space<hbm>>
      tpu.enqueue_indirect_dma source(%dma_start3A_95 : memref<10000x128xf32, #tpu.memory_space<hbm>>) target(%arg9 : memref<80x128xf32, #tpu.memory_space<vmem>>) offsets(%dma_start3A_92 : memref<80xi32, #tpu.memory_space<vmem>>) semaphore(%arg12 : memref<!tpu.dma_semaphore, #tpu.memory_space<semaphore_mem>>)
      "tpu.region"() ({
        %run_scoped3A_114 = tpu.sem_alloc : memref<!tpu.dma_semaphore, #tpu.memory_space<semaphore_mem>>
        %dma_start3A_115 = arith.constant 0 : i32
        %dma_start3A_116 = tpu.memref_slice %arg7[%add3A_87, %dma_start3A_115] : memref<125x80xi32, #tpu.memory_space<vmem>> -> memref<1x80xi32, #tpu.memory_space<vmem>>
        %dma_start3A_117 = tpu.memref_squeeze %dma_start3A_116 : memref<1x80xi32, #tpu.memory_space<vmem>> -> memref<80xi32, #tpu.memory_space<vmem>>
        %dma_start3A_118 = arith.constant 0 : i32
        %dma_start3A_119 = arith.constant 0 : i32
        %dma_start3A_120 = tpu.memref_slice %arg10[%dma_start3A_118, %dma_start3A_119] : memref<10240x128xf32, #tpu.memory_space<vmem_shared>> -> memref<10240x128xf32, #tpu.memory_space<vmem_shared>>
        tpu.enqueue_indirect_dma source(%arg8 : memref<80x128xf32, #tpu.memory_space<vmem>>) target(%dma_start3A_120 : memref<10240x128xf32, #tpu.memory_space<vmem_shared>>) offsets(%dma_start3A_117 : memref<80xi32, #tpu.memory_space<vmem>>) semaphore(%run_scoped3A_114 : memref<!tpu.dma_semaphore, #tpu.memory_space<semaphore_mem>>) {add = true}
        %dma_wait3A_121 = arith.constant 0 : i32
        %dma_wait3A_122 = tpu.memref_slice %arg7[%add3A_87, %dma_wait3A_121] : memref<125x80xi32, #tpu.memory_space<vmem>> -> memref<1x80xi32, #tpu.memory_space<vmem>>
        %dma_wait3A_123 = tpu.memref_squeeze %dma_wait3A_122 : memref<1x80xi32, #tpu.memory_space<vmem>> -> memref<80xi32, #tpu.memory_space<vmem>>
        %dma_wait3A_124 = arith.constant 0 : i32
        %dma_wait3A_125 = arith.constant 0 : i32
        %dma_wait3A_126 = tpu.memref_slice %arg10[%dma_wait3A_124, %dma_wait3A_125] : memref<10240x128xf32, #tpu.memory_space<vmem_shared>> -> memref<10240x128xf32, #tpu.memory_space<vmem_shared>>
        tpu.wait_indirect_dma semaphore(%run_scoped3A_114 : memref<!tpu.dma_semaphore, #tpu.memory_space<semaphore_mem>>) src(%arg8 : memref<80x128xf32, #tpu.memory_space<vmem>>) dst(%dma_wait3A_126 : memref<10240x128xf32, #tpu.memory_space<vmem_shared>>)
        tpu.yield
      }) : () -> ()
      %dma_wait3A_96 = tpu.memref_slice %arg6[%mul3A_91] : memref<10000xi32, #tpu.memory_space<vmem>> -> memref<80xi32, #tpu.memory_space<vmem>>
      %dma_wait3A_97 = arith.constant 0 : i32
      %dma_wait3A_98 = arith.constant 0 : i32
      %dma_wait3A_99 = tpu.memref_slice %arg2[%dma_wait3A_97, %dma_wait3A_98] : memref<10000x128xf32, #tpu.memory_space<hbm>> -> memref<10000x128xf32, #tpu.memory_space<hbm>>
      tpu.wait_indirect_dma semaphore(%arg12 : memref<!tpu.dma_semaphore, #tpu.memory_space<semaphore_mem>>) src(%dma_wait3A_99 : memref<10000x128xf32, #tpu.memory_space<hbm>>) dst(%arg9 : memref<80x128xf32, #tpu.memory_space<vmem>>)
      %add3A_100 = arith.constant 2 : i32
      %add3A_101 = arith.addi %add3A_87, %add3A_100 : i32
      %mul3A_102 = arith.constant 80 : i32
      %mul3A_103 = arith.muli %add3A_101, %mul3A_102 : i32
      %dma_start3A_104 = tpu.memref_slice %arg6[%mul3A_103] : memref<10000xi32, #tpu.memory_space<vmem>> -> memref<80xi32, #tpu.memory_space<vmem>>
      %dma_start3A_105 = arith.constant 0 : i32
      %dma_start3A_106 = arith.constant 0 : i32
      %dma_start3A_107 = tpu.memref_slice %arg2[%dma_start3A_105, %dma_start3A_106] : memref<10000x128xf32, #tpu.memory_space<hbm>> -> memref<10000x128xf32, #tpu.memory_space<hbm>>
      tpu.enqueue_indirect_dma source(%dma_start3A_107 : memref<10000x128xf32, #tpu.memory_space<hbm>>) target(%arg8 : memref<80x128xf32, #tpu.memory_space<vmem>>) offsets(%dma_start3A_104 : memref<80xi32, #tpu.memory_space<vmem>>) semaphore(%arg11 : memref<!tpu.dma_semaphore, #tpu.memory_space<semaphore_mem>>)
      %add3A_108 = arith.constant 1 : i32
      %add3A_109 = arith.addi %add3A_87, %add3A_108 : i32
      "tpu.region"() ({
        %run_scoped3A_114 = tpu.sem_alloc : memref<!tpu.dma_semaphore, #tpu.memory_space<semaphore_mem>>
        %dma_start3A_115 = arith.constant 0 : i32
        %dma_start3A_116 = tpu.memref_slice %arg7[%add3A_109, %dma_start3A_115] : memref<125x80xi32, #tpu.memory_space<vmem>> -> memref<1x80xi32, #tpu.memory_space<vmem>>
        %dma_start3A_117 = tpu.memref_squeeze %dma_start3A_116 : memref<1x80xi32, #tpu.memory_space<vmem>> -> memref<80xi32, #tpu.memory_space<vmem>>
        %dma_start3A_118 = arith.constant 0 : i32
        %dma_start3A_119 = arith.constant 0 : i32
        %dma_start3A_120 = tpu.memref_slice %arg10[%dma_start3A_118, %dma_start3A_119] : memref<10240x128xf32, #tpu.memory_space<vmem_shared>> -> memref<10240x128xf32, #tpu.memory_space<vmem_shared>>
        tpu.enqueue_indirect_dma source(%arg9 : memref<80x128xf32, #tpu.memory_space<vmem>>) target(%dma_start3A_120 : memref<10240x128xf32, #tpu.memory_space<vmem_shared>>) offsets(%dma_start3A_117 : memref<80xi32, #tpu.memory_space<vmem>>) semaphore(%run_scoped3A_114 : memref<!tpu.dma_semaphore, #tpu.memory_space<semaphore_mem>>) {add = true}
        %dma_wait3A_121 = arith.constant 0 : i32
        %dma_wait3A_122 = tpu.memref_slice %arg7[%add3A_109, %dma_wait3A_121] : memref<125x80xi32, #tpu.memory_space<vmem>> -> memref<1x80xi32, #tpu.memory_space<vmem>>
        %dma_wait3A_123 = tpu.memref_squeeze %dma_wait3A_122 : memref<1x80xi32, #tpu.memory_space<vmem>> -> memref<80xi32, #tpu.memory_space<vmem>>
        %dma_wait3A_124 = arith.constant 0 : i32
        %dma_wait3A_125 = arith.constant 0 : i32
        %dma_wait3A_126 = tpu.memref_slice %arg10[%dma_wait3A_124, %dma_wait3A_125] : memref<10240x128xf32, #tpu.memory_space<vmem_shared>> -> memref<10240x128xf32, #tpu.memory_space<vmem_shared>>
        tpu.wait_indirect_dma semaphore(%run_scoped3A_114 : memref<!tpu.dma_semaphore, #tpu.memory_space<semaphore_mem>>) src(%arg9 : memref<80x128xf32, #tpu.memory_space<vmem>>) dst(%dma_wait3A_126 : memref<10240x128xf32, #tpu.memory_space<vmem_shared>>)
        tpu.yield
      }) : () -> ()
      %dma_wait3A_110 = tpu.memref_slice %arg6[%mul3A_103] : memref<10000xi32, #tpu.memory_space<vmem>> -> memref<80xi32, #tpu.memory_space<vmem>>
      %dma_wait3A_111 = arith.constant 0 : i32
      %dma_wait3A_112 = arith.constant 0 : i32
      %dma_wait3A_113 = tpu.memref_slice %arg2[%dma_wait3A_111, %dma_wait3A_112] : memref<10000x128xf32, #tpu.memory_space<hbm>> -> memref<10000x128xf32, #tpu.memory_space<hbm>>
      tpu.wait_indirect_dma semaphore(%arg11 : memref<!tpu.dma_semaphore, #tpu.memory_space<semaphore_mem>>) src(%dma_wait3A_113 : memref<10000x128xf32, #tpu.memory_space<hbm>>) dst(%arg8 : memref<80x128xf32, #tpu.memory_space<vmem>>)
    }
    %run_scoped3A = arith.constant 124 : i32
    "tpu.region"() ({
      %run_scoped3A_85 = tpu.sem_alloc : memref<!tpu.dma_semaphore, #tpu.memory_space<semaphore_mem>>
      %dma_start3A_86 = arith.constant 0 : i32
      %dma_start3A_87 = tpu.memref_slice %arg7[%run_scoped3A, %dma_start3A_86] : memref<125x80xi32, #tpu.memory_space<vmem>> -> memref<1x80xi32, #tpu.memory_space<vmem>>
      %dma_start3A_88 = tpu.memref_squeeze %dma_start3A_87 : memref<1x80xi32, #tpu.memory_space<vmem>> -> memref<80xi32, #tpu.memory_space<vmem>>
      %dma_start3A_89 = arith.constant 0 : i32
      %dma_start3A_90 = arith.constant 0 : i32
      %dma_start3A_91 = tpu.memref_slice %arg10[%dma_start3A_89, %dma_start3A_90] : memref<10240x128xf32, #tpu.memory_space<vmem_shared>> -> memref<10240x128xf32, #tpu.memory_space<vmem_shared>>
      tpu.enqueue_indirect_dma source(%arg8 : memref<80x128xf32, #tpu.memory_space<vmem>>) target(%dma_start3A_91 : memref<10240x128xf32, #tpu.memory_space<vmem_shared>>) offsets(%dma_start3A_88 : memref<80xi32, #tpu.memory_space<vmem>>) semaphore(%run_scoped3A_85 : memref<!tpu.dma_semaphore, #tpu.memory_space<semaphore_mem>>) {add = true}
      %dma_wait3A_92 = arith.constant 0 : i32
      %dma_wait3A_93 = tpu.memref_slice %arg7[%run_scoped3A, %dma_wait3A_92] : memref<125x80xi32, #tpu.memory_space<vmem>> -> memref<1x80xi32, #tpu.memory_space<vmem>>
      %dma_wait3A_94 = tpu.memref_squeeze %dma_wait3A_93 : memref<1x80xi32, #tpu.memory_space<vmem>> -> memref<80xi32, #tpu.memory_space<vmem>>
      %dma_wait3A_95 = arith.constant 0 : i32
      %dma_wait3A_96 = arith.constant 0 : i32
      %dma_wait3A_97 = tpu.memref_slice %arg10[%dma_wait3A_95, %dma_wait3A_96] : memref<10240x128xf32, #tpu.memory_space<vmem_shared>> -> memref<10240x128xf32, #tpu.memory_space<vmem_shared>>
      tpu.wait_indirect_dma semaphore(%run_scoped3A_85 : memref<!tpu.dma_semaphore, #tpu.memory_space<semaphore_mem>>) src(%arg8 : memref<80x128xf32, #tpu.memory_space<vmem>>) dst(%dma_wait3A_97 : memref<10240x128xf32, #tpu.memory_space<vmem_shared>>)
      tpu.yield
    }) : () -> ()
    %barrier3A_80 = arith.constant 0 : index
    tpu.barrier barrier_id(%barrier3A_80)
    %mul3A_81 = arith.constant 640 : i32
    %mul3A_82 = arith.muli %arg1, %mul3A_81 : i32
    %mul3A_83 = arith.constant 640 : i32
    %mul3A_84 = arith.muli %arg1, %mul3A_83 : i32
    "tpu.region"() ({
      %run_scoped3A_85 = tpu.sem_alloc : memref<!tpu.dma_semaphore, #tpu.memory_space<semaphore_mem>>
      %dma_start3A_86 = arith.constant 0 : i32
      %dma_start3A_87 = tpu.memref_slice %arg5[%arg0, %mul3A_84, %dma_start3A_86] : memref<2x10240x128xf32, #tpu.memory_space<hbm>> -> memref<1x640x128xf32, #tpu.memory_space<hbm>>
      %dma_start3A_88 = tpu.memref_squeeze %dma_start3A_87 : memref<1x640x128xf32, #tpu.memory_space<hbm>> -> memref<640x128xf32, #tpu.memory_space<hbm>>
      %dma_start3A_89 = arith.constant 0 : i32
      %dma_start3A_90 = tpu.memref_slice %arg10[%mul3A_82, %dma_start3A_89] : memref<10240x128xf32, #tpu.memory_space<vmem_shared>> -> memref<640x128xf32, #tpu.memory_space<vmem_shared>>
      tpu.enqueue_dma source(%dma_start3A_90 : memref<640x128xf32, #tpu.memory_space<vmem_shared>>) target(%dma_start3A_88 : memref<640x128xf32, #tpu.memory_space<hbm>>) target_semaphore(%run_scoped3A_85 : memref<!tpu.dma_semaphore, #tpu.memory_space<semaphore_mem>>)
      %dma_wait3A_91 = arith.constant 0 : i32
      %dma_wait3A_92 = tpu.memref_slice %arg5[%arg0, %mul3A_84, %dma_wait3A_91] : memref<2x10240x128xf32, #tpu.memory_space<hbm>> -> memref<1x640x128xf32, #tpu.memory_space<hbm>>
      %dma_wait3A_93 = tpu.memref_squeeze %dma_wait3A_92 : memref<1x640x128xf32, #tpu.memory_space<hbm>> -> memref<640x128xf32, #tpu.memory_space<hbm>>
      %dma_wait3A_94 = arith.constant 0 : i32
      %dma_wait3A_95 = tpu.memref_slice %arg10[%mul3A_82, %dma_wait3A_94] : memref<10240x128xf32, #tpu.memory_space<vmem_shared>> -> memref<640x128xf32, #tpu.memory_space<vmem_shared>>
      tpu.wait_dma2 semaphore(%run_scoped3A_85 : memref<!tpu.dma_semaphore, #tpu.memory_space<semaphore_mem>>) src(%dma_wait3A_95 : memref<640x128xf32, #tpu.memory_space<vmem_shared>>) dst(%dma_wait3A_93 : memref<640x128xf32, #tpu.memory_space<hbm>>)
      tpu.yield
    }) : () -> ()
    return
  }
}

module attributes {stable_mosaic.version = 14 : i64} {
  func.func @_colmod_body(%arg0: memref<2500x128xi32, #tpu.memory_space<vmem>>, %arg1: memref<2500x128xi32, #tpu.memory_space<vmem>>, %arg2: memref<2500x128xi32, #tpu.memory_space<vmem>>) attributes {dimension_semantics = [], scalar_prefetch = 0 : i64, scratch_operands = 0 : i64, tpu.core_type = #tpu.core_type<tc>} {
    %get3A = arith.constant 0 : index
    %get3A_0 = arith.constant 0 : index
    %get3A_1 = vector.load %arg0[%get3A, %get3A_0] : memref<2500x128xi32, #tpu.memory_space<vmem>>, vector<2500x128xi32>
    %get3A_2 = arith.constant 0 : index
    %get3A_3 = arith.constant 0 : index
    %get3A_4 = vector.load %arg1[%get3A_2, %get3A_3] : memref<2500x128xi32, #tpu.memory_space<vmem>>, vector<2500x128xi32>
    %eq3A = arith.cmpi eq, %get3A_1, %get3A_4 : vector<2500x128xi32>
    %jit3A = arith.constant 10000 : i32
    %broadcast_in_dim3A = vector.broadcast %jit3A : i32 to vector<2500x128xi32>
    %select_n3A = arith.select %eq3A, %broadcast_in_dim3A, %get3A_4 : vector<2500x128xi1>, vector<2500x128xi32>
    %swap3A = arith.constant 0 : index
    %swap3A_5 = arith.constant 0 : index
    %swap3A_6 = vector.load %arg2[%swap3A, %swap3A_5] : memref<2500x128xi32, #tpu.memory_space<vmem>>, vector<2500x128xi32>
    tpu.vector_store %arg2[%swap3A, %swap3A_5], %select_n3A {strides = array<i32>} : memref<2500x128xi32, #tpu.memory_space<vmem>>, vector<2500x128xi32>,
    return
  }
}

module attributes {stable_mosaic.version = 14 : i64} {
  func.func @_mlp_body(%arg0: i32, %arg1: memref<2000x128xf32, #tpu.memory_space<vmem>>, %arg2: memref<128x128xf32, #tpu.memory_space<vmem>>, %arg3: memref<1x128xf32, #tpu.memory_space<vmem>>, %arg4: memref<2000x128xf32, #tpu.memory_space<vmem>>) attributes {dimension_semantics = [#tpu.dimension_semantics<arbitrary>], iteration_bounds = array<i64: 5>, scalar_prefetch = 0 : i64, scratch_operands = 0 : i64, tpu.core_type = #tpu.core_type<tc>, window_params = [{transform_indices = @transform_0, window_bounds = array<i64: 2000, 128>}, {transform_indices = @transform_1, window_bounds = array<i64: 128, 128>}, {transform_indices = @transform_2, window_bounds = array<i64: 1, 128>}, {transform_indices = @transform_3, window_bounds = array<i64: 2000, 128>}]} {
    %get3A = arith.constant 0 : index
    %get3A_0 = arith.constant 0 : index
    %get3A_1 = vector.load %arg1[%get3A, %get3A_0] : memref<2000x128xf32, #tpu.memory_space<vmem>>, vector<2000x128xf32>
    %get3A_2 = arith.constant 0 : index
    %get3A_3 = arith.constant 0 : index
    %get3A_4 = vector.load %arg2[%get3A_2, %get3A_3] : memref<128x128xf32, #tpu.memory_space<vmem>>, vector<128x128xf32>
    %dot_general3A = arith.constant dense<0.000000e+00> : vector<2000x128xf32>
    %dot_general3A_5 = tpu.matmul %get3A_1, %get3A_4, %dot_general3A {dimension_numbers = #tpu.dot_dimension_numbers<[1], [1], [0], [0], [0, 0, 1, 0], [], []>, transpose_lhs_hint = false} : vector<2000x128xf32>, vector<128x128xf32>, vector<2000x128xf32> -> vector<2000x128xf32>
    %get3A_6 = arith.constant 0 : index
    %get3A_7 = arith.constant 0 : index
    %get3A_8 = vector.load %arg3[%get3A_6, %get3A_7] : memref<1x128xf32, #tpu.memory_space<vmem>>, vector<1x128xf32>
    %add3A = vector.broadcast %get3A_8 : vector<1x128xf32> to vector<2000x128xf32>
    %add3A_9 = arith.addf %dot_general3A_5, %add3A : vector<2000x128xf32>
    %mul3A = arith.constant 5.000000e-01 : f32
    %mul3A_10 = vector.broadcast %mul3A : f32 to vector<2000x128xf32>
    %mul3A_11 = arith.mulf %mul3A_10, %add3A_9 : vector<2000x128xf32>
    %mul3A_12 = arith.constant 0.707106769 : f32
    %mul3A_13 = vector.broadcast %mul3A_12 : f32 to vector<2000x128xf32>
    %mul3A_14 = arith.mulf %add3A_9, %mul3A_13 : vector<2000x128xf32>
    %erf3A = math.erf %mul3A_14 : vector<2000x128xf32>
    %add3A_15 = arith.constant 1.000000e+00 : f32
    %add3A_16 = vector.broadcast %add3A_15 : f32 to vector<2000x128xf32>
    %add3A_17 = arith.addf %add3A_16, %erf3A : vector<2000x128xf32>
    %mul3A_18 = arith.mulf %mul3A_11, %add3A_17 : vector<2000x128xf32>
    %swap3A = arith.constant 0 : index
    %swap3A_19 = arith.constant 0 : index
    %swap3A_20 = vector.load %arg4[%swap3A, %swap3A_19] : memref<2000x128xf32, #tpu.memory_space<vmem>>, vector<2000x128xf32>
    tpu.vector_store %arg4[%swap3A, %swap3A_19], %mul3A_18 {strides = array<i32>} : memref<2000x128xf32, #tpu.memory_space<vmem>>, vector<2000x128xf32>,
    return
  }
  func.func @transform_0(%arg0: i32) -> (i32, i32) {
    %mul3A = arith.constant 0 : i32
    %mul3A_0 = arith.muli %arg0, %mul3A : i32
    %c0_i32 = arith.constant 0 : i32
    return %arg0, %mul3A_0 : i32, i32
  }
  func.func @transform_1(%arg0: i32) -> (i32, i32) {
    %mul3A = arith.constant 0 : i32
    %mul3A_0 = arith.muli %arg0, %mul3A : i32
    %c0_i32 = arith.constant 0 : i32
    return %mul3A_0, %mul3A_0 : i32, i32
  }
  func.func @transform_2(%arg0: i32) -> (i32, i32) {
    %mul3A = arith.constant 0 : i32
    %mul3A_0 = arith.muli %arg0, %mul3A : i32
    %c0_i32 = arith.constant 0 : i32
    return %mul3A_0, %mul3A_0 : i32, i32
  }
  func.func @transform_3(%arg0: i32) -> (i32, i32) {
    %mul3A = arith.constant 0 : i32
    %mul3A_0 = arith.muli %arg0, %mul3A : i32
    %c0_i32 = arith.constant 0 : i32
    return %arg0, %mul3A_0 : i32, i32
  }
}

module attributes {stable_mosaic.version = 14 : i64} {
  func.func @_tail_body(%arg0: i32, %arg1: memref<2000x128xf32, #tpu.memory_space<vmem>>, %arg2: memref<2000x128xf32, #tpu.memory_space<vmem>>, %arg3: memref<1x2000x128xf32, #tpu.memory_space<vmem>>, %arg4: memref<1x2000x128xf32, #tpu.memory_space<vmem>>, %arg5: memref<2000x1xf32, #tpu.memory_space<vmem>>, %arg6: memref<2000x1xf32, #tpu.memory_space<vmem>>, %arg7: memref<128x128xf32, #tpu.memory_space<vmem>>, %arg8: memref<1x128xf32, #tpu.memory_space<vmem>>, %arg9: memref<128x128xf32, #tpu.memory_space<vmem>>, %arg10: memref<1x256xf32, #tpu.memory_space<vmem>>, %arg11: memref<1x256xf32, #tpu.memory_space<vmem>>, %arg12: memref<128x256xf32, #tpu.memory_space<vmem>>, %arg13: memref<1x128xf32, #tpu.memory_space<vmem>>, %arg14: memref<64x128xf32, #tpu.memory_space<vmem>>, %arg15: memref<1x64xf32, #tpu.memory_space<vmem>>, %arg16: memref<2000x64xf32, #tpu.memory_space<vmem>>, %arg17: memref<2000x128xf32, #tpu.memory_space<vmem>>) attributes {dimension_semantics = [#tpu.dimension_semantics<arbitrary>], iteration_bounds = array<i64: 5>, scalar_prefetch = 0 : i64, scratch_operands = 0 : i64, tpu.core_type = #tpu.core_type<tc>, window_params = [{transform_indices = @transform_0, window_bounds = array<i64: 2000, 128>}, {transform_indices = @transform_1, window_bounds = array<i64: 2000, 128>}, {transform_indices = @transform_2, window_bounds = array<i64: 1, 2000, 128>}, {transform_indices = @transform_3, window_bounds = array<i64: 1, 2000, 128>}, {transform_indices = @transform_4, window_bounds = array<i64: 2000, 1>}, {transform_indices = @transform_5, window_bounds = array<i64: 2000, 1>}, {transform_indices = @transform_6, window_bounds = array<i64: 128, 128>}, {transform_indices = @transform_7, window_bounds = array<i64: 1, 128>}, {transform_indices = @transform_8, window_bounds = array<i64: 128, 128>}, {transform_indices = @transform_9, window_bounds = array<i64: 1, 256>}, {transform_indices = @transform_10, window_bounds = array<i64: 1, 256>}, {transform_indices = @transform_11, window_bounds = array<i64: 128, 256>}, {transform_indices = @transform_12, window_bounds = array<i64: 1, 128>}, {transform_indices = @transform_13, window_bounds = array<i64: 64, 128>}, {transform_indices = @transform_14, window_bounds = array<i64: 1, 64>}, {transform_indices = @transform_15, window_bounds = array<i64: 2000, 64>}, {transform_indices = @transform_16, window_bounds = array<i64: 2000, 128>}]} {
    %get3A = arith.constant 0 : index
    %get3A_0 = arith.constant 0 : index
    %get3A_1 = vector.load %arg2[%get3A, %get3A_0] : memref<2000x128xf32, #tpu.memory_space<vmem>>, vector<2000x128xf32>
    %get3A_2 = arith.constant 0 : index
    %get3A_3 = arith.constant 0 : index
    %get3A_4 = arith.constant 0 : index
    %get3A_5 = vector.load %arg3[%get3A_2, %get3A_3, %get3A_4] : memref<1x2000x128xf32, #tpu.memory_space<vmem>>, vector<1x2000x128xf32>
    %get3A_6 = vector.shape_cast %get3A_5 : vector<1x2000x128xf32> to vector<2000x128xf32>
    %get3A_7 = arith.constant 0 : index
    %get3A_8 = arith.constant 0 : index
    %get3A_9 = arith.constant 0 : index
    %get3A_10 = vector.load %arg4[%get3A_7, %get3A_8, %get3A_9] : memref<1x2000x128xf32, #tpu.memory_space<vmem>>, vector<1x2000x128xf32>
    %get3A_11 = vector.shape_cast %get3A_10 : vector<1x2000x128xf32> to vector<2000x128xf32>
    %add3A = arith.addf %get3A_6, %get3A_11 : vector<2000x128xf32>
    %get3A_12 = arith.constant 0 : index
    %get3A_13 = arith.constant 0 : index
    %get3A_14 = vector.load %arg5[%get3A_12, %get3A_13] : memref<2000x1xf32, #tpu.memory_space<vmem>>, vector<2000x1xf32>
    %get3A_15 = arith.constant 0 : index
    %get3A_16 = arith.constant 0 : index
    %get3A_17 = vector.load %arg6[%get3A_15, %get3A_16] : memref<2000x1xf32, #tpu.memory_space<vmem>>, vector<2000x1xf32>
    %add3A_18 = arith.addf %get3A_14, %get3A_17 : vector<2000x1xf32>
    %add3A_19 = arith.constant 1.000000e+00 : f32
    %add3A_20 = vector.broadcast %add3A_19 : f32 to vector<2000x1xf32>
    %add3A_21 = arith.addf %add3A_18, %add3A_20 : vector<2000x1xf32>
    %div3A = arith.constant 1.000000e+00 : f32
    %div3A_22 = vector.broadcast %div3A : f32 to vector<2000x1xf32>
    %div3A_23 = arith.divf %div3A_22, %add3A_21 : vector<2000x1xf32>
    %add3A_24 = arith.addf %add3A, %get3A_1 : vector<2000x128xf32>
    %mul3A = vector.broadcast %div3A_23 : vector<2000x1xf32> to vector<2000x128xf32>
    %mul3A_25 = arith.mulf %mul3A, %add3A_24 : vector<2000x128xf32>
    %get3A_26 = arith.constant 0 : index
    %get3A_27 = arith.constant 0 : index
    %get3A_28 = vector.load %arg7[%get3A_26, %get3A_27] : memref<128x128xf32, #tpu.memory_space<vmem>>, vector<128x128xf32>
    %dot_general3A = arith.constant dense<0.000000e+00> : vector<2000x128xf32>
    %dot_general3A_29 = tpu.matmul %mul3A_25, %get3A_28, %dot_general3A {dimension_numbers = #tpu.dot_dimension_numbers<[1], [1], [0], [0], [0, 0, 1, 0], [], []>, transpose_lhs_hint = false} : vector<2000x128xf32>, vector<128x128xf32>, vector<2000x128xf32> -> vector<2000x128xf32>
    %get3A_30 = arith.constant 0 : index
    %get3A_31 = arith.constant 0 : index
    %get3A_32 = vector.load %arg8[%get3A_30, %get3A_31] : memref<1x128xf32, #tpu.memory_space<vmem>>, vector<1x128xf32>
    %add3A_33 = vector.broadcast %get3A_32 : vector<1x128xf32> to vector<2000x128xf32>
    %add3A_34 = arith.addf %dot_general3A_29, %add3A_33 : vector<2000x128xf32>
    %get3A_35 = arith.constant 0 : index
    %get3A_36 = arith.constant 0 : index
    %get3A_37 = vector.load %arg9[%get3A_35, %get3A_36] : memref<128x128xf32, #tpu.memory_space<vmem>>, vector<128x128xf32>
    %dot_general3A_38 = arith.constant dense<0.000000e+00> : vector<2000x128xf32>
    %dot_general3A_39 = tpu.matmul %get3A_1, %get3A_37, %dot_general3A_38 {dimension_numbers = #tpu.dot_dimension_numbers<[1], [1], [0], [0], [0, 0, 1, 0], [], []>, transpose_lhs_hint = false} : vector<2000x128xf32>, vector<128x128xf32>, vector<2000x128xf32> -> vector<2000x128xf32>
    %add3A_40 = arith.addf %add3A_34, %dot_general3A_39 : vector<2000x128xf32>
    %swap3A = arith.constant 0 : index
    %swap3A_41 = arith.constant 0 : index
    %swap3A_42 = vector.load %arg17[%swap3A, %swap3A_41] : memref<2000x128xf32, #tpu.memory_space<vmem>>, vector<2000x128xf32>
    tpu.vector_store %arg17[%swap3A, %swap3A_41], %add3A_40 {strides = array<i32>} : memref<2000x128xf32, #tpu.memory_space<vmem>>, vector<2000x128xf32>,
    %mul3A_43 = arith.constant 5.000000e-01 : f32
    %mul3A_44 = vector.broadcast %mul3A_43 : f32 to vector<2000x128xf32>
    %mul3A_45 = arith.mulf %mul3A_44, %add3A_40 : vector<2000x128xf32>
    %mul3A_46 = arith.constant 0.707106769 : f32
    %mul3A_47 = vector.broadcast %mul3A_46 : f32 to vector<2000x128xf32>
    %mul3A_48 = arith.mulf %add3A_40, %mul3A_47 : vector<2000x128xf32>
    %erf3A = math.erf %mul3A_48 : vector<2000x128xf32>
    %add3A_49 = arith.constant 1.000000e+00 : f32
    %add3A_50 = vector.broadcast %add3A_49 : f32 to vector<2000x128xf32>
    %add3A_51 = arith.addf %add3A_50, %erf3A : vector<2000x128xf32>
    %mul3A_52 = arith.mulf %mul3A_45, %add3A_51 : vector<2000x128xf32>
    %get3A_53 = arith.constant 0 : index
    %get3A_54 = arith.constant 0 : index
    %get3A_55 = vector.load %arg1[%get3A_53, %get3A_54] : memref<2000x128xf32, #tpu.memory_space<vmem>>, vector<2000x128xf32>
    %concatenate3A = tpu.concatenate %get3A_55, %mul3A_52 in 1 : vector<2000x128xf32>, vector<2000x128xf32> -> vector<2000x256xf32>
    %reduce_sum3A = arith.constant dense<0.000000e+00> : vector<2000xf32>
    %reduce_sum3A_56 = vector.multi_reduction <add>, %concatenate3A, %reduce_sum3A [1] : vector<2000x256xf32> to vector<2000xf32>
    %broadcast_in_dim3A = vector.shape_cast %reduce_sum3A_56 : vector<2000xf32> to vector<2000x1xf32>
    %div3A_57 = arith.constant 2.560000e+02 : f32
    %div3A_58 = vector.broadcast %div3A_57 : f32 to vector<2000x1xf32>
    %div3A_59 = arith.divf %broadcast_in_dim3A, %div3A_58 : vector<2000x1xf32>
    %sub3A = vector.broadcast %div3A_59 : vector<2000x1xf32> to vector<2000x256xf32>
    %sub3A_60 = arith.subf %concatenate3A, %sub3A : vector<2000x256xf32>
    %integer_pow3A = arith.mulf %sub3A_60, %sub3A_60 : vector<2000x256xf32>
    %reduce_sum3A_61 = arith.constant dense<0.000000e+00> : vector<2000xf32>
    %reduce_sum3A_62 = vector.multi_reduction <add>, %integer_pow3A, %reduce_sum3A_61 [1] : vector<2000x256xf32> to vector<2000xf32>
    %broadcast_in_dim3A_63 = vector.shape_cast %reduce_sum3A_62 : vector<2000xf32> to vector<2000x1xf32>
    %div3A_64 = arith.constant 2.560000e+02 : f32
    %div3A_65 = vector.broadcast %div3A_64 : f32 to vector<2000x1xf32>
    %div3A_66 = arith.divf %broadcast_in_dim3A_63, %div3A_65 : vector<2000x1xf32>
    %sub3A_67 = vector.broadcast %div3A_59 : vector<2000x1xf32> to vector<2000x256xf32>
    %sub3A_68 = arith.subf %concatenate3A, %sub3A_67 : vector<2000x256xf32>
    %add3A_69 = arith.constant 9.99999974E-6 : f32
    %add3A_70 = vector.broadcast %add3A_69 : f32 to vector<2000x1xf32>
    %add3A_71 = arith.addf %div3A_66, %add3A_70 : vector<2000x1xf32>
    %sqrt3A = math.sqrt %add3A_71 : vector<2000x1xf32>
    %div3A_72 = vector.broadcast %sqrt3A : vector<2000x1xf32> to vector<2000x256xf32>
    %div3A_73 = arith.divf %sub3A_68, %div3A_72 : vector<2000x256xf32>
    %get3A_74 = arith.constant 0 : index
    %get3A_75 = arith.constant 0 : index
    %get3A_76 = vector.load %arg10[%get3A_74, %get3A_75] : memref<1x256xf32, #tpu.memory_space<vmem>>, vector<1x256xf32>
    %mul3A_77 = vector.broadcast %get3A_76 : vector<1x256xf32> to vector<2000x256xf32>
    %mul3A_78 = arith.mulf %div3A_73, %mul3A_77 : vector<2000x256xf32>
    %get3A_79 = arith.constant 0 : index
    %get3A_80 = arith.constant 0 : index
    %get3A_81 = vector.load %arg11[%get3A_79, %get3A_80] : memref<1x256xf32, #tpu.memory_space<vmem>>, vector<1x256xf32>
    %add3A_82 = vector.broadcast %get3A_81 : vector<1x256xf32> to vector<2000x256xf32>
    %add3A_83 = arith.addf %mul3A_78, %add3A_82 : vector<2000x256xf32>
    %get3A_84 = arith.constant 0 : index
    %get3A_85 = arith.constant 0 : index
    %get3A_86 = vector.load %arg12[%get3A_84, %get3A_85] : memref<128x256xf32, #tpu.memory_space<vmem>>, vector<128x256xf32>
    %dot_general3A_87 = arith.constant dense<0.000000e+00> : vector<2000x128xf32>
    %dot_general3A_88 = tpu.matmul %add3A_83, %get3A_86, %dot_general3A_87 {dimension_numbers = #tpu.dot_dimension_numbers<[1], [1], [0], [0], [0, 0, 1, 0], [], []>, transpose_lhs_hint = false} : vector<2000x256xf32>, vector<128x256xf32>, vector<2000x128xf32> -> vector<2000x128xf32>
    %get3A_89 = arith.constant 0 : index
    %get3A_90 = arith.constant 0 : index
    %get3A_91 = vector.load %arg13[%get3A_89, %get3A_90] : memref<1x128xf32, #tpu.memory_space<vmem>>, vector<1x128xf32>
    %add3A_92 = vector.broadcast %get3A_91 : vector<1x128xf32> to vector<2000x128xf32>
    %add3A_93 = arith.addf %dot_general3A_88, %add3A_92 : vector<2000x128xf32>
    %mul3A_94 = arith.constant 5.000000e-01 : f32
    %mul3A_95 = vector.broadcast %mul3A_94 : f32 to vector<2000x128xf32>
    %mul3A_96 = arith.mulf %mul3A_95, %add3A_93 : vector<2000x128xf32>
    %mul3A_97 = arith.constant 0.707106769 : f32
    %mul3A_98 = vector.broadcast %mul3A_97 : f32 to vector<2000x128xf32>
    %mul3A_99 = arith.mulf %add3A_93, %mul3A_98 : vector<2000x128xf32>
    %erf3A_100 = math.erf %mul3A_99 : vector<2000x128xf32>
    %add3A_101 = arith.constant 1.000000e+00 : f32
    %add3A_102 = vector.broadcast %add3A_101 : f32 to vector<2000x128xf32>
    %add3A_103 = arith.addf %add3A_102, %erf3A_100 : vector<2000x128xf32>
    %mul3A_104 = arith.mulf %mul3A_96, %add3A_103 : vector<2000x128xf32>
    %get3A_105 = arith.constant 0 : index
    %get3A_106 = arith.constant 0 : index
    %get3A_107 = vector.load %arg14[%get3A_105, %get3A_106] : memref<64x128xf32, #tpu.memory_space<vmem>>, vector<64x128xf32>
    %dot_general3A_108 = arith.constant dense<0.000000e+00> : vector<2000x64xf32>
    %dot_general3A_109 = tpu.matmul %mul3A_104, %get3A_107, %dot_general3A_108 {dimension_numbers = #tpu.dot_dimension_numbers<[1], [1], [0], [0], [0, 0, 1, 0], [], []>, transpose_lhs_hint = false} : vector<2000x128xf32>, vector<64x128xf32>, vector<2000x64xf32> -> vector<2000x64xf32>
    %get3A_110 = arith.constant 0 : index
    %get3A_111 = arith.constant 0 : index
    %get3A_112 = vector.load %arg15[%get3A_110, %get3A_111] : memref<1x64xf32, #tpu.memory_space<vmem>>, vector<1x64xf32>
    %add3A_113 = vector.broadcast %get3A_112 : vector<1x64xf32> to vector<2000x64xf32>
    %add3A_114 = arith.addf %dot_general3A_109, %add3A_113 : vector<2000x64xf32>
    %logistic3A = arith.negf %add3A_114 : vector<2000x64xf32>
    %logistic3A_115 = math.exp %logistic3A : vector<2000x64xf32>
    %logistic3A_116 = arith.constant 1.000000e+00 : f32
    %logistic3A_117 = vector.broadcast %logistic3A_116 : f32 to vector<2000x64xf32>
    %logistic3A_118 = arith.addf %logistic3A_117, %logistic3A_115 : vector<2000x64xf32>
    %logistic3A_119 = arith.divf %logistic3A_117, %logistic3A_118 : vector<2000x64xf32>
    %swap3A_120 = arith.constant 0 : index
    %swap3A_121 = arith.constant 0 : index
    %swap3A_122 = vector.load %arg16[%swap3A_120, %swap3A_121] : memref<2000x64xf32, #tpu.memory_space<vmem>>, vector<2000x64xf32>
    tpu.vector_store %arg16[%swap3A_120, %swap3A_121], %logistic3A_119 {strides = array<i32>} : memref<2000x64xf32, #tpu.memory_space<vmem>>, vector<2000x64xf32>,
    return
  }
  func.func @transform_0(%arg0: i32) -> (i32, i32) {
    %mul3A = arith.constant 0 : i32
    %mul3A_0 = arith.muli %arg0, %mul3A : i32
    %c0_i32 = arith.constant 0 : i32
    return %arg0, %mul3A_0 : i32, i32
  }
  func.func @transform_1(%arg0: i32) -> (i32, i32) {
    %mul3A = arith.constant 0 : i32
    %mul3A_0 = arith.muli %arg0, %mul3A : i32
    %c0_i32 = arith.constant 0 : i32
    return %arg0, %mul3A_0 : i32, i32
  }
  func.func @transform_2(%arg0: i32) -> (i32, i32, i32) {
    %mul3A = arith.constant 0 : i32
    %mul3A_0 = arith.muli %arg0, %mul3A : i32
    %mul3A_1 = arith.constant 0 : i32
    %mul3A_2 = arith.muli %arg0, %mul3A_1 : i32
    %c0_i32 = arith.constant 0 : i32
    return %mul3A_0, %arg0, %mul3A_2 : i32, i32, i32
  }
  func.func @transform_3(%arg0: i32) -> (i32, i32, i32) {
    %mul3A = arith.constant 0 : i32
    %mul3A_0 = arith.muli %arg0, %mul3A : i32
    %add3A = arith.constant 1 : i32
    %add3A_1 = arith.addi %mul3A_0, %add3A : i32
    %mul3A_2 = arith.constant 0 : i32
    %mul3A_3 = arith.muli %arg0, %mul3A_2 : i32
    %c0_i32 = arith.constant 0 : i32
    return %add3A_1, %arg0, %mul3A_3 : i32, i32, i32
  }
  func.func @transform_4(%arg0: i32) -> (i32, i32) {
    %mul3A = arith.constant 0 : i32
    %mul3A_0 = arith.muli %arg0, %mul3A : i32
    %c0_i32 = arith.constant 0 : i32
    return %arg0, %mul3A_0 : i32, i32
  }
  func.func @transform_5(%arg0: i32) -> (i32, i32) {
    %mul3A = arith.constant 0 : i32
    %mul3A_0 = arith.muli %arg0, %mul3A : i32
    %c0_i32 = arith.constant 0 : i32
    return %arg0, %mul3A_0 : i32, i32
  }
  func.func @transform_6(%arg0: i32) -> (i32, i32) {
    %mul3A = arith.constant 0 : i32
    %mul3A_0 = arith.muli %arg0, %mul3A : i32
    %c0_i32 = arith.constant 0 : i32
    return %mul3A_0, %mul3A_0 : i32, i32
  }
  func.func @transform_7(%arg0: i32) -> (i32, i32) {
    %mul3A = arith.constant 0 : i32
    %mul3A_0 = arith.muli %arg0, %mul3A : i32
    %c0_i32 = arith.constant 0 : i32
    return %mul3A_0, %mul3A_0 : i32, i32
  }
  func.func @transform_8(%arg0: i32) -> (i32, i32) {
    %mul3A = arith.constant 0 : i32
    %mul3A_0 = arith.muli %arg0, %mul3A : i32
    %c0_i32 = arith.constant 0 : i32
    return %mul3A_0, %mul3A_0 : i32, i32
  }
  func.func @transform_9(%arg0: i32) -> (i32, i32) {
    %mul3A = arith.constant 0 : i32
    %mul3A_0 = arith.muli %arg0, %mul3A : i32
    %c0_i32 = arith.constant 0 : i32
    return %mul3A_0, %mul3A_0 : i32, i32
  }
  func.func @transform_10(%arg0: i32) -> (i32, i32) {
    %mul3A = arith.constant 0 : i32
    %mul3A_0 = arith.muli %arg0, %mul3A : i32
    %c0_i32 = arith.constant 0 : i32
    return %mul3A_0, %mul3A_0 : i32, i32
  }
  func.func @transform_11(%arg0: i32) -> (i32, i32) {
    %mul3A = arith.constant 0 : i32
    %mul3A_0 = arith.muli %arg0, %mul3A : i32
    %c0_i32 = arith.constant 0 : i32
    return %mul3A_0, %mul3A_0 : i32, i32
  }
  func.func @transform_12(%arg0: i32) -> (i32, i32) {
    %mul3A = arith.constant 0 : i32
    %mul3A_0 = arith.muli %arg0, %mul3A : i32
    %c0_i32 = arith.constant 0 : i32
    return %mul3A_0, %mul3A_0 : i32, i32
  }
  func.func @transform_13(%arg0: i32) -> (i32, i32) {
    %mul3A = arith.constant 0 : i32
    %mul3A_0 = arith.muli %arg0, %mul3A : i32
    %c0_i32 = arith.constant 0 : i32
    return %mul3A_0, %mul3A_0 : i32, i32
  }
  func.func @transform_14(%arg0: i32) -> (i32, i32) {
    %mul3A = arith.constant 0 : i32
    %mul3A_0 = arith.muli %arg0, %mul3A : i32
    %c0_i32 = arith.constant 0 : i32
    return %mul3A_0, %mul3A_0 : i32, i32
  }
  func.func @transform_15(%arg0: i32) -> (i32, i32) {
    %mul3A = arith.constant 0 : i32
    %mul3A_0 = arith.muli %arg0, %mul3A : i32
    %c0_i32 = arith.constant 0 : i32
    return %arg0, %mul3A_0 : i32, i32
  }
  func.func @transform_16(%arg0: i32) -> (i32, i32) {
    %mul3A = arith.constant 0 : i32
    %mul3A_0 = arith.muli %arg0, %mul3A : i32
    %c0_i32 = arith.constant 0 : i32
    return %arg0, %mul3A_0 : i32, i32
  }
}

</mosaic_0001>

<sc_bundles>
// kernel: kernel.10.cloned.1.call-start
scs
__scs_entry_jumppad:
0x0: {  	(pc) =	sbr.rel $0x88, $3  }
0x1: {  	(tag) =	ssettag $0x0;
	lr =	simm.s32 $0x1  }
0x2: {  	[smem:$0x3F94] =	sst lr;
	_ =	strace $0xD0000000  }
0x3: {  	_ = 	snop  }
0x4: {  	_ = 	snop  }
0x5: {  	_ = 	snop  }
0x6: {  	_ = 	snop  }
0x7: {  	_ = 	snop  }
__scs_overlays_trampoline_lowered:
0x8: {  	[smem:$0x3FA3] =	sst s0  }
0x9: {  	[smem:$0x3FA4] =	sst s1  }
0xa: {  	[smem:$0x3FA5] =	sst s2  }
0xb: {  	[smem:$0x3FA6] =	sst s3  }
0xc: {  	[smem:$0x3FA7] =	sst s4  }
0xd: {  	[smem:$0x3FA8] =	sst s5  }
0xe: {  	[smem:$0x3FA9] =	sst s6  }
0xf: {  	[smem:$0x3FAA] =	sst s7  }
0x10: {  	[smem:$0x3FAB] =	sst s8  }
0x11: {  	[smem:$0x3FAC] =	sst s9;
	s0 =	simm.s32 @!p0 $0x0  }
0x12: {  	s1 =	sld [smem:$0x3F92];
	s0 =	simm.s32 @p0 $0x1  }
0x13: {  	[smem:$0x3FAD] =	sst s0;
	s0 =	simm.s32 @!p1 $0x0  }
0x14: {  	s2 =	sld [smem:$0x3F91];
	s0 =	simm.s32 @p1 $0x1  }
0x15: {  	[smem:$0x3FAE] =	sst s0;
	s0 =	simm.s32 @!p2 $0x0  }
0x16: {  	s3 =	sld [smem:$0x3FDB];
	s0 =	simm.s32 @p2 $0x1  }
0x17: {  	s4 =	simm.s32 $0x1BF5;
	[smem:$0x3FB0] =	sst s0  }
0x18: {  	s0 =	sld [smem:$0x3F93];
	_ =	swait.ge [sflag:s4], $0x0  }
0x19: {  	s7 =	sld [smem:$0x3F94]  }
0x1a: {  	s8 =	sadd.s32 $0xFFFFE003, lr  }
0x1b: {  	s9 =	sadd.s32 $0xFFFFFEF7, lr;
	s5 =	simm.s32 $0xFFFFFFFF;
	p2 =	slt.u32 s8, $0xFFFFF086  }
0x1c: {  	p1 =	slt.u32 s9, $0xF7A;
	s5 =	simm.s32 @!p2 $0x0  }
0x1d: {  	s5 =	simm.s32 @p1 $0x1;
	p0 =	seq.s32 s7, s2  }
0x1e: {  	s7 =	smul.u32 @!p0 $0xF7A, s2;
	p2 =	seq.s32 @!p0 s5, $0x0  }
0x1f: {  	s9 =	smul.u32 $0xF7A, s1;
	s8 =	simm.s32 @!p0 $0x1BF5;
	p2 =	por !p2, p0  }
0x20: {  	[sflag:s8] =	ssyncset.s32 @!p0 $0xFFFFF086;
	s6 =	sadd.s32 @!p0 s3, s7;
	s7 =	simm.s32 @!p0 $0x108  }
0x21: {  	s3 =	sadd.s32 s3, s9;
	s6 =	sadd.s32 @!p0 $0x88, s6;
	s7 =	simm.s32 @p2 $0x1082  }
0x22: {  	[simem:s7], [sflag:s8] =	dma.local @!p0 [hbm:s6], $0xF7A  }
0x23: {  	s9 =	sor.u32 $0xD0000000, s2;
	s6 =	simm.s32 $0x108;
	_ =	swait.ge @!p0 [sflag:s8], $0x0  }
0x24: {  	s3 =	sadd.s32 $0x88, s3;
	s6 =	simm.s32 @!p1 $0x1082;
	[sflag:s4] =	ssyncset.s32 $0xFFFFF086  }
0x25: {  	[simem:s6], [sflag:s4] =	dma.local [hbm:s3], $0xF7A  }
0x26: {  	[smem:$0x3F94] =	sst s1;
	(tag) =	ssettag s2;
	_ =	strace s9  }
0x27: {  	s1 =	sld [smem:$0x3FA4]  }
0x28: {  	s2 =	sld [smem:$0x3FA5]  }
0x29: {  	s4 =	sld [smem:$0x3FA7]  }
0x2a: {  	p0 =	seq.s32 s5, $0x0;
	s5 =	sld [smem:$0x3FA8]  }
0x2b: {  	s6 =	sld [smem:$0x3FA9]  }
0x2c: {  	s7 =	sld [smem:$0x3FAA]  }
0x2d: {  	s3 =	simm.s32 $0x108;
	s8 =	sld [smem:$0x3FAB]  }
0x2e: {  	s3 =	simm.s32 @!p0 $0x1082;
	s9 =	sld [smem:$0x3FAC]  }
0x2f: {  	lr =	sadd.s32 s0, s3;
	s0 =	sld [smem:$0x3FA3]  }
0x30: {  	s3 =	sld [smem:$0x3FA6]  }
0x31: {  	[smem:$0x3FAF] =	sst s10  }
0x32: {  	s10 =	sld [smem:$0x3FAD];
	_ =	sdelay $0x3  }
0x33: {  	p0 =	seq.s32 s10, $0x1;
	s10 =	sld [smem:$0x3FAF];
	_ =	sdelay $0x3  }
0x34: {  	[smem:$0x3FAF] =	sst s10  }
0x35: {  	s10 =	sld [smem:$0x3FAE];
	_ =	sdelay $0x3  }
0x36: {  	p1 =	seq.s32 s10, $0x1;
	s10 =	sld [smem:$0x3FAF];
	_ =	sdelay $0x3  }
0x37: {  	[smem:$0x3FAF] =	sst s10  }
0x38: {  	s10 =	sld [smem:$0x3FB0]  }
0x39: {  	_ = 	snop;
	(pc) =	sbr.ind lr, $3  }
0x3a: {  	_ = 	snop  }
0x3b: {  	_ = 	snop  }
0x3c: {  	p2 =	seq.s32 s10, $0x1;
	s10 =	sld [smem:$0x3FAF]  }
0x3d: {  	_ =	shalt  }
0x3e: {  	_ =	shalt  }
0x3f: {  	_ =	shalt  }
0x40: {  	_ =	shalt  }
0x41: {  	_ =	shalt  }
0x42: {  	_ =	shalt  }
0x43: {  	_ =	shalt  }
0x44: {  	_ =	shalt  }
0x45: {  	_ =	shalt  }
0x46: {  	_ =	shalt  }
0x47: {  	_ =	shalt  }
0x48: {  	_ =	shalt  }
0x49: {  	_ =	shalt  }
0x4a: {  	_ =	shalt  }
0x4b: {  	_ =	shalt  }
0x4c: {  	_ =	shalt  }
0x4d: {  	_ =	shalt  }
0x4e: {  	_ =	shalt  }
0x4f: {  	_ =	shalt  }
0x50: {  	_ =	shalt  }
0x51: {  	_ =	shalt  }
0x52: {  	_ =	shalt  }
0x53: {  	_ =	shalt  }
0x54: {  	_ =	shalt  }
0x55: {  	_ =	shalt  }
0x56: {  	_ =	shalt  }
0x57: {  	_ =	shalt  }
0x58: {  	_ =	shalt  }
0x59: {  	_ =	shalt  }
0x5a: {  	_ =	shalt  }
0x5b: {  	_ =	shalt  }
0x5c: {  	_ =	shalt  }
0x5d: {  	_ =	shalt  }
0x5e: {  	_ =	shalt  }
0x5f: {  	_ =	shalt  }
0x60: {  	_ =	shalt  }
0x61: {  	_ =	shalt  }
0x62: {  	_ =	shalt  }
0x63: {  	_ =	shalt  }
0x64: {  	_ =	shalt  }
0x65: {  	_ =	shalt  }
0x66: {  	_ =	shalt  }
0x67: {  	_ =	shalt  }
0x68: {  	_ =	shalt  }
0x69: {  	_ =	shalt  }
0x6a: {  	_ =	shalt  }
0x6b: {  	_ =	shalt  }
0x6c: {  	_ =	shalt  }
0x6d: {  	_ =	shalt  }
0x6e: {  	_ =	shalt  }
0x6f: {  	_ =	shalt  }
0x70: {  	_ =	shalt  }
0x71: {  	_ =	shalt  }
0x72: {  	_ =	shalt  }
0x73: {  	_ =	shalt  }
0x74: {  	_ =	shalt  }
0x75: {  	_ =	shalt  }
0x76: {  	_ =	shalt  }
0x77: {  	_ =	shalt  }
0x78: {  	_ =	shalt  }
0x79: {  	_ =	shalt  }
0x7a: {  	_ =	shalt  }
0x7b: {  	_ =	shalt  }
0x7c: {  	_ =	shalt  }
0x7d: {  	_ =	shalt  }
0x7e: {  	_ =	shalt  }
0x7f: {  	_ =	shalt  }
0x80: {  	_ =	shalt  }
0x81: {  	_ =	shalt  }
0x82: {  	_ =	shalt  }
0x83: {  	_ =	shalt  }
0x84: {  	_ =	shalt  }
0x85: {  	_ =	shalt  }
0x86: {  	_ =	shalt  }
0x87: {  	_ =	shalt  }
.Lfunc_end0:
.L_simem_size_0:
called_computation.1_lowered:
.L_overlay_start_0:
0x88: {  	s2 =	sld [smem:$0x3FD9]  }
0x89: {  	s3 =	sld [smem:$0x3FFE];
	_ =	sdelay $0x1  }
0x8a: {  	s1 =	srdreg.scid  }
0x8b: {  	s0 =	sand.u32 $0x1, s1  }
0x8c: {  	s14 =	sshll.u32 s0, $0xA;
	s2 =	sadd.s32 s3, s2  }
0x8d: {  	s2 =	sadd.s32 s2, s14  }
0x8e: {  	[smem:$0x3FBB] =	sst s2  }
0x8f: {  	_ = 	snop  }
0x90: {  	s2 =	sld [smem:$0x3FD0];
	_ =	sdelay $0x2  }
0x91: {  	s15 =	simm.s32 $0xB;
	s4 =	simm.s32 $0x10  }
0x92: {  	[smem:s4], [sflag:s15] =	dma.local [hbm:s2], $0x1  }
0x93: {  	_ =	swait.eq [sflag:s15], $0x1  }
0x94: {  	[sflag:s15] =	ssyncset.done $0x0  }
0x95: {  	[sflag:s15] =	ssyncadd.s32 $0xFFFFFFFF  }
0x96: {  	s16 =	sld [smem:$0x10];
	(tm) =	ssettm $0x1  }
0x97: {  	s17 =	sld [smem:$0x3FFB];
	_ =	sdelay $0x3  }
0x98: {  	_ =	strace s17  }
0x99: {  	s3 =	sld [smem:$0x3FFC];
	_ =	sdelay $0x3  }
0x9a: {  	_ =	strace s3  }
0x9b: {  	s3 =	sld [smem:$0x3FFD];
	_ =	sdelay $0x3  }
0x9c: {  	_ =	strace s3  }
0x9d: {  	_ =	strace $0x8FFFFFFF  }
0x9e: {  	s18 =	sld [smem:$0x3FDB];
	_ =	sdelay $0x1  }
0x9f: {  	s19 =	simm.s32 $_scs_section_size  }
0xa0: {  	s5 =	simm.s32 $_size__tile_overlayer_lowered;
	s6 =	simm.s32 $_tile_overlayer_lowered  }
0xa1: {  	s22 =	simm.s32 $0x1BFF;
	s21 =	sshll.u32 s6, $0x1;
	s3 =	sadd.s32 s19, s18  }
0xa2: {  	s7 =	simm.s32 $0x0;
	s20 =	sshll.u32 s5, $0x1;
	s5 =	sadd.s32 s21, s3  }
0xa3: {  	[timem:s7], [sflag:s22] =	dma.local [hbm:s5], s20  }
0xa4: {  	_ =	swait.ge [sflag:s22], s20  }
0xa5: {  	s4 =	ssub.s32 $0x0, s20;
	[sflag:s22] =	ssyncset.done $0x0  }
0xa6: {  	[sflag:s22] =	ssyncadd.s32 s4;
	_ =	sdelay $0x1  }
0xa7: {  	s23 =	simm.s32 $0x1B8B  }
0xa8: {  	_ =	swait.ge [sflag:s23], $0x1  }
0xa9: {  	[sflag:s23] =	ssyncset.done $0x0  }
0xaa: {  	s25 =	simm.s32 $0x1B8E;
	s24 =	sld [smem:$0x3FFE];
	[sflag:s23] =	ssyncadd.s32 $0xFFFFFFFF  }
0xab: {  	s26 =	simm.s32 $execute0_lowered;
	[smem:$0x3FD2] =	sst s25  }
0xac: {  	s5 =	sshll.u32 s26, $0x1;
	_ =	strace $0x80000046;
	[dreg:$0x1] =	wrdreg $0xFFFFFFFF  }
0xad: {  	s28 =	simm.s32 $_size_execute0_lowered;
	s3 =	sadd.s32 s3, s5;
	[dreg:$0x0] =	wrdreg $0x0  }
0xae: {  	s5 =	sshll.u32 s28, $0x1;
	[dreg:$0x2] =	wrdreg s3  }
0xaf: {  	[dreg:$0x3] =	wrdreg s5  }
0xb0: {  	[dreg:$0x4] =	wrdreg $0xC0  }
0xb1: {  	_ =	task [dreg:s7], $0x5FFFF  }
0xb2: {  	[dreg:$0x1] =	wrdreg $0xFFFFFFFF  }
0xb3: {  	[dreg:$0x0] =	wrdreg $0x60  }
0xb4: {  	[dreg:$0x2] =	wrdreg s16  }
0xb5: {  	[dreg:$0x3] =	wrdreg s24  }
0xb6: {  	[dreg:$0x4] =	wrdreg $0x92800  }
0xb7: {  	[dreg:$0x5] =	wrdreg $0xA  }
0xb8: {  	_ =	task.clear_ibuf [dreg:s7], $0x6FFFF;
	_ =	strace $0x90000046  }
0xb9: {  	s29 =	simm.s32 $0xA;
	_ =	strace $0x80000048  }
0xba: {  	_ =	swait.ge [sflag:s29], $0x1  }
0xbb: {  	[sflag:s29] =	ssyncadd.s32 $0xFFFFFFFF  }
0xbc: {  	_ =	strace $0x90000048  }
0xbd: {  	_ =	sfence  }
0xbe: {  	s30 =	sld [smem:$0x0];
	_ =	sdelay $0x2  }
0xbf: {  	s31 =	sshll.u32 s1, $0xD;
	s1 =	sshrl.u32 s1, $0x2  }
0xc0: {  	s3 =	sand.u32 $0x4000, s31;
	s1 =	sadd.s32 s1, s30  }
0xc1: {  	s0 =	sor.u32 s3, s0;
	s1 =	sshll.u32 s1, $0x11  }
0xc2: {  	s0 =	sor.u32 s1, s0  }
0xc3: {  	s0 =	sadd.s32 $0x8F2B, s0  }
0xc4: {  	[sflag:s0] =	ssyncadd.remote.s32 $0x1  }
0xc5: {  	_ =	sfence.sel $0xFFFF  }
0xc6: {  	[dreg:$0x0] =	wrdreg $0xFFFFFFFF;
	(pc) =	sbr.abs _section_cstart, $3  }
0xc7: {  	[dreg:$0x1] =	wrdreg $0xFFFFFFFF  }
0xc8: {  	_ =	task.clear_ibuf [dreg:s7], $0x2FFFF;
	_ =	strace $0x9FFFFFFF  }
0xc9: {  	(tm) =	ssettm $0x7FFFFFFF  }
tec
execute0_lowered:
.L_overlay_start_1:
0x0: {  	(tag) =	ssettag $0x1  }
0x1: {  	s0 =	rddreg [dreg:$0x0]  }
0x2: {  	s1 =	rddreg [dreg:$0x1]  }
0x3: {  	s2 =	srdreg.scid;
	s9 =	stileid.u32  }
0x4: {  	s3 =	rddreg [dreg:$0x2];
	s31 =	simm.s32 $0x0;
	s2 =	sand.u32 $0x1, s2  }
0x5: {  	s4 =	smul.u32 $0x280, s9;
	[smem:$0x7FF] =	sst s31;
	s6 =	sshrl.u32 s9, $0x3  }
0x6: {  	s8 =	sshll.u32 s9, $0xB;
	s12 =	smul.u32 $0x5000, s9;
	s13 =	sshll.u32 s9, $0x7  }
0x7: {  	s5 =	smul.u32 $0x2800, s2;
	_ =	strace $0x80000047;
	s11 =	ssub.s32 $0x2, s2  }
0x8: {  	s6 =	smul.u32 $0x50000, s6;
	s2 =	sshll.u32 s2, $0xF;
	s0 =	sadd.s32 s0, s8  }
0x9: {  	s7 =	sshrl.u32 s11, $0x1;
	s0 =	sadd.s32 s2, s0;
	s15 =	sshrl.u32 s12, $0x2  }
0xa: {  	s4 =	sadd.s32 s4, s5;
	s5 =	ssub.s32 s11, s7;
	[dreg:$0x4] =	wrdreg s0  }
0xb: {  	s14 =	sshrl.u32 s6, $0x2;
	s0 =	sand.u32 $0x380, s13;
	s4 =	sshrl.u32 s4, $0x3  }
0xc: {  	s2 =	sadd.s32 s14, s3;
	s9 =	smax.u32 s5, $0x1;
	s1 =	sadd.s32 s4, s1  }
0xd: {  	s4 =	sadd.s32 s15, s3;
	s0 =	sadd.s32 s0, s2;
	[dreg:$0x16] =	wrdreg s9  }
0xe: {  	[dreg:$0x5] =	wrdreg s0;
	s16 =	sadd.s32 $0x80, s4  }
0xf: {  	s17 =	sadd.s32 $0x100, s4;
	[dreg:$0x6] =	wrdreg s16  }
0x10: {  	s18 =	sadd.s32 $0x180, s4;
	[dreg:$0x7] =	wrdreg s17  }
0x11: {  	s19 =	sadd.s32 $0x200, s4;
	[dreg:$0x8] =	wrdreg s18  }
0x12: {  	s20 =	sadd.s32 $0x280, s4;
	[dreg:$0x9] =	wrdreg s19  }
0x13: {  	s21 =	sadd.s32 $0x300, s4;
	[dreg:$0xa] =	wrdreg s20  }
0x14: {  	s22 =	sadd.s32 $0x380, s4;
	[dreg:$0xb] =	wrdreg s21  }
0x15: {  	s23 =	sadd.s32 $0x14000, s4;
	[dreg:$0xc] =	wrdreg s22  }
0x16: {  	s24 =	sadd.s32 $0x14080, s4;
	[dreg:$0xd] =	wrdreg s23  }
0x17: {  	s25 =	sadd.s32 $0x14100, s4;
	[dreg:$0xe] =	wrdreg s24  }
0x18: {  	s26 =	sadd.s32 $0x14180, s4;
	[dreg:$0xf] =	wrdreg s25  }
0x19: {  	s2 =	sadd.s32 $0x14200, s4;
	[dreg:$0x10] =	wrdreg s26  }
0x1a: {  	s3 =	sadd.s32 $0x14280, s4;
	[dreg:$0x11] =	wrdreg s2  }
0x1b: {  	s6 =	sadd.s32 $0x14300, s4;
	[dreg:$0x12] =	wrdreg s3  }
0x1c: {  	s7 =	sadd.s32 $0x14380, s4;
	[dreg:$0x13] =	wrdreg s6  }
0x1d: {  	s8 =	sadd.s32 $0x2C00, s1;
	[dreg:$0x14] =	wrdreg s7  }
0x1e: {  	s10 =	sadd.s32 $0x400, s4;
	[dreg:$0x15] =	wrdreg s8  }
0x1f: {  	s11 =	sadd.s32 $0x800, s4;
	[dreg:$0x17] =	wrdreg s10  }
0x20: {  	s12 =	sadd.s32 $0xC00, s4;
	[dreg:$0x18] =	wrdreg s11  }
0x21: {  	s13 =	sadd.s32 $0x1000, s4;
	[dreg:$0x19] =	wrdreg s12  }
0x22: {  	s14 =	sadd.s32 $0x480, s4;
	[dreg:$0x1a] =	wrdreg s13  }
0x23: {  	s15 =	sadd.s32 $0x880, s4;
	[dreg:$0x1b] =	wrdreg s14  }
0x24: {  	s1 =	sadd.s32 $0xA00, s4;
	[dreg:$0x1c] =	wrdreg s15  }
0x25: {  	s5 =	sadd.s32 $0x680, s4;
	[smem:$0x7E5] =	sst s1  }
0x26: {  	s9 =	sadd.s32 $0x700, s4;
	[smem:$0x7E8] =	sst s5  }
0x27: {  	s16 =	sadd.s32 $0xC80, s4;
	[smem:$0x7EC] =	sst s9  }
0x28: {  	s17 =	sadd.s32 $0x1080, s4;
	[dreg:$0x1d] =	wrdreg s16  }
0x29: {  	s18 =	sadd.s32 $0x500, s4;
	[dreg:$0x1e] =	wrdreg s17  }
0x2a: {  	s19 =	sadd.s32 $0x900, s4;
	[dreg:$0x1f] =	wrdreg s18  }
0x2b: {  	s20 =	sadd.s32 $0xD00, s4;
	[smem:$0x7DD] =	sst s19  }
0x2c: {  	s21 =	sadd.s32 $0x1100, s4;
	[smem:$0x7DE] =	sst s20  }
0x2d: {  	s22 =	sadd.s32 $0x580, s4;
	[smem:$0x7DF] =	sst s21  }
0x2e: {  	s23 =	sadd.s32 $0x980, s4;
	[smem:$0x7E0] =	sst s22  }
0x2f: {  	s24 =	sadd.s32 $0xD80, s4;
	[smem:$0x7E1] =	sst s23  }
0x30: {  	s25 =	sadd.s32 $0x1180, s4;
	[smem:$0x7E2] =	sst s24  }
0x31: {  	s26 =	sadd.s32 $0x600, s4;
	[smem:$0x7E3] =	sst s25  }
0x32: {  	s2 =	sadd.s32 $0xE00, s4;
	[smem:$0x7E4] =	sst s26  }
0x33: {  	s3 =	sadd.s32 $0x1200, s4;
	[smem:$0x7E6] =	sst s2  }
0x34: {  	s6 =	sadd.s32 $0xA80, s4;
	[smem:$0x7E7] =	sst s3  }
0x35: {  	s7 =	sadd.s32 $0xE80, s4;
	[smem:$0x7E9] =	sst s6  }
0x36: {  	s8 =	sadd.s32 $0x1280, s4;
	[smem:$0x7EA] =	sst s7  }
0x37: {  	s10 =	sadd.s32 $0xB00, s4;
	[smem:$0x7EB] =	sst s8  }
0x38: {  	s11 =	sadd.s32 $0xF00, s4;
	[smem:$0x7ED] =	sst s10  }
0x39: {  	s12 =	sadd.s32 $0x1300, s4;
	[smem:$0x7EE] =	sst s11  }
0x3a: {  	s28 =	simm.s32 $0x1;
	s13 =	sadd.s32 $0x780, s4;
	[smem:$0x7EF] =	sst s12  }
0x3b: {  	s29 =	simm.s32 $0x4000;
	s14 =	sadd.s32 $0xB80, s4;
	[smem:$0x7F0] =	sst s13  }
0x3c: {  	s30 =	simm.s32 $0x0;
	s15 =	sadd.s32 $0xF80, s4;
	[smem:$0x7F1] =	sst s14  }
0x3d: {  	s5 =	sadd.s32 $0x14D00, s4;
	[smem:$0x7F2] =	sst s15;
	s16 =	sadd.s32 $0x1380, s4  }
0x3e: {  	s9 =	sadd.s32 $0x14D80, s4;
	s17 =	sadd.s32 $0x14400, s4;
	[smem:$0x7F3] =	sst s16  }
0x3f: {  	s18 =	sadd.s32 $0x14800, s4;
	s19 =	sadd.s32 $0x14C00, s4;
	[smem:$0x7F4] =	sst s17  }
0x40: {  	s20 =	sadd.s32 $0x15000, s4;
	s21 =	sadd.s32 $0x14480, s4;
	[smem:$0x7F5] =	sst s18  }
0x41: {  	s22 =	sadd.s32 $0x14880, s4;
	s23 =	sadd.s32 $0x14C80, s4;
	[smem:$0x7F6] =	sst s19  }
0x42: {  	s24 =	sadd.s32 $0x15080, s4;
	s25 =	sadd.s32 $0x14500, s4;
	[smem:$0x7F7] =	sst s20  }
0x43: {  	s26 =	sadd.s32 $0x14900, s4;
	s6 =	sadd.s32 $0x15100, s4;
	[smem:$0x7F8] =	sst s21  }
0x44: {  	s7 =	sadd.s32 $0x14580, s4;
	s8 =	sadd.s32 $0x14980, s4;
	[smem:$0x7F9] =	sst s22  }
0x45: {  	s10 =	sadd.s32 $0x15180, s4;
	s11 =	sadd.s32 $0x14600, s4;
	[smem:$0x7FA] =	sst s23  }
0x46: {  	s12 =	sadd.s32 $0x14A00, s4;
	s13 =	sadd.s32 $0x14E00, s4;
	[smem:$0x7FB] =	sst s24  }
0x47: {  	s14 =	sadd.s32 $0x15200, s4;
	s15 =	sadd.s32 $0x14680, s4;
	[smem:$0x7FC] =	sst s25  }
0x48: {  	[smem:$0x7FD] =	sst s26;
	s16 =	sadd.s32 $0x14A80, s4;
	s17 =	sadd.s32 $0x14E80, s4  }
0x49: {  	s18 =	sadd.s32 $0x15280, s4;
	s19 =	sadd.s32 $0x14700, s4;
	s20 =	sadd.s32 $0x14B00, s4  }
0x4a: {  	s21 =	sadd.s32 $0x14F00, s4;
	s22 =	sadd.s32 $0x15300, s4;
	s23 =	sadd.s32 $0x14780, s4  }
0x4b: {  	v0 =	vimm.f32 $0.0e+00;
	v1 =	vimm.f32 $1.000000000e+00;
	s24 =	sadd.s32 $0x14B80, s4;
	s25 =	sadd.s32 $0x14F80, s4;
	s26 =	sadd.s32 $0x15380, s4  }
.LBB2_1:
0x4c: {  	s0 =	rddreg [dreg:$0x4]  }
0x4d: {  	[tilespmem:s31], [sflag:$0x1] =	stream.linear.gather [hbm4b:s0+s31], $0x3E80, $0x38;
	[tilespmem:$0xBA80] =	vst v63  }
0x4e: {  	_ =	swait.ge [sflag:s28], $0x3E80  }
0x4f: {  	[sflag:s28] =	ssyncset.done $0x0  }
0x50: {  	s0 =	simm.s32 $0x0;
	[sflag:s28] =	ssyncadd.s32 $0xFFFFC180  }
.LBB2_2:
0x51: {  	p0 =	sne.s32 s0, $0x9FC0  }
.Ltmp0:
0x52: {  	_ = 	snop;
	(pc) =	sbr.rel @p0 .LBB2_2-.Ltmp0, $3  }
0x53: {  	_ =	sdelay $0x1  }
0x54: {  	s1 =	sshra.s32 s0, $0x2  }
0x55: {  	s0 =	sadd.s32 $0x40, s0;
	[tilespmem:s1+$0x4000] =	vst v0  }
0x56: {  	s0 =	simm.s32 $0x0  }
.LBB2_4:
0x57: {  	s1 =	sshra.s32 s0, $0x2  }
0x58: {  	v2 =	vld [tilespmem:s1+$0x0];
	_ =	sdelay $0x7  }
0x59: {  	[tilespmem:v2+s29+$0x0] =	vst.idx.add.f32.msk $0xffff, v1  }
0x5a: {  	v2 =	vld [tilespmem:s1+$0x10];
	_ =	sdelay $0x7  }
0x5b: {  	[tilespmem:v2+s29+$0x0] =	vst.idx.add.f32.msk $0xffff, v1  }
0x5c: {  	v2 =	vld [tilespmem:s1+$0x20];
	_ =	sdelay $0x7  }
0x5d: {  	[tilespmem:v2+s29+$0x0] =	vst.idx.add.f32.msk $0xffff, v1  }
0x5e: {  	v2 =	vld [tilespmem:s1+$0x30];
	_ =	sdelay $0x7  }
0x5f: {  	[tilespmem:v2+s29+$0x0] =	vst.idx.add.f32.msk $0xffff, v1  }
0x60: {  	v2 =	vld [tilespmem:s1+$0x40];
	_ =	sdelay $0x2  }
0x61: {  	p0 =	sne.s32 s0, $0xF800  }
.Ltmp1:
0x62: {  	_ = 	snop;
	(pc) =	sbr.rel @p0 .LBB2_4-.Ltmp1, $2  }
0x63: {  	_ =	sdelay $0x2  }
0x64: {  	s0 =	sadd.s32 $0x200, s0;
	[tilespmem:v2+s29+$0x0] =	vst.idx.add.f32.msk $0xffff, v1  }
0x65: {  	s0 =	rddreg [dreg:$0x5];
	s1 =	simm.s32 $0x80;
	s2 =	simm.s32 $0x400  }
0x66: {  	[spmem:s0] =	stream.strided.scatter [tilespmem:s29], [sflag:$0x1], $0x2800, s2, s1, $0x38;
	[tilespmem:$0xBA80] =	vst v63  }
0x67: {  	_ =	swait.ge [sflag:s28], $0x2800  }
0x68: {  	[sflag:s28] =	ssyncset.done $0x0  }
0x69: {  	[sflag:s28] =	ssyncadd.s32 $0xFFFFD800  }
0x6a: {  	s1 =	simm.s32 $0x6800;
	[bflag:$0x0] =	sbarrier.arrive $0xFFFF  }
0x6b: {  	[tilespmem:s1], [sflag:$0x1] =	stream.linear.gather [spmem:s4], $0x80, $0x38;
	[tilespmem:$0xBA80] =	vst v63  }
0x6c: {  	s3 =	simm.s32 $0x6C00;
	s2 =	rddreg [dreg:$0x17]  }
0x6d: {  	[tilespmem:s3], [sflag:$0x1] =	stream.linear.gather [spmem:s2], $0x80, $0x38;
	[tilespmem:$0xBA80] =	vst v63  }
0x6e: {  	s2 =	rddreg [dreg:$0x18];
	s3 =	simm.s32 $0x7000  }
0x6f: {  	[tilespmem:s3], [sflag:$0x1] =	stream.linear.gather [spmem:s2], $0x80, $0x38;
	[tilespmem:$0xBA80] =	vst v63  }
0x70: {  	s2 =	rddreg [dreg:$0x19];
	s3 =	simm.s32 $0x7400  }
0x71: {  	[tilespmem:s3], [sflag:$0x1] =	stream.linear.gather [spmem:s2], $0x80, $0x38;
	[tilespmem:$0xBA80] =	vst v63  }
0x72: {  	s2 =	rddreg [dreg:$0x1a];
	s3 =	simm.s32 $0x7800  }
0x73: {  	[tilespmem:s3], [sflag:$0x1] =	stream.linear.gather [spmem:s2], $0x80, $0x38;
	[tilespmem:$0xBA80] =	vst v63  }
0x74: {  	_ =	swait.ge [sflag:s28], $0x280  }
0x75: {  	[sflag:s28] =	ssyncset.done $0x0  }
0x76: {  	s3 =	simm.s32 $0x6880;
	s2 =	rddreg [dreg:$0x6];
	[sflag:s28] =	ssyncadd.s32 $0xFFFFFD80  }
0x77: {  	[tilespmem:s3], [sflag:$0x1] =	stream.linear.gather [spmem:s2], $0x80, $0x38;
	[tilespmem:$0xBA80] =	vst v63  }
0x78: {  	s2 =	rddreg [dreg:$0x1b];
	s3 =	simm.s32 $0x6C80  }
0x79: {  	[tilespmem:s3], [sflag:$0x1] =	stream.linear.gather [spmem:s2], $0x80, $0x38;
	[tilespmem:$0xBA80] =	vst v63  }
0x7a: {  	s2 =	rddreg [dreg:$0x1c];
	s3 =	simm.s32 $0x7080  }
0x7b: {  	[tilespmem:s3], [sflag:$0x1] =	stream.linear.gather [spmem:s2], $0x80, $0x38;
	[tilespmem:$0xBA80] =	vst v63  }
0x7c: {  	s2 =	rddreg [dreg:$0x1d];
	s3 =	simm.s32 $0x7480  }
0x7d: {  	[tilespmem:s3], [sflag:$0x1] =	stream.linear.gather [spmem:s2], $0x80, $0x38;
	[tilespmem:$0xBA80] =	vst v63  }
0x7e: {  	s2 =	rddreg [dreg:$0x1e];
	s3 =	simm.s32 $0x7880  }
0x7f: {  	[tilespmem:s3], [sflag:$0x1] =	stream.linear.gather [spmem:s2], $0x80, $0x38;
	[tilespmem:$0xBA80] =	vst v63  }
0x80: {  	_ =	swait.ge [sflag:s28], $0x280  }
0x81: {  	[sflag:s28] =	ssyncset.done $0x0  }
0x82: {  	s3 =	simm.s32 $0x6900;
	s2 =	rddreg [dreg:$0x7];
	[sflag:s28] =	ssyncadd.s32 $0xFFFFFD80  }
0x83: {  	[tilespmem:s3], [sflag:$0x1] =	stream.linear.gather [spmem:s2], $0x80, $0x38;
	[tilespmem:$0xBA80] =	vst v63  }
0x84: {  	s2 =	rddreg [dreg:$0x1f];
	s3 =	simm.s32 $0x6D00  }
0x85: {  	[tilespmem:s3], [sflag:$0x1] =	stream.linear.gather [spmem:s2], $0x80, $0x38;
	[tilespmem:$0xBA80] =	vst v63  }
0x86: {  	s2 =	sld [smem:$0x7DD];
	_ =	sdelay $0x1  }
0x87: {  	s3 =	simm.s32 $0x7100  }
0x88: {  	[tilespmem:s3], [sflag:$0x1] =	stream.linear.gather [spmem:s2], $0x80, $0x38;
	[tilespmem:$0xBA80] =	vst v63  }
0x89: {  	s2 =	sld [smem:$0x7DE];
	_ =	sdelay $0x1  }
0x8a: {  	s3 =	simm.s32 $0x7500  }
0x8b: {  	[tilespmem:s3], [sflag:$0x1] =	stream.linear.gather [spmem:s2], $0x80, $0x38;
	[tilespmem:$0xBA80] =	vst v63  }
0x8c: {  	s2 =	sld [smem:$0x7DF];
	_ =	sdelay $0x1  }
0x8d: {  	s3 =	simm.s32 $0x7900  }
0x8e: {  	[tilespmem:s3], [sflag:$0x1] =	stream.linear.gather [spmem:s2], $0x80, $0x38;
	[tilespmem:$0xBA80] =	vst v63  }
0x8f: {  	_ =	swait.ge [sflag:s28], $0x280  }
0x90: {  	[sflag:s28] =	ssyncset.done $0x0  }
0x91: {  	s3 =	simm.s32 $0x6980;
	s2 =	rddreg [dreg:$0x8];
	[sflag:s28] =	ssyncadd.s32 $0xFFFFFD80  }
0x92: {  	[tilespmem:s3], [sflag:$0x1] =	stream.linear.gather [spmem:s2], $0x80, $0x38;
	[tilespmem:$0xBA80] =	vst v63  }
0x93: {  	s2 =	sld [smem:$0x7E0];
	_ =	sdelay $0x1  }
0x94: {  	s3 =	simm.s32 $0x6D80  }
0x95: {  	[tilespmem:s3], [sflag:$0x1] =	stream.linear.gather [spmem:s2], $0x80, $0x38;
	[tilespmem:$0xBA80] =	vst v63  }
0x96: {  	s2 =	sld [smem:$0x7E1];
	_ =	sdelay $0x1  }
0x97: {  	s3 =	simm.s32 $0x7180  }
0x98: {  	[tilespmem:s3], [sflag:$0x1] =	stream.linear.gather [spmem:s2], $0x80, $0x38;
	[tilespmem:$0xBA80] =	vst v63  }
0x99: {  	s2 =	sld [smem:$0x7E2];
	_ =	sdelay $0x1  }
0x9a: {  	s3 =	simm.s32 $0x7580  }
0x9b: {  	[tilespmem:s3], [sflag:$0x1] =	stream.linear.gather [spmem:s2], $0x80, $0x38;
	[tilespmem:$0xBA80] =	vst v63  }
0x9c: {  	s2 =	sld [smem:$0x7E3];
	_ =	sdelay $0x1  }
0x9d: {  	s3 =	simm.s32 $0x7980  }
0x9e: {  	[tilespmem:s3], [sflag:$0x1] =	stream.linear.gather [spmem:s2], $0x80, $0x38;
	[tilespmem:$0xBA80] =	vst v63  }
0x9f: {  	_ =	swait.ge [sflag:s28], $0x280  }
0xa0: {  	[sflag:s28] =	ssyncset.done $0x0  }
0xa1: {  	s3 =	simm.s32 $0x6A00;
	s2 =	rddreg [dreg:$0x9];
	[sflag:s28] =	ssyncadd.s32 $0xFFFFFD80  }
0xa2: {  	[tilespmem:s3], [sflag:$0x1] =	stream.linear.gather [spmem:s2], $0x80, $0x38;
	[tilespmem:$0xBA80] =	vst v63  }
0xa3: {  	s2 =	sld [smem:$0x7E4];
	_ =	sdelay $0x1  }
0xa4: {  	s3 =	simm.s32 $0x6E00  }
0xa5: {  	[tilespmem:s3], [sflag:$0x1] =	stream.linear.gather [spmem:s2], $0x80, $0x38;
	[tilespmem:$0xBA80] =	vst v63  }
0xa6: {  	s2 =	sld [smem:$0x7E5];
	_ =	sdelay $0x1  }
0xa7: {  	s3 =	simm.s32 $0x7200  }
0xa8: {  	[tilespmem:s3], [sflag:$0x1] =	stream.linear.gather [spmem:s2], $0x80, $0x38;
	[tilespmem:$0xBA80] =	vst v63  }
0xa9: {  	s2 =	sld [smem:$0x7E6];
	_ =	sdelay $0x1  }
0xaa: {  	s3 =	simm.s32 $0x7600  }
0xab: {  	[tilespmem:s3], [sflag:$0x1] =	stream.linear.gather [spmem:s2], $0x80, $0x38;
	[tilespmem:$0xBA80] =	vst v63  }
0xac: {  	s2 =	sld [smem:$0x7E7];
	_ =	sdelay $0x1  }
0xad: {  	s3 =	simm.s32 $0x7A00  }
0xae: {  	[tilespmem:s3], [sflag:$0x1] =	stream.linear.gather [spmem:s2], $0x80, $0x38;
	[tilespmem:$0xBA80] =	vst v63  }
0xaf: {  	_ =	swait.ge [sflag:s28], $0x280  }
0xb0: {  	[sflag:s28] =	ssyncset.done $0x0  }
0xb1: {  	s3 =	simm.s32 $0x6A80;
	s2 =	rddreg [dreg:$0xa];
	[sflag:s28] =	ssyncadd.s32 $0xFFFFFD80  }
0xb2: {  	[tilespmem:s3], [sflag:$0x1] =	stream.linear.gather [spmem:s2], $0x80, $0x38;
	[tilespmem:$0xBA80] =	vst v63  }
0xb3: {  	s2 =	sld [smem:$0x7E8];
	_ =	sdelay $0x1  }
0xb4: {  	s3 =	simm.s32 $0x6E80  }
0xb5: {  	[tilespmem:s3], [sflag:$0x1] =	stream.linear.gather [spmem:s2], $0x80, $0x38;
	[tilespmem:$0xBA80] =	vst v63  }
0xb6: {  	s2 =	sld [smem:$0x7E9];
	_ =	sdelay $0x1  }
0xb7: {  	s3 =	simm.s32 $0x7280  }
0xb8: {  	[tilespmem:s3], [sflag:$0x1] =	stream.linear.gather [spmem:s2], $0x80, $0x38;
	[tilespmem:$0xBA80] =	vst v63  }
0xb9: {  	s2 =	sld [smem:$0x7EA];
	_ =	sdelay $0x1  }
0xba: {  	s3 =	simm.s32 $0x7680  }
0xbb: {  	[tilespmem:s3], [sflag:$0x1] =	stream.linear.gather [spmem:s2], $0x80, $0x38;
	[tilespmem:$0xBA80] =	vst v63  }
0xbc: {  	s2 =	sld [smem:$0x7EB];
	_ =	sdelay $0x1  }
0xbd: {  	s3 =	simm.s32 $0x7A80  }
0xbe: {  	[tilespmem:s3], [sflag:$0x1] =	stream.linear.gather [spmem:s2], $0x80, $0x38;
	[tilespmem:$0xBA80] =	vst v63  }
0xbf: {  	_ =	swait.ge [sflag:s28], $0x280  }
0xc0: {  	[sflag:s28] =	ssyncset.done $0x0  }
0xc1: {  	s3 =	simm.s32 $0x6B00;
	s2 =	rddreg [dreg:$0xb];
	[sflag:s28] =	ssyncadd.s32 $0xFFFFFD80  }
0xc2: {  	[tilespmem:s3], [sflag:$0x1] =	stream.linear.gather [spmem:s2], $0x80, $0x38;
	[tilespmem:$0xBA80] =	vst v63  }
0xc3: {  	s2 =	sld [smem:$0x7EC];
	_ =	sdelay $0x1  }
0xc4: {  	s3 =	simm.s32 $0x6F00  }
0xc5: {  	[tilespmem:s3], [sflag:$0x1] =	stream.linear.gather [spmem:s2], $0x80, $0x38;
	[tilespmem:$0xBA80] =	vst v63  }
0xc6: {  	s2 =	sld [smem:$0x7ED];
	_ =	sdelay $0x1  }
0xc7: {  	s3 =	simm.s32 $0x7300  }
0xc8: {  	[tilespmem:s3], [sflag:$0x1] =	stream.linear.gather [spmem:s2], $0x80, $0x38;
	[tilespmem:$0xBA80] =	vst v63  }
0xc9: {  	s2 =	sld [smem:$0x7EE];
	_ =	sdelay $0x1  }
0xca: {  	s3 =	simm.s32 $0x7700  }
0xcb: {  	[tilespmem:s3], [sflag:$0x1] =	stream.linear.gather [spmem:s2], $0x80, $0x38;
	[tilespmem:$0xBA80] =	vst v63  }
0xcc: {  	s2 =	sld [smem:$0x7EF];
	_ =	sdelay $0x1  }
0xcd: {  	s3 =	simm.s32 $0x7B00  }
0xce: {  	[tilespmem:s3], [sflag:$0x1] =	stream.linear.gather [spmem:s2], $0x80, $0x38;
	[tilespmem:$0xBA80] =	vst v63  }
0xcf: {  	_ =	swait.ge [sflag:s28], $0x280  }
0xd0: {  	[sflag:s28] =	ssyncset.done $0x0  }
0xd1: {  	s3 =	simm.s32 $0x6B80;
	s2 =	rddreg [dreg:$0xc];
	[sflag:s28] =	ssyncadd.s32 $0xFFFFFD80  }
0xd2: {  	[tilespmem:s3], [sflag:$0x1] =	stream.linear.gather [spmem:s2], $0x80, $0x38;
	[tilespmem:$0xBA80] =	vst v63  }
0xd3: {  	s2 =	sld [smem:$0x7F0];
	_ =	sdelay $0x1  }
0xd4: {  	s3 =	simm.s32 $0x6F80  }
0xd5: {  	[tilespmem:s3], [sflag:$0x1] =	stream.linear.gather [spmem:s2], $0x80, $0x38;
	[tilespmem:$0xBA80] =	vst v63  }
0xd6: {  	s2 =	sld [smem:$0x7F1];
	_ =	sdelay $0x1  }
0xd7: {  	s3 =	simm.s32 $0x7380  }
0xd8: {  	[tilespmem:s3], [sflag:$0x1] =	stream.linear.gather [spmem:s2], $0x80, $0x38;
	[tilespmem:$0xBA80] =	vst v63  }
0xd9: {  	s2 =	sld [smem:$0x7F2];
	_ =	sdelay $0x1  }
0xda: {  	s3 =	simm.s32 $0x7780  }
0xdb: {  	[tilespmem:s3], [sflag:$0x1] =	stream.linear.gather [spmem:s2], $0x80, $0x38;
	[tilespmem:$0xBA80] =	vst v63  }
0xdc: {  	s2 =	sld [smem:$0x7F3];
	_ =	sdelay $0x1  }
0xdd: {  	s3 =	simm.s32 $0x7B80  }
0xde: {  	[tilespmem:s3], [sflag:$0x1] =	stream.linear.gather [spmem:s2], $0x80, $0x38;
	[tilespmem:$0xBA80] =	vst v63  }
0xdf: {  	_ =	swait.ge [sflag:s28], $0x280  }
0xe0: {  	[sflag:s28] =	ssyncset.done $0x0  }
0xe1: {  	s3 =	simm.s32 $0x7C00;
	s2 =	rddreg [dreg:$0xd];
	[sflag:s28] =	ssyncadd.s32 $0xFFFFFD80  }
0xe2: {  	[tilespmem:s3], [sflag:$0x1] =	stream.linear.gather [spmem:s2], $0x80, $0x38;
	[tilespmem:$0xBA80] =	vst v63  }
0xe3: {  	s2 =	sld [smem:$0x7F4];
	_ =	sdelay $0x1  }
0xe4: {  	s3 =	simm.s32 $0x8000  }
0xe5: {  	[tilespmem:s3], [sflag:$0x1] =	stream.linear.gather [spmem:s2], $0x80, $0x38;
	[tilespmem:$0xBA80] =	vst v63  }
0xe6: {  	s2 =	sld [smem:$0x7F5];
	_ =	sdelay $0x1  }
0xe7: {  	s3 =	simm.s32 $0x8400  }
0xe8: {  	[tilespmem:s3], [sflag:$0x1] =	stream.linear.gather [spmem:s2], $0x80, $0x38;
	[tilespmem:$0xBA80] =	vst v63  }
0xe9: {  	s2 =	sld [smem:$0x7F6];
	_ =	sdelay $0x1  }
0xea: {  	s3 =	simm.s32 $0x8800  }
0xeb: {  	[tilespmem:s3], [sflag:$0x1] =	stream.linear.gather [spmem:s2], $0x80, $0x38;
	[tilespmem:$0xBA80] =	vst v63  }
0xec: {  	s2 =	sld [smem:$0x7F7];
	_ =	sdelay $0x1  }
0xed: {  	s3 =	simm.s32 $0x8C00  }
0xee: {  	[tilespmem:s3], [sflag:$0x1] =	stream.linear.gather [spmem:s2], $0x80, $0x38;
	[tilespmem:$0xBA80] =	vst v63  }
0xef: {  	_ =	swait.ge [sflag:s28], $0x280  }
0xf0: {  	[sflag:s28] =	ssyncset.done $0x0  }
0xf1: {  	s3 =	simm.s32 $0x7C80;
	s2 =	rddreg [dreg:$0xe];
	[sflag:s28] =	ssyncadd.s32 $0xFFFFFD80  }
0xf2: {  	[tilespmem:s3], [sflag:$0x1] =	stream.linear.gather [spmem:s2], $0x80, $0x38;
	[tilespmem:$0xBA80] =	vst v63  }
0xf3: {  	s2 =	sld [smem:$0x7F8];
	_ =	sdelay $0x1  }
0xf4: {  	s3 =	simm.s32 $0x8080  }
0xf5: {  	[tilespmem:s3], [sflag:$0x1] =	stream.linear.gather [spmem:s2], $0x80, $0x38;
	[tilespmem:$0xBA80] =	vst v63  }
0xf6: {  	s2 =	sld [smem:$0x7F9];
	_ =	sdelay $0x1  }
0xf7: {  	s3 =	simm.s32 $0x8480  }
0xf8: {  	[tilespmem:s3], [sflag:$0x1] =	stream.linear.gather [spmem:s2], $0x80, $0x38;
	[tilespmem:$0xBA80] =	vst v63  }
0xf9: {  	s2 =	sld [smem:$0x7FA];
	_ =	sdelay $0x1  }
0xfa: {  	s3 =	simm.s32 $0x8880  }
0xfb: {  	[tilespmem:s3], [sflag:$0x1] =	stream.linear.gather [spmem:s2], $0x80, $0x38;
	[tilespmem:$0xBA80] =	vst v63  }
0xfc: {  	s2 =	sld [smem:$0x7FB];
	_ =	sdelay $0x1  }
0xfd: {  	s3 =	simm.s32 $0x8C80  }
0xfe: {  	[tilespmem:s3], [sflag:$0x1] =	stream.linear.gather [spmem:s2], $0x80, $0x38;
	[tilespmem:$0xBA80] =	vst v63  }
0xff: {  	_ =	swait.ge [sflag:s28], $0x280  }
0x100: {  	[sflag:s28] =	ssyncset.done $0x0  }
0x101: {  	s3 =	simm.s32 $0x7D00;
	s2 =	rddreg [dreg:$0xf];
	[sflag:s28] =	ssyncadd.s32 $0xFFFFFD80  }
0x102: {  	[tilespmem:s3], [sflag:$0x1] =	stream.linear.gather [spmem:s2], $0x80, $0x38;
	[tilespmem:$0xBA80] =	vst v63  }
0x103: {  	s2 =	sld [smem:$0x7FC];
	_ =	sdelay $0x1  }
0x104: {  	s1 =	sld [smem:$0x7FD];
	s3 =	simm.s32 $0x8100  }
0x105: {  	[tilespmem:s3], [sflag:$0x1] =	stream.linear.gather [spmem:s2], $0x80, $0x38;
	[tilespmem:$0xBA80] =	vst v63  }
0x106: {  	s2 =	simm.s32 $0x8500  }
0x107: {  	[tilespmem:s2], [sflag:$0x1] =	stream.linear.gather [spmem:s1], $0x80, $0x38;
	[tilespmem:$0xBA80] =	vst v63  }
0x108: {  	s3 =	simm.s32 $0x8900  }
0x109: {  	[tilespmem:s3], [sflag:$0x1] =	stream.linear.gather [spmem:s5], $0x80, $0x38;
	[tilespmem:$0xBA80] =	vst v63  }
0x10a: {  	s1 =	simm.s32 $0x8D00  }
0x10b: {  	[tilespmem:s1], [sflag:$0x1] =	stream.linear.gather [spmem:s6], $0x80, $0x38;
	[tilespmem:$0xBA80] =	vst v63  }
0x10c: {  	_ =	swait.ge [sflag:s28], $0x280  }
0x10d: {  	[sflag:s28] =	ssyncset.done $0x0  }
0x10e: {  	s3 =	simm.s32 $0x7D80;
	s2 =	rddreg [dreg:$0x10];
	[sflag:s28] =	ssyncadd.s32 $0xFFFFFD80  }
0x10f: {  	[tilespmem:s3], [sflag:$0x1] =	stream.linear.gather [spmem:s2], $0x80, $0x38;
	[tilespmem:$0xBA80] =	vst v63  }
0x110: {  	s1 =	simm.s32 $0x8180  }
0x111: {  	[tilespmem:s1], [sflag:$0x1] =	stream.linear.gather [spmem:s7], $0x80, $0x38;
	[tilespmem:$0xBA80] =	vst v63  }
0x112: {  	s2 =	simm.s32 $0x8580  }
0x113: {  	[tilespmem:s2], [sflag:$0x1] =	stream.linear.gather [spmem:s8], $0x80, $0x38;
	[tilespmem:$0xBA80] =	vst v63  }
0x114: {  	s3 =	simm.s32 $0x8980  }
0x115: {  	[tilespmem:s3], [sflag:$0x1] =	stream.linear.gather [spmem:s9], $0x80, $0x38;
	[tilespmem:$0xBA80] =	vst v63  }
0x116: {  	s1 =	simm.s32 $0x8D80  }
0x117: {  	[tilespmem:s1], [sflag:$0x1] =	stream.linear.gather [spmem:s10], $0x80, $0x38;
	[tilespmem:$0xBA80] =	vst v63  }
0x118: {  	_ =	swait.ge [sflag:s28], $0x280  }
0x119: {  	[sflag:s28] =	ssyncset.done $0x0  }
0x11a: {  	s3 =	simm.s32 $0x7E00;
	s2 =	rddreg [dreg:$0x11];
	[sflag:s28] =	ssyncadd.s32 $0xFFFFFD80  }
0x11b: {  	[tilespmem:s3], [sflag:$0x1] =	stream.linear.gather [spmem:s2], $0x80, $0x38;
	[tilespmem:$0xBA80] =	vst v63  }
0x11c: {  	s1 =	simm.s32 $0x8200  }
0x11d: {  	[tilespmem:s1], [sflag:$0x1] =	stream.linear.gather [spmem:s11], $0x80, $0x38;
	[tilespmem:$0xBA80] =	vst v63  }
0x11e: {  	s2 =	simm.s32 $0x8600  }
0x11f: {  	[tilespmem:s2], [sflag:$0x1] =	stream.linear.gather [spmem:s12], $0x80, $0x38;
	[tilespmem:$0xBA80] =	vst v63  }
0x120: {  	s3 =	simm.s32 $0x8A00  }
0x121: {  	[tilespmem:s3], [sflag:$0x1] =	stream.linear.gather [spmem:s13], $0x80, $0x38;
	[tilespmem:$0xBA80] =	vst v63  }
0x122: {  	s1 =	simm.s32 $0x8E00  }
0x123: {  	[tilespmem:s1], [sflag:$0x1] =	stream.linear.gather [spmem:s14], $0x80, $0x38;
	[tilespmem:$0xBA80] =	vst v63  }
0x124: {  	_ =	swait.ge [sflag:s28], $0x280  }
0x125: {  	[sflag:s28] =	ssyncset.done $0x0  }
0x126: {  	s3 =	simm.s32 $0x7E80;
	s2 =	rddreg [dreg:$0x12];
	[sflag:s28] =	ssyncadd.s32 $0xFFFFFD80  }
0x127: {  	[tilespmem:s3], [sflag:$0x1] =	stream.linear.gather [spmem:s2], $0x80, $0x38;
	[tilespmem:$0xBA80] =	vst v63  }
0x128: {  	s1 =	simm.s32 $0x8280  }
0x129: {  	[tilespmem:s1], [sflag:$0x1] =	stream.linear.gather [spmem:s15], $0x80, $0x38;
	[tilespmem:$0xBA80] =	vst v63  }
0x12a: {  	s2 =	simm.s32 $0x8680  }
0x12b: {  	[tilespmem:s2], [sflag:$0x1] =	stream.linear.gather [spmem:s16], $0x80, $0x38;
	[tilespmem:$0xBA80] =	vst v63  }
0x12c: {  	s3 =	simm.s32 $0x8A80  }
0x12d: {  	[tilespmem:s3], [sflag:$0x1] =	stream.linear.gather [spmem:s17], $0x80, $0x38;
	[tilespmem:$0xBA80] =	vst v63  }
0x12e: {  	s1 =	simm.s32 $0x8E80  }
0x12f: {  	[tilespmem:s1], [sflag:$0x1] =	stream.linear.gather [spmem:s18], $0x80, $0x38;
	[tilespmem:$0xBA80] =	vst v63  }
0x130: {  	_ =	swait.ge [sflag:s28], $0x280  }
0x131: {  	[sflag:s28] =	ssyncset.done $0x0  }
0x132: {  	s3 =	simm.s32 $0x7F00;
	s2 =	rddreg [dreg:$0x13];
	[sflag:s28] =	ssyncadd.s32 $0xFFFFFD80  }
0x133: {  	[tilespmem:s3], [sflag:$0x1] =	stream.linear.gather [spmem:s2], $0x80, $0x38;
	[tilespmem:$0xBA80] =	vst v63  }
0x134: {  	s1 =	simm.s32 $0x8300  }
0x135: {  	[tilespmem:s1], [sflag:$0x1] =	stream.linear.gather [spmem:s19], $0x80, $0x38;
	[tilespmem:$0xBA80] =	vst v63  }
0x136: {  	s2 =	simm.s32 $0x8700  }
0x137: {  	[tilespmem:s2], [sflag:$0x1] =	stream.linear.gather [spmem:s20], $0x80, $0x38;
	[tilespmem:$0xBA80] =	vst v63  }
0x138: {  	s3 =	simm.s32 $0x8B00  }
0x139: {  	[tilespmem:s3], [sflag:$0x1] =	stream.linear.gather [spmem:s21], $0x80, $0x38;
	[tilespmem:$0xBA80] =	vst v63  }
0x13a: {  	s1 =	simm.s32 $0x8F00  }
0x13b: {  	[tilespmem:s1], [sflag:$0x1] =	stream.linear.gather [spmem:s22], $0x80, $0x38;
	[tilespmem:$0xBA80] =	vst v63  }
0x13c: {  	_ =	swait.ge [sflag:s28], $0x280  }
0x13d: {  	[sflag:s28] =	ssyncset.done $0x0  }
0x13e: {  	s3 =	simm.s32 $0x7F80;
	s2 =	rddreg [dreg:$0x14];
	[sflag:s28] =	ssyncadd.s32 $0xFFFFFD80  }
0x13f: {  	[tilespmem:s3], [sflag:$0x1] =	stream.linear.gather [spmem:s2], $0x80, $0x38;
	[tilespmem:$0xBA80] =	vst v63  }
0x140: {  	s1 =	simm.s32 $0x8380  }
0x141: {  	[tilespmem:s1], [sflag:$0x1] =	stream.linear.gather [spmem:s23], $0x80, $0x38;
	[tilespmem:$0xBA80] =	vst v63  }
0x142: {  	s2 =	simm.s32 $0x8780  }
0x143: {  	[tilespmem:s2], [sflag:$0x1] =	stream.linear.gather [spmem:s24], $0x80, $0x38;
	[tilespmem:$0xBA80] =	vst v63  }
0x144: {  	s3 =	simm.s32 $0x8B80  }
0x145: {  	[tilespmem:s3], [sflag:$0x1] =	stream.linear.gather [spmem:s25], $0x80, $0x38;
	[tilespmem:$0xBA80] =	vst v63  }
0x146: {  	s1 =	simm.s32 $0x8F80  }
0x147: {  	[tilespmem:s1], [sflag:$0x1] =	stream.linear.gather [spmem:s26], $0x80, $0x38;
	[tilespmem:$0xBA80] =	vst v63  }
0x148: {  	s2 =	simm.s32 $0x0;
	_ =	swait.ge [sflag:s28], $0x280  }
0x149: {  	s0 =	sand.u32 $0x1C00, s2;
	s3 =	sand.u32 $0x70, s2;
	[sflag:s28] =	ssyncset.done $0x0  }
0x14a: {  	s0 =	sor.u32 s3, s0;
	[sflag:s28] =	ssyncadd.s32 $0xFFFFFD80  }
0x14b: {  	v2 =	vld [tilespmem:s0+$0x6880]  }
0x14c: {  	v3 =	vld [tilespmem:s0+$0x6800];
	_ =	sdelay $0x1  }
0x14d: {  	v4 =	vld [tilespmem:s0+$0x6900];
	_ =	sdelay $0x1  }
0x14e: {  	v5 =	vld [tilespmem:s0+$0x6980]  }
0x14f: {  	v2 =	vadd.f32 v2, v3  }
0x150: {  	v3 =	vld [tilespmem:s0+$0x6A00]  }
0x151: {  	v2 =	vadd.f32 v4, v2  }
0x152: {  	v56 =	vld [tilespmem:s0+$0x6A80]  }
0x153: {  	v2 =	vadd.f32 v5, v2  }
0x154: {  	v57 =	vld [tilespmem:s0+$0x6B00]  }
0x155: {  	v2 =	vadd.f32 v3, v2  }
0x156: {  	v3 =	vld [tilespmem:s0+$0x6B80]  }
0x157: {  	v2 =	vadd.f32 v56, v2  }
0x158: {  	v58 =	vld [tilespmem:s0+$0x7C00]  }
0x159: {  	v2 =	vadd.f32 v57, v2  }
0x15a: {  	v59 =	vld [tilespmem:s0+$0x7C80]  }
0x15b: {  	v2 =	vadd.f32 v3, v2  }
0x15c: {  	v3 =	vld [tilespmem:s0+$0x7D00]  }
0x15d: {  	v2 =	vadd.f32 v58, v2  }
0x15e: {  	v60 =	vld [tilespmem:s0+$0x7D80]  }
0x15f: {  	v2 =	vadd.f32 v59, v2  }
0x160: {  	v61 =	vld [tilespmem:s0+$0x7E00]  }
0x161: {  	v2 =	vadd.f32 v3, v2  }
0x162: {  	v3 =	vld [tilespmem:s0+$0x7E80]  }
0x163: {  	v2 =	vadd.f32 v60, v2  }
0x164: {  	v62 =	vld [tilespmem:s0+$0x7F00]  }
0x165: {  	v2 =	vadd.f32 v61, v2  }
0x166: {  	v63 =	vld [tilespmem:s0+$0x7F80]  }
0x167: {  	v2 =	vadd.f32 v3, v2;
	_ =	sdelay $0x1  }
0x168: {  	v2 =	vadd.f32 v62, v2;
	_ =	sdelay $0x1  }
0x169: {  	s2 =	simm.s32 $0x10;
	s0 =	simm.s32 $0x80;
	v2 =	vadd.f32 v63, v2  }
0x16a: {  	s31 =	simm.s32 $0x9000;
	s1 =	sand.u32 $0x70, s2;
	s3 =	sand.u32 $0x1C00, s0  }
0x16b: {  	s2 =	simm.s32 $0x20;
	s1 =	sor.u32 s1, s3;
	[tilespmem:s31+$0x0] =	vst v2  }
.LBB2_6:
0x16c: {  	p0 =	sne.s32 s2, $0x270;
	v2 =	vld [tilespmem:s1+$0x6880]  }
0x16d: {  	v3 =	vld [tilespmem:s1+$0x6800];
	_ =	sdelay $0x1  }
0x16e: {  	v4 =	vld [tilespmem:s1+$0x6900];
	_ =	sdelay $0x1  }
0x16f: {  	v5 =	vld [tilespmem:s1+$0x6980]  }
0x170: {  	v2 =	vadd.f32 v2, v3  }
0x171: {  	v3 =	vld [tilespmem:s1+$0x6A00]  }
0x172: {  	v2 =	vadd.f32 v4, v2  }
0x173: {  	v4 =	vld [tilespmem:s1+$0x6A80]  }
0x174: {  	v2 =	vadd.f32 v5, v2  }
0x175: {  	v5 =	vld [tilespmem:s1+$0x6B00]  }
0x176: {  	v2 =	vadd.f32 v3, v2  }
0x177: {  	v3 =	vld [tilespmem:s1+$0x6B80]  }
0x178: {  	v2 =	vadd.f32 v4, v2  }
0x179: {  	v4 =	vld [tilespmem:s1+$0x7C00]  }
0x17a: {  	v2 =	vadd.f32 v5, v2  }
0x17b: {  	v5 =	vld [tilespmem:s1+$0x7C80]  }
0x17c: {  	v2 =	vadd.f32 v3, v2  }
0x17d: {  	v3 =	vld [tilespmem:s1+$0x7D00]  }
0x17e: {  	v2 =	vadd.f32 v4, v2  }
0x17f: {  	v4 =	vld [tilespmem:s1+$0x7D80]  }
0x180: {  	v2 =	vadd.f32 v5, v2  }
0x181: {  	v5 =	vld [tilespmem:s1+$0x7E00]  }
0x182: {  	v2 =	vadd.f32 v3, v2  }
0x183: {  	v3 =	vld [tilespmem:s1+$0x7E80]  }
0x184: {  	v2 =	vadd.f32 v4, v2  }
0x185: {  	v4 =	vld [tilespmem:s1+$0x7F00]  }
0x186: {  	v2 =	vadd.f32 v5, v2  }
0x187: {  	v5 =	vld [tilespmem:s1+$0x7F80]  }
0x188: {  	v2 =	vadd.f32 v3, v2;
	_ =	sdelay $0x1  }
.Ltmp2:
0x189: {  	v2 =	vadd.f32 v4, v2;
	(pc) =	sbr.rel @p0 .LBB2_6-.Ltmp2, $4  }
0x18a: {  	_ = 	snop  }
0x18b: {  	s0 =	sadd.s32 $0x80, s0;
	v2 =	vadd.f32 v5, v2  }
0x18c: {  	s31 =	sadd.s32 $0x10, s31;
	s3 =	sand.u32 $0x1C00, s0;
	s1 =	sand.u32 $0x70, s2  }
0x18d: {  	s2 =	sadd.s32 $0x10, s2;
	s1 =	sor.u32 s1, s3;
	[tilespmem:s31+$0x0] =	vst v2  }
0x18e: {  	v2 =	vld [tilespmem:s1+$0x6880]  }
0x18f: {  	v3 =	vld [tilespmem:s1+$0x6800];
	_ =	sdelay $0x1  }
0x190: {  	v4 =	vld [tilespmem:s1+$0x6900];
	_ =	sdelay $0x1  }
0x191: {  	v5 =	vld [tilespmem:s1+$0x6980]  }
0x192: {  	v2 =	vadd.f32 v2, v3  }
0x193: {  	v3 =	vld [tilespmem:s1+$0x6A00]  }
0x194: {  	v2 =	vadd.f32 v4, v2  }
0x195: {  	v56 =	vld [tilespmem:s1+$0x6A80]  }
0x196: {  	v2 =	vadd.f32 v5, v2  }
0x197: {  	v57 =	vld [tilespmem:s1+$0x6B00]  }
0x198: {  	v2 =	vadd.f32 v3, v2  }
0x199: {  	v3 =	vld [tilespmem:s1+$0x6B80]  }
0x19a: {  	v2 =	vadd.f32 v56, v2  }
0x19b: {  	v58 =	vld [tilespmem:s1+$0x7C00]  }
0x19c: {  	v2 =	vadd.f32 v57, v2  }
0x19d: {  	v59 =	vld [tilespmem:s1+$0x7C80]  }
0x19e: {  	v2 =	vadd.f32 v3, v2  }
0x19f: {  	v3 =	vld [tilespmem:s1+$0x7D00]  }
0x1a0: {  	v2 =	vadd.f32 v58, v2  }
0x1a1: {  	v60 =	vld [tilespmem:s1+$0x7D80]  }
0x1a2: {  	v2 =	vadd.f32 v59, v2  }
0x1a3: {  	v61 =	vld [tilespmem:s1+$0x7E00]  }
0x1a4: {  	v2 =	vadd.f32 v3, v2  }
0x1a5: {  	v3 =	vld [tilespmem:s1+$0x7E80]  }
0x1a6: {  	v2 =	vadd.f32 v60, v2  }
0x1a7: {  	v62 =	vld [tilespmem:s1+$0x7F00]  }
0x1a8: {  	v2 =	vadd.f32 v61, v2  }
0x1a9: {  	v63 =	vld [tilespmem:s1+$0x7F80]  }
0x1aa: {  	v2 =	vadd.f32 v3, v2;
	_ =	sdelay $0x1  }
0x1ab: {  	v2 =	vadd.f32 v62, v2;
	_ =	sdelay $0x1  }
0x1ac: {  	v2 =	vadd.f32 v63, v2  }
0x1ad: {  	s0 =	sadd.s32 $0x10, s31  }
0x1ae: {  	s31 =	simm.s32 $0x0;
	s2 =	simm.s32 $0x9000;
	s1 =	rddreg [dreg:$0x15];
	[tilespmem:s0+$0x0] =	vst v2  }
0x1af: {  	[hbm4b:s1+s31] =	stream.linear.scatter [tilespmem:s2], [sflag:$0x1], $0x280, $0x38;
	[tilespmem:$0xBA80] =	vst v63  }
0x1b0: {  	_ =	swait.ge [sflag:s28], $0x280  }
0x1b1: {  	s30 =	sadd.s32 $0x1, s30;
	s3 =	rddreg [dreg:$0x16]  }
0x1b2: {  	p0 =	sne.s32 s30, s3  }
.Ltmp3:
0x1b3: {  	_ = 	snop;
	(pc) =	sbr.rel @p0 .LBB2_1-.Ltmp3, $3  }
0x1b4: {  	_ =	sdelay $0x1  }
0x1b5: {  	[sflag:s28] =	ssyncset.done $0x0  }
0x1b6: {  	[sflag:s28] =	ssyncadd.s32 $0xFFFFFD80  }
0x1b7: {  	_ =	sfence.sel $0x180000  }
0x1b8: {  	[bflag:$0x0] =	sbarrier.arrive $0xFFFF  }
0x1b9: {  	_ =	strace $0x90000047  }
0x1ba: {  	s0 =	stileid.u32;
	[bflag:$0x2] =	sbarrier.arrive $0xFFFF  }
0x1bb: {  	p0 =	sne.s32 s0, $0x0;
	s0 =	rddreg [dreg:$0x3]  }
0x1bc: {  	s0 =	sadd.s32 @!p0 $0x100000, s0  }
0x1bd: {  	[sflag:s0] =	ssyncadd.tile.s32 @!p0 $0x1;
	_ =	shalt  }
.Lfunc_end2:
_tile_overlayer_lowered:
.L_overlay_start_2:
0x1be: {  	(tag) =	ssettag $0x2  }
0x1bf: {  	s0 =	rddreg [dreg:$0x0];
	s2 =	stileid.u32  }
0x1c0: {  	s1 =	rddreg [dreg:$0x1];
	p0 =	sne.s32 s2, $0x0  }
0x1c1: {  	s3 =	rddreg [dreg:$0x2];
	[bflag:$0x3] =	sbarrier.arrive $0xFFFF;
	s2 =	simm.s32 @!p0 $0x1C01  }
0x1c2: {  	[timem:s3], [sflag:s2] =	dma.local @!p0 [hbm:s0], s1  }
0x1c3: {  	s0 =	simm.s32 @!p0 $0x1  }
0x1c4: {  	_ =	swait.ge @!p0 [sflag:s0], s1  }
0x1c5: {  	s1 =	ssub.s32 @!p0 $0x0, s1;
	[sflag:s0] =	ssyncset.done @!p0 $0x0  }
0x1c6: {  	[sflag:s0] =	ssyncadd.s32 @!p0 s1  }
0x1c7: {  	[bflag:$0x3] =	sbarrier.arrive $0xFFFF  }
0x1c8: {  	_ =	shalt  }

// kernel: kernel.7.cloned.1.call-start
scs
__scs_entry_jumppad:
0x0: {  	(pc) =	sbr.rel $0x88, $3  }
0x1: {  	(tag) =	ssettag $0x0;
	lr =	simm.s32 $0x1  }
0x2: {  	[smem:$0x3F94] =	sst lr;
	_ =	strace $0xD0000000  }
0x3: {  	_ = 	snop  }
0x4: {  	_ = 	snop  }
0x5: {  	_ = 	snop  }
0x6: {  	_ = 	snop  }
0x7: {  	_ = 	snop  }
__scs_overlays_trampoline_lowered:
0x8: {  	[smem:$0x3FA3] =	sst s0  }
0x9: {  	[smem:$0x3FA4] =	sst s1  }
0xa: {  	[smem:$0x3FA5] =	sst s2  }
0xb: {  	[smem:$0x3FA6] =	sst s3  }
0xc: {  	[smem:$0x3FA7] =	sst s4  }
0xd: {  	[smem:$0x3FA8] =	sst s5  }
0xe: {  	[smem:$0x3FA9] =	sst s6  }
0xf: {  	[smem:$0x3FAA] =	sst s7  }
0x10: {  	[smem:$0x3FAB] =	sst s8  }
0x11: {  	[smem:$0x3FAC] =	sst s9;
	s0 =	simm.s32 @!p0 $0x0  }
0x12: {  	s1 =	sld [smem:$0x3F92];
	s0 =	simm.s32 @p0 $0x1  }
0x13: {  	[smem:$0x3FAD] =	sst s0;
	s0 =	simm.s32 @!p1 $0x0  }
0x14: {  	s2 =	sld [smem:$0x3F91];
	s0 =	simm.s32 @p1 $0x1  }
0x15: {  	[smem:$0x3FAE] =	sst s0;
	s0 =	simm.s32 @!p2 $0x0  }
0x16: {  	s3 =	sld [smem:$0x3FDB];
	s0 =	simm.s32 @p2 $0x1  }
0x17: {  	s4 =	simm.s32 $0x1BF5;
	[smem:$0x3FB0] =	sst s0  }
0x18: {  	s0 =	sld [smem:$0x3F93];
	_ =	swait.ge [sflag:s4], $0x0  }
0x19: {  	s7 =	sld [smem:$0x3F94]  }
0x1a: {  	s8 =	sadd.s32 $0xFFFFE003, lr  }
0x1b: {  	s9 =	sadd.s32 $0xFFFFFEF7, lr;
	s5 =	simm.s32 $0xFFFFFFFF;
	p2 =	slt.u32 s8, $0xFFFFF086  }
0x1c: {  	p1 =	slt.u32 s9, $0xF7A;
	s5 =	simm.s32 @!p2 $0x0  }
0x1d: {  	s5 =	simm.s32 @p1 $0x1;
	p0 =	seq.s32 s7, s2  }
0x1e: {  	s7 =	smul.u32 @!p0 $0xF7A, s2;
	p2 =	seq.s32 @!p0 s5, $0x0  }
0x1f: {  	s9 =	smul.u32 $0xF7A, s1;
	s8 =	simm.s32 @!p0 $0x1BF5;
	p2 =	por !p2, p0  }
0x20: {  	[sflag:s8] =	ssyncset.s32 @!p0 $0xFFFFF086;
	s6 =	sadd.s32 @!p0 s3, s7;
	s7 =	simm.s32 @!p0 $0x108  }
0x21: {  	s3 =	sadd.s32 s3, s9;
	s6 =	sadd.s32 @!p0 $0x88, s6;
	s7 =	simm.s32 @p2 $0x1082  }
0x22: {  	[simem:s7], [sflag:s8] =	dma.local @!p0 [hbm:s6], $0xF7A  }
0x23: {  	s9 =	sor.u32 $0xD0000000, s2;
	s6 =	simm.s32 $0x108;
	_ =	swait.ge @!p0 [sflag:s8], $0x0  }
0x24: {  	s3 =	sadd.s32 $0x88, s3;
	s6 =	simm.s32 @!p1 $0x1082;
	[sflag:s4] =	ssyncset.s32 $0xFFFFF086  }
0x25: {  	[simem:s6], [sflag:s4] =	dma.local [hbm:s3], $0xF7A  }
0x26: {  	[smem:$0x3F94] =	sst s1;
	(tag) =	ssettag s2;
	_ =	strace s9  }
0x27: {  	s1 =	sld [smem:$0x3FA4]  }
0x28: {  	s2 =	sld [smem:$0x3FA5]  }
0x29: {  	s4 =	sld [smem:$0x3FA7]  }
0x2a: {  	p0 =	seq.s32 s5, $0x0;
	s5 =	sld [smem:$0x3FA8]  }
0x2b: {  	s6 =	sld [smem:$0x3FA9]  }
0x2c: {  	s7 =	sld [smem:$0x3FAA]  }
0x2d: {  	s3 =	simm.s32 $0x108;
	s8 =	sld [smem:$0x3FAB]  }
0x2e: {  	s3 =	simm.s32 @!p0 $0x1082;
	s9 =	sld [smem:$0x3FAC]  }
0x2f: {  	lr =	sadd.s32 s0, s3;
	s0 =	sld [smem:$0x3FA3]  }
0x30: {  	s3 =	sld [smem:$0x3FA6]  }
0x31: {  	[smem:$0x3FAF] =	sst s10  }
0x32: {  	s10 =	sld [smem:$0x3FAD];
	_ =	sdelay $0x3  }
0x33: {  	p0 =	seq.s32 s10, $0x1;
	s10 =	sld [smem:$0x3FAF];
	_ =	sdelay $0x3  }
0x34: {  	[smem:$0x3FAF] =	sst s10  }
0x35: {  	s10 =	sld [smem:$0x3FAE];
	_ =	sdelay $0x3  }
0x36: {  	p1 =	seq.s32 s10, $0x1;
	s10 =	sld [smem:$0x3FAF];
	_ =	sdelay $0x3  }
0x37: {  	[smem:$0x3FAF] =	sst s10  }
0x38: {  	s10 =	sld [smem:$0x3FB0]  }
0x39: {  	_ = 	snop;
	(pc) =	sbr.ind lr, $3  }
0x3a: {  	_ = 	snop  }
0x3b: {  	_ = 	snop  }
0x3c: {  	p2 =	seq.s32 s10, $0x1;
	s10 =	sld [smem:$0x3FAF]  }
0x3d: {  	_ =	shalt  }
0x3e: {  	_ =	shalt  }
0x3f: {  	_ =	shalt  }
0x40: {  	_ =	shalt  }
0x41: {  	_ =	shalt  }
0x42: {  	_ =	shalt  }
0x43: {  	_ =	shalt  }
0x44: {  	_ =	shalt  }
0x45: {  	_ =	shalt  }
0x46: {  	_ =	shalt  }
0x47: {  	_ =	shalt  }
0x48: {  	_ =	shalt  }
0x49: {  	_ =	shalt  }
0x4a: {  	_ =	shalt  }
0x4b: {  	_ =	shalt  }
0x4c: {  	_ =	shalt  }
0x4d: {  	_ =	shalt  }
0x4e: {  	_ =	shalt  }
0x4f: {  	_ =	shalt  }
0x50: {  	_ =	shalt  }
0x51: {  	_ =	shalt  }
0x52: {  	_ =	shalt  }
0x53: {  	_ =	shalt  }
0x54: {  	_ =	shalt  }
0x55: {  	_ =	shalt  }
0x56: {  	_ =	shalt  }
0x57: {  	_ =	shalt  }
0x58: {  	_ =	shalt  }
0x59: {  	_ =	shalt  }
0x5a: {  	_ =	shalt  }
0x5b: {  	_ =	shalt  }
0x5c: {  	_ =	shalt  }
0x5d: {  	_ =	shalt  }
0x5e: {  	_ =	shalt  }
0x5f: {  	_ =	shalt  }
0x60: {  	_ =	shalt  }
0x61: {  	_ =	shalt  }
0x62: {  	_ =	shalt  }
0x63: {  	_ =	shalt  }
0x64: {  	_ =	shalt  }
0x65: {  	_ =	shalt  }
0x66: {  	_ =	shalt  }
0x67: {  	_ =	shalt  }
0x68: {  	_ =	shalt  }
0x69: {  	_ =	shalt  }
0x6a: {  	_ =	shalt  }
0x6b: {  	_ =	shalt  }
0x6c: {  	_ =	shalt  }
0x6d: {  	_ =	shalt  }
0x6e: {  	_ =	shalt  }
0x6f: {  	_ =	shalt  }
0x70: {  	_ =	shalt  }
0x71: {  	_ =	shalt  }
0x72: {  	_ =	shalt  }
0x73: {  	_ =	shalt  }
0x74: {  	_ =	shalt  }
0x75: {  	_ =	shalt  }
0x76: {  	_ =	shalt  }
0x77: {  	_ =	shalt  }
0x78: {  	_ =	shalt  }
0x79: {  	_ =	shalt  }
0x7a: {  	_ =	shalt  }
0x7b: {  	_ =	shalt  }
0x7c: {  	_ =	shalt  }
0x7d: {  	_ =	shalt  }
0x7e: {  	_ =	shalt  }
0x7f: {  	_ =	shalt  }
0x80: {  	_ =	shalt  }
0x81: {  	_ =	shalt  }
0x82: {  	_ =	shalt  }
0x83: {  	_ =	shalt  }
0x84: {  	_ =	shalt  }
0x85: {  	_ =	shalt  }
0x86: {  	_ =	shalt  }
0x87: {  	_ =	shalt  }
.Lfunc_end0:
.L_simem_size_0:
called_computation_lowered:
.L_overlay_start_0:
0x88: {  	s2 =	sld [smem:$0x3FD9]  }
0x89: {  	s3 =	sld [smem:$0x3FFE];
	_ =	sdelay $0x1  }
0x8a: {  	s1 =	srdreg.scid  }
0x8b: {  	s0 =	sand.u32 $0x1, s1  }
0x8c: {  	s15 =	sshll.u32 s0, $0xA;
	s2 =	sadd.s32 s3, s2  }
0x8d: {  	s2 =	sadd.s32 s2, s15  }
0x8e: {  	[smem:$0x3FBB] =	sst s2  }
0x8f: {  	_ = 	snop  }
0x90: {  	s2 =	sld [smem:$0x3FD0];
	_ =	sdelay $0x2  }
0x91: {  	s4 =	simm.s32 $0xB;
	s16 =	simm.s32 $0x10  }
0x92: {  	[smem:s16], [sflag:s4] =	dma.local [hbm:s2], $0x1  }
0x93: {  	_ =	swait.eq [sflag:s4], $0x1  }
0x94: {  	[sflag:s4] =	ssyncset.done $0x0  }
0x95: {  	s17 =	sld [smem:$0x10];
	[sflag:s4] =	ssyncadd.s32 $0xFFFFFFFF  }
0x96: {  	s18 =	sld [smem:$0x11];
	(tm) =	ssettm $0x1  }
0x97: {  	s19 =	sld [smem:$0x3FFB];
	_ =	sdelay $0x3  }
0x98: {  	_ =	strace s19  }
0x99: {  	s2 =	sld [smem:$0x3FFC];
	_ =	sdelay $0x3  }
0x9a: {  	_ =	strace s2  }
0x9b: {  	s2 =	sld [smem:$0x3FFD];
	_ =	sdelay $0x3  }
0x9c: {  	_ =	strace s2  }
0x9d: {  	_ =	strace $0x8FFFFFFF  }
0x9e: {  	s20 =	sld [smem:$0x3FDB];
	_ =	sdelay $0x1  }
0x9f: {  	s5 =	simm.s32 $_scs_section_size  }
0xa0: {  	s6 =	simm.s32 $_size__tile_overlayer_lowered;
	s7 =	simm.s32 $_tile_overlayer_lowered  }
0xa1: {  	s8 =	simm.s32 $0x1BFF;
	s21 =	sshll.u32 s7, $0x1;
	s5 =	sadd.s32 s5, s20  }
0xa2: {  	s22 =	simm.s32 $0x0;
	s6 =	sshll.u32 s6, $0x1;
	s7 =	sadd.s32 s21, s5  }
0xa3: {  	[timem:s22], [sflag:s8] =	dma.local [hbm:s7], s6  }
0xa4: {  	_ =	swait.ge [sflag:s8], s6  }
0xa5: {  	s6 =	ssub.s32 $0x0, s6;
	[sflag:s8] =	ssyncset.done $0x0  }
0xa6: {  	[sflag:s8] =	ssyncadd.s32 s6;
	_ =	sdelay $0x1  }
0xa7: {  	s23 =	simm.s32 $0x1B8B  }
0xa8: {  	_ =	swait.ge [sflag:s23], $0x1  }
0xa9: {  	[sflag:s23] =	ssyncset.done $0x0  }
0xaa: {  	[sflag:s23] =	ssyncadd.s32 $0xFFFFFFFF  }
0xab: {  	s6 =	sld [smem:$0x0]  }
0xac: {  	s7 =	sand.u32 $0xFFFFFFFE, s1  }
0xad: {  	p0 =	sne.s32 s1, s7  }
0xae: {  	s7 =	sshll.u32 @p0 s7, $0xE  }
0xaf: {  	s7 =	sadd.s32 @p0 $0x11B8D, s7;
	s8 =	sshll.u32 @p0 s6, $0x11  }
0xb0: {  	s7 =	sor.u32 @p0 s8, s7  }
0xb1: {  	[sflag:s7] =	ssyncadd.remote.s32 @p0 $0x1;
	_ =	sdelay $0x1  }
0xb2: {  	s7 =	simm.s32 @p0 $0x1B8D  }
0xb3: {  	_ =	swait.eq @p0 [sflag:s7], $0x1  }
0xb4: {  	[sflag:s7] =	ssyncadd.s32 @p0 $0xFFFFFFFF  }
0xb5: {  	s8 =	sshll.u32 @!p0 s1, $0xE  }
0xb6: {  	s8 =	sor.u32 @!p0 $0x4000, s8;
	s7 =	simm.s32 @!p0 $0x1B8D  }
0xb7: {  	s6 =	sshll.u32 @!p0 s6, $0x11;
	s8 =	sadd.s32 @!p0 $0x11B8D, s8;
	_ =	swait.eq @!p0 [sflag:s7], $0x1  }
0xb8: {  	s6 =	sor.u32 @!p0 s6, s8;
	[sflag:s7] =	ssyncadd.s32 @!p0 $0xFFFFFFFF  }
0xb9: {  	s25 =	simm.s32 $0x1B8E;
	s24 =	sld [smem:$0x3FFE];
	[sflag:s6] =	ssyncadd.remote.s32 @!p0 $0x1  }
0xba: {  	s26 =	simm.s32 $execute0_lowered;
	[smem:$0x3FD2] =	sst s25  }
0xbb: {  	s7 =	sshll.u32 s26, $0x1;
	_ =	strace $0x80000049;
	[dreg:$0x1] =	wrdreg $0xFFFFFFFF  }
0xbc: {  	s28 =	simm.s32 $_size_execute0_lowered;
	s5 =	sadd.s32 s5, s7;
	[dreg:$0x0] =	wrdreg $0x0  }
0xbd: {  	s7 =	sshll.u32 s28, $0x1;
	[dreg:$0x2] =	wrdreg s5  }
0xbe: {  	[dreg:$0x3] =	wrdreg s7  }
0xbf: {  	[dreg:$0x4] =	wrdreg $0xC0  }
0xc0: {  	_ =	task [dreg:s22], $0x5FFFF  }
0xc1: {  	[dreg:$0x1] =	wrdreg $0xFFFFFFFF  }
0xc2: {  	[dreg:$0x0] =	wrdreg $0x60  }
0xc3: {  	[dreg:$0x2] =	wrdreg s18  }
0xc4: {  	[dreg:$0x3] =	wrdreg s24  }
0xc5: {  	[dreg:$0x4] =	wrdreg s17  }
0xc6: {  	[dreg:$0x5] =	wrdreg $0xB7800  }
0xc7: {  	[dreg:$0x6] =	wrdreg $0x9  }
0xc8: {  	_ =	task.clear_ibuf [dreg:s22], $0x7FFFF;
	_ =	strace $0x90000049  }
0xc9: {  	s29 =	simm.s32 $0x9;
	_ =	strace $0x8000004B  }
0xca: {  	_ =	swait.ge [sflag:s29], $0x1  }
0xcb: {  	[sflag:s29] =	ssyncadd.s32 $0xFFFFFFFF  }
0xcc: {  	_ =	strace $0x9000004B  }
0xcd: {  	_ =	sfence  }
0xce: {  	s30 =	sld [smem:$0x0];
	_ =	sdelay $0x2  }
0xcf: {  	s31 =	sshll.u32 s1, $0xD;
	s1 =	sshrl.u32 s1, $0x2  }
0xd0: {  	s4 =	sand.u32 $0x4000, s31;
	s1 =	sadd.s32 s1, s30  }
0xd1: {  	s0 =	sor.u32 s4, s0;
	s1 =	sshll.u32 s1, $0x11  }
0xd2: {  	s0 =	sor.u32 s1, s0  }
0xd3: {  	s0 =	sadd.s32 $0x8F2B, s0  }
0xd4: {  	[sflag:s0] =	ssyncadd.remote.s32 $0x1  }
0xd5: {  	_ =	sfence.sel $0xFFFF  }
0xd6: {  	[dreg:$0x0] =	wrdreg $0xFFFFFFFF;
	(pc) =	sbr.abs _section_cstart, $3  }
0xd7: {  	[dreg:$0x1] =	wrdreg $0xFFFFFFFF  }
0xd8: {  	_ =	task.clear_ibuf [dreg:s22], $0x2FFFF;
	_ =	strace $0x9FFFFFFF  }
0xd9: {  	(tm) =	ssettm $0x7FFFFFFF  }
tec
execute0_lowered:
.L_overlay_start_1:
0x0: {  	(tag) =	ssettag $0x1  }
0x1: {  	s1 =	rddreg [dreg:$0x0]  }
0x2: {  	s0 =	srdreg.scid;
	s6 =	rddreg [dreg:$0x1]  }
0x3: {  	s26 =	stileid.u32;
	s7 =	rddreg [dreg:$0x2]  }
0x4: {  	s3 =	rddreg [dreg:$0x3];
	s17 =	simm.s32 $0x80;
	s18 =	simm.s32 $0x400  }
0x5: {  	s19 =	simm.s32 $0x3;
	s20 =	simm.s32 $0x2780;
	s21 =	simm.s32 $0x6780  }
0x6: {  	s22 =	simm.s32 $0x50;
	s23 =	simm.s32 $0x1;
	s24 =	simm.s32 $0x8F80  }
0x7: {  	s25 =	simm.s32 $0x2;
	s28 =	simm.s32 $0x0;
	s29 =	smul.u32 $0x14000, s26  }
0x8: {  	s5 =	sand.u32 $0x1, s0;
	s10 =	sshll.u32 s26, $0x7;
	s30 =	smul.u32 $0x50000, s26  }
0x9: {  	s2 =	sshll.u32 s5, $0x4;
	s11 =	smul.u32 $0x140000, s5;
	s5 =	ssub.s32 $0x2, s5  }
0xa: {  	s10 =	sand.u32 $0x380, s10;
	s8 =	sor.u32 s26, s2;
	s12 =	sshrl.u32 s5, $0x1  }
0xb: {  	s31 =	sshrl.u32 s30, $0x2;
	s26 =	simm.s32 $0x6580;
	s4 =	sshrl.u32 s8, $0x3  }
0xc: {  	s16 =	ssub.s32 s5, s12;
	s8 =	sshll.u32 s8, $0xB;
	s9 =	smul.u32 $0x13C00, s4  }
0xd: {  	s4 =	simm.s32 $0x0;
	s7 =	sadd.s32 s7, s8;
	s16 =	smax.u32 s16, $0x1  }
0xe: {  	[smem:$0x7FF] =	sst s4;
	s9 =	sor.u32 s10, s9;
	s10 =	sadd.s32 s29, s11  }
0xf: {  	_ =	strace $0x8000004A;
	s9 =	sshrl.u32 s9, $0x3;
	s10 =	sshrl.u32 s10, $0x3  }
0x10: {  	s9 =	sadd.s32 s9, s6;
	s15 =	sadd.s32 s10, s6;
	s6 =	sadd.s32 s31, s3  }
0x11: {  	s5 =	sadd.s32 $0x3600, s9;
	s8 =	sadd.s32 $0x2800, s6;
	s9 =	sadd.s32 $0x5000, s6  }
0x12: {  	s10 =	sadd.s32 $0x7800, s6;
	s11 =	sadd.s32 $0xA000, s6;
	s12 =	sadd.s32 $0xC800, s6  }
0x13: {  	v0 =	vimm.f32 $0.0e+00;
	s13 =	sadd.s32 $0xF000, s6;
	s14 =	sadd.s32 $0x11800, s6;
	s15 =	sadd.s32 $0xD400, s15  }
.LBB2_1:
0x14: {  	[tilespmem:s4], [sflag:$0x3] =	stream.strided.gather [hbm4b:s5+s17], $0x2780, s18, s17, $0x38;
	[tilespmem:$0x1F780] =	vst v63  }
0x15: {  	_ =	swait.ge [sflag:s19], $0x2780  }
0x16: {  	[sflag:s19] =	ssyncset.done $0x0  }
0x17: {  	[sflag:s19] =	ssyncadd.s32 $0xFFFFD880  }
0x18: {  	[tilespmem:s20], [sflag:$0x3] =	stream.linear.gather [hbm4b:s7+s4], $0x3E80, $0x38;
	[tilespmem:$0x1F780] =	vst v63  }
0x19: {  	_ =	swait.ge [sflag:s19], $0x3E80  }
0x1a: {  	[sflag:s19] =	ssyncset.done $0x0  }
0x1b: {  	s29 =	simm.s32 $0x0;
	s30 =	simm.s32 $0x200;
	[sflag:s19] =	ssyncadd.s32 $0xFFFFC180  }
.LBB2_2:
0x1c: {  	p0 =	sne.s32 s30, $0x9E00;
	[tilespmem:s29+$0x67F0] =	vst v0  }
0x1d: {  	[tilespmem:s29+$0x6780] =	vst v0  }
0x1e: {  	[tilespmem:s29+$0x6790] =	vst v0  }
.Ltmp0:
0x1f: {  	[tilespmem:s29+$0x67A0] =	vst v0;
	(pc) =	sbr.rel @p0 .LBB2_2-.Ltmp0, $4  }
0x20: {  	[tilespmem:s29+$0x67B0] =	vst v0  }
0x21: {  	[tilespmem:s29+$0x67C0] =	vst v0  }
0x22: {  	[tilespmem:s29+$0x67D0] =	vst v0  }
0x23: {  	[tilespmem:s29+$0x67E0] =	vst v0;
	s29 =	sshra.s32 s30, $0x2;
	s30 =	sadd.s32 $0x200, s30  }
0x24: {  	[tilespmem:s29+$0x67F0] =	vst v0  }
0x25: {  	[tilespmem:s29+$0x6780] =	vst v0  }
0x26: {  	[tilespmem:s29+$0x6790] =	vst v0  }
0x27: {  	[tilespmem:s29+$0x67A0] =	vst v0  }
0x28: {  	[tilespmem:s29+$0x67B0] =	vst v0  }
0x29: {  	[tilespmem:s29+$0x67C0] =	vst v0  }
0x2a: {  	[tilespmem:s29+$0x67D0] =	vst v0  }
0x2b: {  	[tilespmem:s29+$0x67E0] =	vst v0  }
0x2c: {  	[spmem:s6] =	stream.linear.scatter [tilespmem:s21], [sflag:$0x3], $0x2800, $0x38;
	[tilespmem:$0x1F780] =	vst v63  }
0x2d: {  	_ =	swait.ge [sflag:s19], $0x2800  }
0x2e: {  	[sflag:s19] =	ssyncset.done $0x0  }
0x2f: {  	[sflag:s19] =	ssyncadd.s32 $0xFFFFD800  }
0x30: {  	[spmem:s8] =	stream.linear.scatter [tilespmem:s21], [sflag:$0x3], $0x2800, $0x38;
	[tilespmem:$0x1F780] =	vst v63  }
0x31: {  	_ =	swait.ge [sflag:s19], $0x2800  }
0x32: {  	[sflag:s19] =	ssyncset.done $0x0  }
0x33: {  	[sflag:s19] =	ssyncadd.s32 $0xFFFFD800  }
0x34: {  	[spmem:s9] =	stream.linear.scatter [tilespmem:s21], [sflag:$0x3], $0x2800, $0x38;
	[tilespmem:$0x1F780] =	vst v63  }
0x35: {  	_ =	swait.ge [sflag:s19], $0x2800  }
0x36: {  	[sflag:s19] =	ssyncset.done $0x0  }
0x37: {  	[sflag:s19] =	ssyncadd.s32 $0xFFFFD800  }
0x38: {  	[spmem:s10] =	stream.linear.scatter [tilespmem:s21], [sflag:$0x3], $0x2800, $0x38;
	[tilespmem:$0x1F780] =	vst v63  }
0x39: {  	_ =	swait.ge [sflag:s19], $0x2800  }
0x3a: {  	[sflag:s19] =	ssyncset.done $0x0  }
0x3b: {  	[sflag:s19] =	ssyncadd.s32 $0xFFFFD800  }
0x3c: {  	[spmem:s11] =	stream.linear.scatter [tilespmem:s21], [sflag:$0x3], $0x2800, $0x38;
	[tilespmem:$0x1F780] =	vst v63  }
0x3d: {  	_ =	swait.ge [sflag:s19], $0x2800  }
0x3e: {  	[sflag:s19] =	ssyncset.done $0x0  }
0x3f: {  	[sflag:s19] =	ssyncadd.s32 $0xFFFFD800  }
0x40: {  	[spmem:s12] =	stream.linear.scatter [tilespmem:s21], [sflag:$0x3], $0x2800, $0x38;
	[tilespmem:$0x1F780] =	vst v63  }
0x41: {  	_ =	swait.ge [sflag:s19], $0x2800  }
0x42: {  	[sflag:s19] =	ssyncset.done $0x0  }
0x43: {  	[sflag:s19] =	ssyncadd.s32 $0xFFFFD800  }
0x44: {  	[spmem:s13] =	stream.linear.scatter [tilespmem:s21], [sflag:$0x3], $0x2800, $0x38;
	[tilespmem:$0x1F780] =	vst v63  }
0x45: {  	_ =	swait.ge [sflag:s19], $0x2800  }
0x46: {  	[sflag:s19] =	ssyncset.done $0x0  }
0x47: {  	[sflag:s19] =	ssyncadd.s32 $0xFFFFD800  }
0x48: {  	[spmem:s14] =	stream.linear.scatter [tilespmem:s21], [sflag:$0x3], $0x2800, $0x38;
	[tilespmem:$0x1F780] =	vst v63  }
0x49: {  	_ =	swait.ge [sflag:s19], $0x2800  }
0x4a: {  	[sflag:s19] =	ssyncset.done $0x0  }
0x4b: {  	[sflag:s19] =	ssyncadd.s32 $0xFFFFD800  }
0x4c: {  	s29 =	simm.s32 $0x0;
	[bflag:$0x0] =	sbarrier.arrive $0xFFFF  }
0x4d: {  	[tilespmem:s21], [sflag:$0x1] =	stream.indirect.gather [hbm4b:s1+s22], $0x80, s29, s22, $0xb8;
	[tilespmem:$0x1F780] =	vst v63  }
0x4e: {  	_ =	swait.ge [sflag:s23], $0x2800  }
0x4f: {  	[sflag:s23] =	ssyncset.done $0x0  }
0x50: {  	s29 =	simm.s32 $0x50;
	[sflag:s23] =	ssyncadd.s32 $0xFFFFD800  }
0x51: {  	[tilespmem:s24], [sflag:$0x2] =	stream.indirect.gather [hbm4b:s1+s22], $0x80, s29, s22, $0xb8;
	[tilespmem:$0x1F780] =	vst v63  }
0x52: {  	s29 =	simm.s32 $0x2780  }
0x53: {  	[spmem:s3] =	stream.indirect.scatter.add.f32 [tilespmem:s21], [sflag:$0x3], $0x80, s29, s22, $0xb8;
	[tilespmem:$0x1F780] =	vst v63  }
0x54: {  	_ =	swait.ge [sflag:s19], $0x2800  }
0x55: {  	[sflag:s19] =	ssyncset.done $0x0  }
0x56: {  	[sflag:s19] =	ssyncadd.s32 $0xFFFFD800  }
0x57: {  	_ =	swait.ge [sflag:s25], $0x2800  }
0x58: {  	[sflag:s25] =	ssyncset.done $0x0  }
0x59: {  	s29 =	simm.s32 $0xA0;
	[sflag:s25] =	ssyncadd.s32 $0xFFFFD800  }
0x5a: {  	[tilespmem:s21], [sflag:$0x1] =	stream.indirect.gather [hbm4b:s1+s22], $0x80, s29, s22, $0xb8;
	[tilespmem:$0x1F780] =	vst v63  }
0x5b: {  	s29 =	simm.s32 $0x2800  }
0x5c: {  	[spmem:s3] =	stream.indirect.scatter.add.f32 [tilespmem:s24], [sflag:$0x3], $0x80, s29, s22, $0xb8;
	[tilespmem:$0x1F780] =	vst v63  }
0x5d: {  	_ =	swait.ge [sflag:s19], $0x2800  }
0x5e: {  	[sflag:s19] =	ssyncset.done $0x0  }
0x5f: {  	[sflag:s19] =	ssyncadd.s32 $0xFFFFD800  }
0x60: {  	s30 =	simm.s32 $0x400;
	_ =	swait.ge [sflag:s23], $0x2800  }
0x61: {  	s31 =	simm.s32 $0x800;
	s29 =	simm.s32 $0x140;
	[sflag:s23] =	ssyncset.done $0x0  }
.LBB2_4:
0x62: {  	s2 =	sadd.s32 $0xFFFFFFB0, s29  }
0x63: {  	s0 =	sshra.s32 s30, $0x2;
	[sflag:s23] =	ssyncadd.s32 $0xFFFFD800;
	s30 =	smov.u32 s31  }
0x64: {  	[tilespmem:s24], [sflag:$0x2] =	stream.indirect.gather [hbm4b:s1+s22], $0x80, s2, s22, $0xb8;
	[tilespmem:$0x1F780] =	vst v63  }
0x65: {  	p0 =	sne.s32 s31, $0xF400;
	s31 =	sadd.s32 $0x400, s31;
	s2 =	sadd.s32 $0x2780, s0  }
0x66: {  	[spmem:s3] =	stream.indirect.scatter.add.f32 [tilespmem:s21], [sflag:$0x3], $0x80, s2, s22, $0xb8;
	[tilespmem:$0x1F780] =	vst v63  }
0x67: {  	_ =	swait.ge [sflag:s19], $0x2800  }
0x68: {  	[sflag:s19] =	ssyncset.done $0x0  }
0x69: {  	[sflag:s19] =	ssyncadd.s32 $0xFFFFD800  }
0x6a: {  	_ =	swait.ge [sflag:s25], $0x2800  }
0x6b: {  	[sflag:s25] =	ssyncset.done $0x0  }
0x6c: {  	[sflag:s25] =	ssyncadd.s32 $0xFFFFD800  }
0x6d: {  	[tilespmem:s21], [sflag:$0x1] =	stream.indirect.gather [hbm4b:s1+s22], $0x80, s29, s22, $0xb8;
	[tilespmem:$0x1F780] =	vst v63  }
0x6e: {  	s0 =	sadd.s32 $0x2800, s0  }
0x6f: {  	[spmem:s3] =	stream.indirect.scatter.add.f32 [tilespmem:s24], [sflag:$0x3], $0x80, s0, s22, $0xb8;
	[tilespmem:$0x1F780] =	vst v63  }
.Ltmp1:
0x70: {  	_ =	swait.ge [sflag:s19], $0x2800;
	(pc) =	sbr.rel @p0 .LBB2_4-.Ltmp1, $4  }
0x71: {  	[sflag:s19] =	ssyncset.done $0x0  }
0x72: {  	[sflag:s19] =	ssyncadd.s32 $0xFFFFD800  }
0x73: {  	_ =	swait.ge [sflag:s23], $0x2800  }
0x74: {  	s29 =	sadd.s32 $0xA0, s29;
	[sflag:s23] =	ssyncset.done $0x0  }
0x75: {  	s0 =	sadd.s32 $0xFFFFFFB0, s29;
	s2 =	sshra.s32 s30, $0x2;
	[sflag:s23] =	ssyncadd.s32 $0xFFFFD800  }
0x76: {  	[tilespmem:s24], [sflag:$0x2] =	stream.indirect.gather [hbm4b:s1+s22], $0x80, s0, s22, $0xb8;
	[tilespmem:$0x1F780] =	vst v63  }
0x77: {  	s31 =	sadd.s32 $0x2780, s2  }
0x78: {  	[spmem:s3] =	stream.indirect.scatter.add.f32 [tilespmem:s21], [sflag:$0x3], $0x80, s31, s22, $0xb8;
	[tilespmem:$0x1F780] =	vst v63  }
0x79: {  	_ =	swait.ge [sflag:s19], $0x2800  }
0x7a: {  	[sflag:s19] =	ssyncset.done $0x0  }
0x7b: {  	[sflag:s19] =	ssyncadd.s32 $0xFFFFD800  }
0x7c: {  	_ =	swait.ge [sflag:s25], $0x2800  }
0x7d: {  	[sflag:s25] =	ssyncset.done $0x0  }
0x7e: {  	[sflag:s25] =	ssyncadd.s32 $0xFFFFD800  }
0x7f: {  	[tilespmem:s21], [sflag:$0x1] =	stream.indirect.gather [hbm4b:s1+s22], $0x80, s29, s22, $0xb8;
	[tilespmem:$0x1F780] =	vst v63  }
0x80: {  	s29 =	sadd.s32 $0x2800, s2  }
0x81: {  	[spmem:s3] =	stream.indirect.scatter.add.f32 [tilespmem:s24], [sflag:$0x3], $0x80, s29, s22, $0xb8;
	[tilespmem:$0x1F780] =	vst v63  }
0x82: {  	_ =	swait.ge [sflag:s19], $0x2800  }
0x83: {  	[sflag:s19] =	ssyncset.done $0x0  }
0x84: {  	[sflag:s19] =	ssyncadd.s32 $0xFFFFD800  }
0x85: {  	_ =	swait.ge [sflag:s23], $0x2800  }
0x86: {  	[sflag:s23] =	ssyncset.done $0x0  }
0x87: {  	[sflag:s23] =	ssyncadd.s32 $0xFFFFD800  }
0x88: {  	[spmem:s3] =	stream.indirect.scatter.add.f32 [tilespmem:s21], [sflag:$0x3], $0x80, s26, s22, $0xb8;
	[tilespmem:$0x1F780] =	vst v63  }
0x89: {  	s30 =	stileid.u32;
	_ =	swait.ge [sflag:s19], $0x2800  }
0x8a: {  	s28 =	sadd.s32 $0x1, s28;
	s0 =	sshll.u32 s30, $0x6;
	[sflag:s19] =	ssyncset.done $0x0  }
0x8b: {  	p0 =	sne.s32 s28, s16;
	s0 =	sor.u32 $0x1C03, s0;
	[sflag:s19] =	ssyncadd.s32 $0xFFFFD800  }
.Ltmp2:
0x8c: {  	s31 =	sshrl.u32 s6, $0x3;
	[bflag:$0x0] =	sbarrier.arrive $0xFFFF;
	(pc) =	sbr.rel @p0 .LBB2_1-.Ltmp2, $4  }
0x8d: {  	[hbm:s15], [sflag:s0] =	dma.local [spmem:s31], $0x2800  }
0x8e: {  	_ =	swait.ge [sflag:s19], $0x2800  }
0x8f: {  	[sflag:s19] =	ssyncset.done $0x0  }
0x90: {  	[sflag:s19] =	ssyncadd.s32 $0xFFFFD800  }
0x91: {  	_ =	sfence.sel $0x180000  }
0x92: {  	[bflag:$0x0] =	sbarrier.arrive $0xFFFF  }
0x93: {  	_ =	strace $0x9000004A  }
0x94: {  	s0 =	stileid.u32;
	[bflag:$0x2] =	sbarrier.arrive $0xFFFF  }
0x95: {  	p0 =	sne.s32 s0, $0x0;
	s0 =	rddreg [dreg:$0x4]  }
0x96: {  	s0 =	sadd.s32 @!p0 $0x100000, s0  }
0x97: {  	[sflag:s0] =	ssyncadd.tile.s32 @!p0 $0x1;
	_ =	shalt  }
.Lfunc_end2:
_tile_overlayer_lowered:
.L_overlay_start_2:
0x98: {  	(tag) =	ssettag $0x2  }
0x99: {  	s0 =	rddreg [dreg:$0x0];
	s2 =	stileid.u32  }
0x9a: {  	s1 =	rddreg [dreg:$0x1];
	p0 =	sne.s32 s2, $0x0  }
0x9b: {  	s3 =	rddreg [dreg:$0x2];
	[bflag:$0x3] =	sbarrier.arrive $0xFFFF;
	s2 =	simm.s32 @!p0 $0x1C03  }
0x9c: {  	[timem:s3], [sflag:s2] =	dma.local @!p0 [hbm:s0], s1  }
0x9d: {  	s0 =	simm.s32 @!p0 $0x3  }
0x9e: {  	_ =	swait.ge @!p0 [sflag:s0], s1  }
0x9f: {  	s1 =	ssub.s32 @!p0 $0x0, s1;
	[sflag:s0] =	ssyncset.done @!p0 $0x0  }
0xa0: {  	[sflag:s0] =	ssyncadd.s32 @!p0 s1  }
0xa1: {  	[bflag:$0x3] =	sbarrier.arrive $0xFFFF  }
0xa2: {  	_ =	shalt  }

</sc_bundles>
